<compile_context>
chip_gen: v7x
topology: tpu7x:2x2x1
jax: 0.10.2.dev20260603
libtpu: 0.0.44.dev20260713+nightly
codegen_flags: <defaults>
</compile_context>

<pallas_src>
import jax
import jax.numpy as jnp
from jax import lax
from jax.experimental import pallas as pl
from jax.experimental.pallas import tpu as pltpu
from jax.experimental.pallas import tpu_sc as plsc

N = 2097152
N_CLASSES = 32
NC = 2
NS = 16
NW = NC * NS
PER_W = N // NW
CN = 512
NCHUNKS = PER_W // CN
NBUF = 4
LANES = 16
UNROLL = 4


def _body(in_hbm, out_hbm, *scr):
    in_vs = scr[0:NBUF]
    bin_vs = scr[NBUF:2 * NBUF]
    out_vs = scr[2 * NBUF:3 * NBUF]
    isems = scr[3 * NBUF:4 * NBUF]
    osems = scr[4 * NBUF:5 * NBUF]

    wid = lax.axis_index("s") * NC + lax.axis_index("c")
    base = wid * PER_W
    lane = lax.iota(jnp.int32, LANES)
    ones = jnp.full((LANES,), 1.0, jnp.float32)
    zeros = jnp.zeros((LANES,), jnp.float32)

    def zero(b):
        def body(i, c):
            for r in range(N_CLASSES):
                out_vs[b][r, pl.ds(i * LANES, LANES)] = zeros
            return c

        lax.fori_loop(0, CN // LANES, body, 0)

    def start_in(k, b):
        kk = lax.rem(k, NCHUNKS) if not isinstance(k, int) else k % NCHUNKS
        pltpu.async_copy(in_hbm.at[pl.ds(base + kk * CN, CN)], in_vs[b], isems[b])

    def wait_in(b):
        pltpu.make_async_copy(in_hbm.at[pl.ds(base, CN)], in_vs[b], isems[b]).wait()

    def wait_out(b):
        pltpu.make_async_copy(
            out_vs[b], out_hbm.at[:, pl.ds(base, CN)], osems[b]
        ).wait()

    def start_out(k, b):
        pltpu.async_copy(out_vs[b], out_hbm.at[:, pl.ds(base + k * CN, CN)], osems[b])

    def fill(b):
        def body(j, c):
            for u in range(UNROLL):
                o = j * (LANES * UNROLL) + u * LANES
                x = in_vs[b][pl.ds(o, LANES)]
                idx = (x * 32.0).astype(jnp.int32)
                col = o + lane
                bin_vs[b][pl.ds(o, LANES)] = idx
                plsc.store_scatter(out_vs[b], [idx, col], ones)
            return c

        lax.fori_loop(0, CN // (LANES * UNROLL), body, 0)

    def clear(b):
        def body(j, c):
            for u in range(UNROLL):
                o = j * (LANES * UNROLL) + u * LANES
                idx = bin_vs[b][pl.ds(o, LANES)]
                col = o + lane
                plsc.store_scatter(out_vs[b], [idx, col], zeros)
            return c

        lax.fori_loop(0, CN // (LANES * UNROLL), body, 0)

    for b in range(NBUF):
        start_in(b, b)

    for b in range(NBUF):
        zero(b)
        wait_in(b)
        fill(b)
        start_out(b, b)
        start_in(b + NBUF, b)

    def group(g, c):
        for b in range(NBUF):
            k = NBUF * g + b
            wait_in(b)
            wait_out(b)
            clear(b)
            fill(b)
            start_out(k, b)
            start_in(k + NBUF, b)
        return c

    lax.fori_loop(1, NCHUNKS // NBUF, group, 0)

    for b in range(NBUF):
        wait_in(b)
        wait_out(b)


def kernel(inputs):
    mesh = plsc.VectorSubcoreMesh(core_axis_name="c", subcore_axis_name="s")
    f = pl.kernel(
        _body,
        mesh=mesh,
        out_type=jax.ShapeDtypeStruct((N_CLASSES, N), jnp.float32),
        compiler_params=pltpu.CompilerParams(
            needs_layout_passes=False, use_tc_tiling_on_sc=True
        ),
        scratch_types=(
            [pltpu.VMEM((CN,), jnp.float32) for _ in range(NBUF)]
            + [pltpu.VMEM((CN,), jnp.int32) for _ in range(NBUF)]
            + [pltpu.VMEM((N_CLASSES, CN), jnp.float32) for _ in range(NBUF)]
            + [pltpu.SemaphoreType.DMA for _ in range(2 * NBUF)]
        ),
    )
    return jnp.transpose(f(inputs))

# --- scband reference (transcript-rebuilt; emitter-appended) ---
"""Pipeline reference for scband-one-hot-transform-13228499271726 (READ-ONLY COPY).

The authoritative reference and input builder live on the scoring server;
editing this copy changes nothing except your own understanding.
"""

import jax, jax.numpy as jnp
import numpy as np

N = 2097152
N_CLASSES = 32

def setup_inputs(seed: int = 0) -> dict:
    key = jax.random.key(seed)
    inputs = jax.random.uniform(key, (N,), dtype=jnp.float32)
    return {"inputs": inputs}

def reference(inputs):
    borders = jnp.array([i / 32.0 for i in range(33)], dtype=jnp.float32)
    bin_size = borders[1] - borders[0]
    low = jnp.min(borders)
    adjusted = (inputs - low) / bin_size
    indices = adjusted.astype(jnp.int32)
    return jax.nn.one_hot(indices, N_CLASSES, dtype=jnp.float32)

if __name__ == "__main__":
    import jax
    _d = setup_inputs()
    print(jax.jit(kernel)(*tuple(_d.values())))

</pallas_src>

<mosaic_0001>
#map = affine_map<(d0, d1) -> (0)>
#map1 = affine_map<(d0, d1) -> (0, 0)>
module attributes {stable_mosaic.version = 14 : i64} {
  func.func @_body(%arg0: i32, %arg1: i32, %arg2: memref<2097152xf32, #tpu.memory_space<hbm>>, %arg3: memref<32x2097152xf32, #tpu.memory_space<hbm>>, %arg4: memref<512xf32, #tpu.memory_space<vmem>>, %arg5: memref<512xf32, #tpu.memory_space<vmem>>, %arg6: memref<512xf32, #tpu.memory_space<vmem>>, %arg7: memref<512xf32, #tpu.memory_space<vmem>>, %arg8: memref<512xi32, #tpu.memory_space<vmem>>, %arg9: memref<512xi32, #tpu.memory_space<vmem>>, %arg10: memref<512xi32, #tpu.memory_space<vmem>>, %arg11: memref<512xi32, #tpu.memory_space<vmem>>, %arg12: memref<32x512xf32, #tpu.memory_space<vmem>>, %arg13: memref<32x512xf32, #tpu.memory_space<vmem>>, %arg14: memref<32x512xf32, #tpu.memory_space<vmem>>, %arg15: memref<32x512xf32, #tpu.memory_space<vmem>>, %arg16: memref<!tpu.dma_semaphore, #tpu.memory_space<semaphore_mem>>, %arg17: memref<!tpu.dma_semaphore, #tpu.memory_space<semaphore_mem>>, %arg18: memref<!tpu.dma_semaphore, #tpu.memory_space<semaphore_mem>>, %arg19: memref<!tpu.dma_semaphore, #tpu.memory_space<semaphore_mem>>, %arg20: memref<!tpu.dma_semaphore, #tpu.memory_space<semaphore_mem>>, %arg21: memref<!tpu.dma_semaphore, #tpu.memory_space<semaphore_mem>>, %arg22: memref<!tpu.dma_semaphore, #tpu.memory_space<semaphore_mem>>, %arg23: memref<!tpu.dma_semaphore, #tpu.memory_space<semaphore_mem>>) attributes {dimension_semantics = [#tpu.dimension_semantics<core_parallel>, #tpu.dimension_semantics<subcore_parallel>], iteration_bounds = array<i64: 2, 16>, scalar_prefetch = 0 : i64, scratch_operands = 20 : i64, tpu.core_type = #tpu.core_type<sc_vector_subcore>, window_params = [{transform_indices = #map}, {transform_indices = #map1}]} {
    %mul3A = arith.constant 2 : i32
    %mul3A_0 = arith.muli %arg1, %mul3A : i32
    %add3A = arith.addi %mul3A_0, %arg0 : i32
    %mul3A_1 = arith.constant 65536 : i32
    %mul3A_2 = arith.muli %add3A, %mul3A_1 : i32
    %iota3A = tpu.iota {dimensions = array<i32: 0>} : vector<16xi32>
    %broadcast_in_dim3A = arith.constant 1.000000e+00 : f32
    %broadcast_in_dim3A_3 = vector.broadcast %broadcast_in_dim3A : f32 to vector<16xf32>
    %broadcast_in_dim3A_4 = arith.constant 0.000000e+00 : f32
    %broadcast_in_dim3A_5 = vector.broadcast %broadcast_in_dim3A_4 : f32 to vector<16xf32>
    %add3A_6 = arith.constant 0 : i32
    %add3A_7 = arith.addi %mul3A_2, %add3A_6 : i32
    %dma_start3A = tpu.memref_slice %arg2[%add3A_7] : memref<2097152xf32, #tpu.memory_space<hbm>> -> memref<512xf32, #tpu.memory_space<hbm>>
    %dma_start3A_8 = tpu.memref_slice %arg2[%add3A_7] : memref<2097152xf32, #tpu.memory_space<hbm>> -> memref<512xf32, #tpu.memory_space<hbm>>
    tpu.enqueue_dma source(%dma_start3A_8 : memref<512xf32, #tpu.memory_space<hbm>>) target(%arg4 : memref<512xf32, #tpu.memory_space<vmem>>) target_semaphore(%arg16 : memref<!tpu.dma_semaphore, #tpu.memory_space<semaphore_mem>>)
    %add3A_9 = arith.constant 512 : i32
    %add3A_10 = arith.addi %mul3A_2, %add3A_9 : i32
    %dma_start3A_11 = tpu.memref_slice %arg2[%add3A_10] : memref<2097152xf32, #tpu.memory_space<hbm>> -> memref<512xf32, #tpu.memory_space<hbm>>
    %dma_start3A_12 = tpu.memref_slice %arg2[%add3A_10] : memref<2097152xf32, #tpu.memory_space<hbm>> -> memref<512xf32, #tpu.memory_space<hbm>>
    tpu.enqueue_dma source(%dma_start3A_12 : memref<512xf32, #tpu.memory_space<hbm>>) target(%arg5 : memref<512xf32, #tpu.memory_space<vmem>>) target_semaphore(%arg17 : memref<!tpu.dma_semaphore, #tpu.memory_space<semaphore_mem>>)
    %add3A_13 = arith.constant 1024 : i32
    %add3A_14 = arith.addi %mul3A_2, %add3A_13 : i32
    %dma_start3A_15 = tpu.memref_slice %arg2[%add3A_14] : memref<2097152xf32, #tpu.memory_space<hbm>> -> memref<512xf32, #tpu.memory_space<hbm>>
    %dma_start3A_16 = tpu.memref_slice %arg2[%add3A_14] : memref<2097152xf32, #tpu.memory_space<hbm>> -> memref<512xf32, #tpu.memory_space<hbm>>
    tpu.enqueue_dma source(%dma_start3A_16 : memref<512xf32, #tpu.memory_space<hbm>>) target(%arg6 : memref<512xf32, #tpu.memory_space<vmem>>) target_semaphore(%arg18 : memref<!tpu.dma_semaphore, #tpu.memory_space<semaphore_mem>>)
    %add3A_17 = arith.constant 1536 : i32
    %add3A_18 = arith.addi %mul3A_2, %add3A_17 : i32
    %dma_start3A_19 = tpu.memref_slice %arg2[%add3A_18] : memref<2097152xf32, #tpu.memory_space<hbm>> -> memref<512xf32, #tpu.memory_space<hbm>>
    %dma_start3A_20 = tpu.memref_slice %arg2[%add3A_18] : memref<2097152xf32, #tpu.memory_space<hbm>> -> memref<512xf32, #tpu.memory_space<hbm>>
    tpu.enqueue_dma source(%dma_start3A_20 : memref<512xf32, #tpu.memory_space<hbm>>) target(%arg7 : memref<512xf32, #tpu.memory_space<vmem>>) target_semaphore(%arg19 : memref<!tpu.dma_semaphore, #tpu.memory_space<semaphore_mem>>)
    %scan3A = arith.constant 0 : i32
    %scan3A_21 = arith.constant 0 : i32
    %scan3A_22 = arith.constant 32 : i32
    %scan3A_23 = arith.addi %scan3A_21, %scan3A_22 : i32
    %scan3A_24 = arith.constant 1 : i32
    scf.for %scan3A_145 = %scan3A_21 to %scan3A_23 step %scan3A_24  : i32 {
      %mul3A_146 = arith.constant 16 : i32
      %mul3A_147 = arith.muli %scan3A_145, %mul3A_146 : i32
      %swap3A = arith.constant 0 : i32
      %swap3A_148 = arith.index_cast %swap3A : i32 to index
      %swap3A_149 = arith.index_cast %mul3A_147 : i32 to index
      %swap3A_150 = tpu.vector_load %arg12[%swap3A_148, %swap3A_149] {strides = array<i32>} : memref<32x512xf32, #tpu.memory_space<vmem>>, vector<16xf32>,
      tpu.vector_store %arg12[%swap3A_148, %swap3A_149], %broadcast_in_dim3A_5 {strides = array<i32>} : memref<32x512xf32, #tpu.memory_space<vmem>>, vector<16xf32>,
      %mul3A_151 = arith.constant 16 : i32
      %mul3A_152 = arith.muli %scan3A_145, %mul3A_151 : i32
      %swap3A_153 = arith.constant 1 : i32
      %swap3A_154 = arith.index_cast %swap3A_153 : i32 to index
      %swap3A_155 = arith.index_cast %mul3A_152 : i32 to index
      %swap3A_156 = tpu.vector_load %arg12[%swap3A_154, %swap3A_155] {strides = array<i32>} : memref<32x512xf32, #tpu.memory_space<vmem>>, vector<16xf32>,
      tpu.vector_store %arg12[%swap3A_154, %swap3A_155], %broadcast_in_dim3A_5 {strides = array<i32>} : memref<32x512xf32, #tpu.memory_space<vmem>>, vector<16xf32>,
      %mul3A_157 = arith.constant 16 : i32
      %mul3A_158 = arith.muli %scan3A_145, %mul3A_157 : i32
      %swap3A_159 = arith.constant 2 : i32
      %swap3A_160 = arith.index_cast %swap3A_159 : i32 to index
      %swap3A_161 = arith.index_cast %mul3A_158 : i32 to index
      %swap3A_162 = tpu.vector_load %arg12[%swap3A_160, %swap3A_161] {strides = array<i32>} : memref<32x512xf32, #tpu.memory_space<vmem>>, vector<16xf32>,
      tpu.vector_store %arg12[%swap3A_160, %swap3A_161], %broadcast_in_dim3A_5 {strides = array<i32>} : memref<32x512xf32, #tpu.memory_space<vmem>>, vector<16xf32>,
      %mul3A_163 = arith.constant 16 : i32
      %mul3A_164 = arith.muli %scan3A_145, %mul3A_163 : i32
      %swap3A_165 = arith.constant 3 : i32
      %swap3A_166 = arith.index_cast %swap3A_165 : i32 to index
      %swap3A_167 = arith.index_cast %mul3A_164 : i32 to index
      %swap3A_168 = tpu.vector_load %arg12[%swap3A_166, %swap3A_167] {strides = array<i32>} : memref<32x512xf32, #tpu.memory_space<vmem>>, vector<16xf32>,
      tpu.vector_store %arg12[%swap3A_166, %swap3A_167], %broadcast_in_dim3A_5 {strides = array<i32>} : memref<32x512xf32, #tpu.memory_space<vmem>>, vector<16xf32>,
      %mul3A_169 = arith.constant 16 : i32
      %mul3A_170 = arith.muli %scan3A_145, %mul3A_169 : i32
      %swap3A_171 = arith.constant 4 : i32
      %swap3A_172 = arith.index_cast %swap3A_171 : i32 to index
      %swap3A_173 = arith.index_cast %mul3A_170 : i32 to index
      %swap3A_174 = tpu.vector_load %arg12[%swap3A_172, %swap3A_173] {strides = array<i32>} : memref<32x512xf32, #tpu.memory_space<vmem>>, vector<16xf32>,
      tpu.vector_store %arg12[%swap3A_172, %swap3A_173], %broadcast_in_dim3A_5 {strides = array<i32>} : memref<32x512xf32, #tpu.memory_space<vmem>>, vector<16xf32>,
      %mul3A_175 = arith.constant 16 : i32
      %mul3A_176 = arith.muli %scan3A_145, %mul3A_175 : i32
      %swap3A_177 = arith.constant 5 : i32
      %swap3A_178 = arith.index_cast %swap3A_177 : i32 to index
      %swap3A_179 = arith.index_cast %mul3A_176 : i32 to index
      %swap3A_180 = tpu.vector_load %arg12[%swap3A_178, %swap3A_179] {strides = array<i32>} : memref<32x512xf32, #tpu.memory_space<vmem>>, vector<16xf32>,
      tpu.vector_store %arg12[%swap3A_178, %swap3A_179], %broadcast_in_dim3A_5 {strides = array<i32>} : memref<32x512xf32, #tpu.memory_space<vmem>>, vector<16xf32>,
      %mul3A_181 = arith.constant 16 : i32
      %mul3A_182 = arith.muli %scan3A_145, %mul3A_181 : i32
      %swap3A_183 = arith.constant 6 : i32
      %swap3A_184 = arith.index_cast %swap3A_183 : i32 to index
      %swap3A_185 = arith.index_cast %mul3A_182 : i32 to index
      %swap3A_186 = tpu.vector_load %arg12[%swap3A_184, %swap3A_185] {strides = array<i32>} : memref<32x512xf32, #tpu.memory_space<vmem>>, vector<16xf32>,
      tpu.vector_store %arg12[%swap3A_184, %swap3A_185], %broadcast_in_dim3A_5 {strides = array<i32>} : memref<32x512xf32, #tpu.memory_space<vmem>>, vector<16xf32>,
      %mul3A_187 = arith.constant 16 : i32
      %mul3A_188 = arith.muli %scan3A_145, %mul3A_187 : i32
      %swap3A_189 = arith.constant 7 : i32
      %swap3A_190 = arith.index_cast %swap3A_189 : i32 to index
      %swap3A_191 = arith.index_cast %mul3A_188 : i32 to index
      %swap3A_192 = tpu.vector_load %arg12[%swap3A_190, %swap3A_191] {strides = array<i32>} : memref<32x512xf32, #tpu.memory_space<vmem>>, vector<16xf32>,
      tpu.vector_store %arg12[%swap3A_190, %swap3A_191], %broadcast_in_dim3A_5 {strides = array<i32>} : memref<32x512xf32, #tpu.memory_space<vmem>>, vector<16xf32>,
      %mul3A_193 = arith.constant 16 : i32
      %mul3A_194 = arith.muli %scan3A_145, %mul3A_193 : i32
      %swap3A_195 = arith.constant 8 : i32
      %swap3A_196 = arith.index_cast %swap3A_195 : i32 to index
      %swap3A_197 = arith.index_cast %mul3A_194 : i32 to index
      %swap3A_198 = tpu.vector_load %arg12[%swap3A_196, %swap3A_197] {strides = array<i32>} : memref<32x512xf32, #tpu.memory_space<vmem>>, vector<16xf32>,
      tpu.vector_store %arg12[%swap3A_196, %swap3A_197], %broadcast_in_dim3A_5 {strides = array<i32>} : memref<32x512xf32, #tpu.memory_space<vmem>>, vector<16xf32>,
      %mul3A_199 = arith.constant 16 : i32
      %mul3A_200 = arith.muli %scan3A_145, %mul3A_199 : i32
      %swap3A_201 = arith.constant 9 : i32
      %swap3A_202 = arith.index_cast %swap3A_201 : i32 to index
      %swap3A_203 = arith.index_cast %mul3A_200 : i32 to index
      %swap3A_204 = tpu.vector_load %arg12[%swap3A_202, %swap3A_203] {strides = array<i32>} : memref<32x512xf32, #tpu.memory_space<vmem>>, vector<16xf32>,
      tpu.vector_store %arg12[%swap3A_202, %swap3A_203], %broadcast_in_dim3A_5 {strides = array<i32>} : memref<32x512xf32, #tpu.memory_space<vmem>>, vector<16xf32>,
      %mul3A_205 = arith.constant 16 : i32
      %mul3A_206 = arith.muli %scan3A_145, %mul3A_205 : i32
      %swap3A_207 = arith.constant 10 : i32
      %swap3A_208 = arith.index_cast %swap3A_207 : i32 to index
      %swap3A_209 = arith.index_cast %mul3A_206 : i32 to index
      %swap3A_210 = tpu.vector_load %arg12[%swap3A_208, %swap3A_209] {strides = array<i32>} : memref<32x512xf32, #tpu.memory_space<vmem>>, vector<16xf32>,
      tpu.vector_store %arg12[%swap3A_208, %swap3A_209], %broadcast_in_dim3A_5 {strides = array<i32>} : memref<32x512xf32, #tpu.memory_space<vmem>>, vector<16xf32>,
      %mul3A_211 = arith.constant 16 : i32
      %mul3A_212 = arith.muli %scan3A_145, %mul3A_211 : i32
      %swap3A_213 = arith.constant 11 : i32
      %swap3A_214 = arith.index_cast %swap3A_213 : i32 to index
      %swap3A_215 = arith.index_cast %mul3A_212 : i32 to index
      %swap3A_216 = tpu.vector_load %arg12[%swap3A_214, %swap3A_215] {strides = array<i32>} : memref<32x512xf32, #tpu.memory_space<vmem>>, vector<16xf32>,
      tpu.vector_store %arg12[%swap3A_214, %swap3A_215], %broadcast_in_dim3A_5 {strides = array<i32>} : memref<32x512xf32, #tpu.memory_space<vmem>>, vector<16xf32>,
      %mul3A_217 = arith.constant 16 : i32
      %mul3A_218 = arith.muli %scan3A_145, %mul3A_217 : i32
      %swap3A_219 = arith.constant 12 : i32
      %swap3A_220 = arith.index_cast %swap3A_219 : i32 to index
      %swap3A_221 = arith.index_cast %mul3A_218 : i32 to index
      %swap3A_222 = tpu.vector_load %arg12[%swap3A_220, %swap3A_221] {strides = array<i32>} : memref<32x512xf32, #tpu.memory_space<vmem>>, vector<16xf32>,
      tpu.vector_store %arg12[%swap3A_220, %swap3A_221], %broadcast_in_dim3A_5 {strides = array<i32>} : memref<32x512xf32, #tpu.memory_space<vmem>>, vector<16xf32>,
      %mul3A_223 = arith.constant 16 : i32
      %mul3A_224 = arith.muli %scan3A_145, %mul3A_223 : i32
      %swap3A_225 = arith.constant 13 : i32
      %swap3A_226 = arith.index_cast %swap3A_225 : i32 to index
      %swap3A_227 = arith.index_cast %mul3A_224 : i32 to index
      %swap3A_228 = tpu.vector_load %arg12[%swap3A_226, %swap3A_227] {strides = array<i32>} : memref<32x512xf32, #tpu.memory_space<vmem>>, vector<16xf32>,
      tpu.vector_store %arg12[%swap3A_226, %swap3A_227], %broadcast_in_dim3A_5 {strides = array<i32>} : memref<32x512xf32, #tpu.memory_space<vmem>>, vector<16xf32>,
      %mul3A_229 = arith.constant 16 : i32
      %mul3A_230 = arith.muli %scan3A_145, %mul3A_229 : i32
      %swap3A_231 = arith.constant 14 : i32
      %swap3A_232 = arith.index_cast %swap3A_231 : i32 to index
      %swap3A_233 = arith.index_cast %mul3A_230 : i32 to index
      %swap3A_234 = tpu.vector_load %arg12[%swap3A_232, %swap3A_233] {strides = array<i32>} : memref<32x512xf32, #tpu.memory_space<vmem>>, vector<16xf32>,
      tpu.vector_store %arg12[%swap3A_232, %swap3A_233], %broadcast_in_dim3A_5 {strides = array<i32>} : memref<32x512xf32, #tpu.memory_space<vmem>>, vector<16xf32>,
      %mul3A_235 = arith.constant 16 : i32
      %mul3A_236 = arith.muli %scan3A_145, %mul3A_235 : i32
      %swap3A_237 = arith.constant 15 : i32
      %swap3A_238 = arith.index_cast %swap3A_237 : i32 to index
      %swap3A_239 = arith.index_cast %mul3A_236 : i32 to index
      %swap3A_240 = tpu.vector_load %arg12[%swap3A_238, %swap3A_239] {strides = array<i32>} : memref<32x512xf32, #tpu.memory_space<vmem>>, vector<16xf32>,
      tpu.vector_store %arg12[%swap3A_238, %swap3A_239], %broadcast_in_dim3A_5 {strides = array<i32>} : memref<32x512xf32, #tpu.memory_space<vmem>>, vector<16xf32>,
      %mul3A_241 = arith.constant 16 : i32
      %mul3A_242 = arith.muli %scan3A_145, %mul3A_241 : i32
      %swap3A_243 = arith.constant 16 : i32
      %swap3A_244 = arith.index_cast %swap3A_243 : i32 to index
      %swap3A_245 = arith.index_cast %mul3A_242 : i32 to index
      %swap3A_246 = tpu.vector_load %arg12[%swap3A_244, %swap3A_245] {strides = array<i32>} : memref<32x512xf32, #tpu.memory_space<vmem>>, vector<16xf32>,
      tpu.vector_store %arg12[%swap3A_244, %swap3A_245], %broadcast_in_dim3A_5 {strides = array<i32>} : memref<32x512xf32, #tpu.memory_space<vmem>>, vector<16xf32>,
      %mul3A_247 = arith.constant 16 : i32
      %mul3A_248 = arith.muli %scan3A_145, %mul3A_247 : i32
      %swap3A_249 = arith.constant 17 : i32
      %swap3A_250 = arith.index_cast %swap3A_249 : i32 to index
      %swap3A_251 = arith.index_cast %mul3A_248 : i32 to index
      %swap3A_252 = tpu.vector_load %arg12[%swap3A_250, %swap3A_251] {strides = array<i32>} : memref<32x512xf32, #tpu.memory_space<vmem>>, vector<16xf32>,
      tpu.vector_store %arg12[%swap3A_250, %swap3A_251], %broadcast_in_dim3A_5 {strides = array<i32>} : memref<32x512xf32, #tpu.memory_space<vmem>>, vector<16xf32>,
      %mul3A_253 = arith.constant 16 : i32
      %mul3A_254 = arith.muli %scan3A_145, %mul3A_253 : i32
      %swap3A_255 = arith.constant 18 : i32
      %swap3A_256 = arith.index_cast %swap3A_255 : i32 to index
      %swap3A_257 = arith.index_cast %mul3A_254 : i32 to index
      %swap3A_258 = tpu.vector_load %arg12[%swap3A_256, %swap3A_257] {strides = array<i32>} : memref<32x512xf32, #tpu.memory_space<vmem>>, vector<16xf32>,
      tpu.vector_store %arg12[%swap3A_256, %swap3A_257], %broadcast_in_dim3A_5 {strides = array<i32>} : memref<32x512xf32, #tpu.memory_space<vmem>>, vector<16xf32>,
      %mul3A_259 = arith.constant 16 : i32
      %mul3A_260 = arith.muli %scan3A_145, %mul3A_259 : i32
      %swap3A_261 = arith.constant 19 : i32
      %swap3A_262 = arith.index_cast %swap3A_261 : i32 to index
      %swap3A_263 = arith.index_cast %mul3A_260 : i32 to index
      %swap3A_264 = tpu.vector_load %arg12[%swap3A_262, %swap3A_263] {strides = array<i32>} : memref<32x512xf32, #tpu.memory_space<vmem>>, vector<16xf32>,
      tpu.vector_store %arg12[%swap3A_262, %swap3A_263], %broadcast_in_dim3A_5 {strides = array<i32>} : memref<32x512xf32, #tpu.memory_space<vmem>>, vector<16xf32>,
      %mul3A_265 = arith.constant 16 : i32
      %mul3A_266 = arith.muli %scan3A_145, %mul3A_265 : i32
      %swap3A_267 = arith.constant 20 : i32
      %swap3A_268 = arith.index_cast %swap3A_267 : i32 to index
      %swap3A_269 = arith.index_cast %mul3A_266 : i32 to index
      %swap3A_270 = tpu.vector_load %arg12[%swap3A_268, %swap3A_269] {strides = array<i32>} : memref<32x512xf32, #tpu.memory_space<vmem>>, vector<16xf32>,
      tpu.vector_store %arg12[%swap3A_268, %swap3A_269], %broadcast_in_dim3A_5 {strides = array<i32>} : memref<32x512xf32, #tpu.memory_space<vmem>>, vector<16xf32>,
      %mul3A_271 = arith.constant 16 : i32
      %mul3A_272 = arith.muli %scan3A_145, %mul3A_271 : i32
      %swap3A_273 = arith.constant 21 : i32
      %swap3A_274 = arith.index_cast %swap3A_273 : i32 to index
      %swap3A_275 = arith.index_cast %mul3A_272 : i32 to index
      %swap3A_276 = tpu.vector_load %arg12[%swap3A_274, %swap3A_275] {strides = array<i32>} : memref<32x512xf32, #tpu.memory_space<vmem>>, vector<16xf32>,
      tpu.vector_store %arg12[%swap3A_274, %swap3A_275], %broadcast_in_dim3A_5 {strides = array<i32>} : memref<32x512xf32, #tpu.memory_space<vmem>>, vector<16xf32>,
      %mul3A_277 = arith.constant 16 : i32
      %mul3A_278 = arith.muli %scan3A_145, %mul3A_277 : i32
      %swap3A_279 = arith.constant 22 : i32
      %swap3A_280 = arith.index_cast %swap3A_279 : i32 to index
      %swap3A_281 = arith.index_cast %mul3A_278 : i32 to index
      %swap3A_282 = tpu.vector_load %arg12[%swap3A_280, %swap3A_281] {strides = array<i32>} : memref<32x512xf32, #tpu.memory_space<vmem>>, vector<16xf32>,
      tpu.vector_store %arg12[%swap3A_280, %swap3A_281], %broadcast_in_dim3A_5 {strides = array<i32>} : memref<32x512xf32, #tpu.memory_space<vmem>>, vector<16xf32>,
      %mul3A_283 = arith.constant 16 : i32
      %mul3A_284 = arith.muli %scan3A_145, %mul3A_283 : i32
      %swap3A_285 = arith.constant 23 : i32
      %swap3A_286 = arith.index_cast %swap3A_285 : i32 to index
      %swap3A_287 = arith.index_cast %mul3A_284 : i32 to index
      %swap3A_288 = tpu.vector_load %arg12[%swap3A_286, %swap3A_287] {strides = array<i32>} : memref<32x512xf32, #tpu.memory_space<vmem>>, vector<16xf32>,
      tpu.vector_store %arg12[%swap3A_286, %swap3A_287], %broadcast_in_dim3A_5 {strides = array<i32>} : memref<32x512xf32, #tpu.memory_space<vmem>>, vector<16xf32>,
      %mul3A_289 = arith.constant 16 : i32
      %mul3A_290 = arith.muli %scan3A_145, %mul3A_289 : i32
      %swap3A_291 = arith.constant 24 : i32
      %swap3A_292 = arith.index_cast %swap3A_291 : i32 to index
      %swap3A_293 = arith.index_cast %mul3A_290 : i32 to index
      %swap3A_294 = tpu.vector_load %arg12[%swap3A_292, %swap3A_293] {strides = array<i32>} : memref<32x512xf32, #tpu.memory_space<vmem>>, vector<16xf32>,
      tpu.vector_store %arg12[%swap3A_292, %swap3A_293], %broadcast_in_dim3A_5 {strides = array<i32>} : memref<32x512xf32, #tpu.memory_space<vmem>>, vector<16xf32>,
      %mul3A_295 = arith.constant 16 : i32
      %mul3A_296 = arith.muli %scan3A_145, %mul3A_295 : i32
      %swap3A_297 = arith.constant 25 : i32
      %swap3A_298 = arith.index_cast %swap3A_297 : i32 to index
      %swap3A_299 = arith.index_cast %mul3A_296 : i32 to index
      %swap3A_300 = tpu.vector_load %arg12[%swap3A_298, %swap3A_299] {strides = array<i32>} : memref<32x512xf32, #tpu.memory_space<vmem>>, vector<16xf32>,
      tpu.vector_store %arg12[%swap3A_298, %swap3A_299], %broadcast_in_dim3A_5 {strides = array<i32>} : memref<32x512xf32, #tpu.memory_space<vmem>>, vector<16xf32>,
      %mul3A_301 = arith.constant 16 : i32
      %mul3A_302 = arith.muli %scan3A_145, %mul3A_301 : i32
      %swap3A_303 = arith.constant 26 : i32
      %swap3A_304 = arith.index_cast %swap3A_303 : i32 to index
      %swap3A_305 = arith.index_cast %mul3A_302 : i32 to index
      %swap3A_306 = tpu.vector_load %arg12[%swap3A_304, %swap3A_305] {strides = array<i32>} : memref<32x512xf32, #tpu.memory_space<vmem>>, vector<16xf32>,
      tpu.vector_store %arg12[%swap3A_304, %swap3A_305], %broadcast_in_dim3A_5 {strides = array<i32>} : memref<32x512xf32, #tpu.memory_space<vmem>>, vector<16xf32>,
      %mul3A_307 = arith.constant 16 : i32
      %mul3A_308 = arith.muli %scan3A_145, %mul3A_307 : i32
      %swap3A_309 = arith.constant 27 : i32
      %swap3A_310 = arith.index_cast %swap3A_309 : i32 to index
      %swap3A_311 = arith.index_cast %mul3A_308 : i32 to index
      %swap3A_312 = tpu.vector_load %arg12[%swap3A_310, %swap3A_311] {strides = array<i32>} : memref<32x512xf32, #tpu.memory_space<vmem>>, vector<16xf32>,
      tpu.vector_store %arg12[%swap3A_310, %swap3A_311], %broadcast_in_dim3A_5 {strides = array<i32>} : memref<32x512xf32, #tpu.memory_space<vmem>>, vector<16xf32>,
      %mul3A_313 = arith.constant 16 : i32
      %mul3A_314 = arith.muli %scan3A_145, %mul3A_313 : i32
      %swap3A_315 = arith.constant 28 : i32
      %swap3A_316 = arith.index_cast %swap3A_315 : i32 to index
      %swap3A_317 = arith.index_cast %mul3A_314 : i32 to index
      %swap3A_318 = tpu.vector_load %arg12[%swap3A_316, %swap3A_317] {strides = array<i32>} : memref<32x512xf32, #tpu.memory_space<vmem>>, vector<16xf32>,
      tpu.vector_store %arg12[%swap3A_316, %swap3A_317], %broadcast_in_dim3A_5 {strides = array<i32>} : memref<32x512xf32, #tpu.memory_space<vmem>>, vector<16xf32>,
      %mul3A_319 = arith.constant 16 : i32
      %mul3A_320 = arith.muli %scan3A_145, %mul3A_319 : i32
      %swap3A_321 = arith.constant 29 : i32
      %swap3A_322 = arith.index_cast %swap3A_321 : i32 to index
      %swap3A_323 = arith.index_cast %mul3A_320 : i32 to index
      %swap3A_324 = tpu.vector_load %arg12[%swap3A_322, %swap3A_323] {strides = array<i32>} : memref<32x512xf32, #tpu.memory_space<vmem>>, vector<16xf32>,
      tpu.vector_store %arg12[%swap3A_322, %swap3A_323], %broadcast_in_dim3A_5 {strides = array<i32>} : memref<32x512xf32, #tpu.memory_space<vmem>>, vector<16xf32>,
      %mul3A_325 = arith.constant 16 : i32
      %mul3A_326 = arith.muli %scan3A_145, %mul3A_325 : i32
      %swap3A_327 = arith.constant 30 : i32
      %swap3A_328 = arith.index_cast %swap3A_327 : i32 to index
      %swap3A_329 = arith.index_cast %mul3A_326 : i32 to index
      %swap3A_330 = tpu.vector_load %arg12[%swap3A_328, %swap3A_329] {strides = array<i32>} : memref<32x512xf32, #tpu.memory_space<vmem>>, vector<16xf32>,
      tpu.vector_store %arg12[%swap3A_328, %swap3A_329], %broadcast_in_dim3A_5 {strides = array<i32>} : memref<32x512xf32, #tpu.memory_space<vmem>>, vector<16xf32>,
      %mul3A_331 = arith.constant 16 : i32
      %mul3A_332 = arith.muli %scan3A_145, %mul3A_331 : i32
      %swap3A_333 = arith.constant 31 : i32
      %swap3A_334 = arith.index_cast %swap3A_333 : i32 to index
      %swap3A_335 = arith.index_cast %mul3A_332 : i32 to index
      %swap3A_336 = tpu.vector_load %arg12[%swap3A_334, %swap3A_335] {strides = array<i32>} : memref<32x512xf32, #tpu.memory_space<vmem>>, vector<16xf32>,
      tpu.vector_store %arg12[%swap3A_334, %swap3A_335], %broadcast_in_dim3A_5 {strides = array<i32>} : memref<32x512xf32, #tpu.memory_space<vmem>>, vector<16xf32>,
    }
    %scan3A_25 = arith.constant 32 : i32
    %dma_wait3A = tpu.memref_slice %arg2[%mul3A_2] : memref<2097152xf32, #tpu.memory_space<hbm>> -> memref<512xf32, #tpu.memory_space<hbm>>
    %dma_wait3A_26 = tpu.memref_slice %arg2[%mul3A_2] : memref<2097152xf32, #tpu.memory_space<hbm>> -> memref<512xf32, #tpu.memory_space<hbm>>
    tpu.wait_dma2 semaphore(%arg16 : memref<!tpu.dma_semaphore, #tpu.memory_space<semaphore_mem>>) src(%dma_wait3A_26 : memref<512xf32, #tpu.memory_space<hbm>>) dst(%arg4 : memref<512xf32, #tpu.memory_space<vmem>>)
    %scan3A_27 = arith.constant 0 : i32
    %scan3A_28 = arith.constant 0 : i32
    %scan3A_29 = arith.constant 8 : i32
    %scan3A_30 = arith.addi %scan3A_28, %scan3A_29 : i32
    %scan3A_31 = arith.constant 1 : i32
    scf.for %scan3A_145 = %scan3A_28 to %scan3A_30 step %scan3A_31  : i32 {
      %mul3A_146 = arith.constant 64 : i32
      %mul3A_147 = arith.muli %scan3A_145, %mul3A_146 : i32
      %add3A_148 = arith.constant 0 : i32
      %add3A_149 = arith.addi %mul3A_147, %add3A_148 : i32
      %get3A = arith.index_cast %add3A_149 : i32 to index
      %get3A_150 = tpu.vector_load %arg4[%get3A] {strides = array<i32>} : memref<512xf32, #tpu.memory_space<vmem>>, vector<16xf32>,
      %mul3A_151 = arith.constant 3.200000e+01 : f32
      %mul3A_152 = vector.broadcast %mul3A_151 : f32 to vector<16xf32>
      %mul3A_153 = arith.mulf %get3A_150, %mul3A_152 : vector<16xf32>
      %convert_element_type3A = arith.fptosi %mul3A_153 : vector<16xf32> to vector<16xi32>
      %add3A_154 = vector.broadcast %add3A_149 : i32 to vector<16xi32>
      %add3A_155 = arith.addi %add3A_154, %iota3A : vector<16xi32>
      %swap3A = arith.index_cast %add3A_149 : i32 to index
      %swap3A_156 = tpu.vector_load %arg8[%swap3A] {strides = array<i32>} : memref<512xi32, #tpu.memory_space<vmem>>, vector<16xi32>,
      tpu.vector_store %arg8[%swap3A], %convert_element_type3A {strides = array<i32>} : memref<512xi32, #tpu.memory_space<vmem>>, vector<16xi32>,
      tpu.vector_store_idx %arg12[%convert_element_type3A, %add3A_155], %broadcast_in_dim3A_3 : memref<32x512xf32, #tpu.memory_space<vmem>>[vector<16xi32>, vector<16xi32>], vector<16xf32>,
      %mul3A_157 = arith.constant 64 : i32
      %mul3A_158 = arith.muli %scan3A_145, %mul3A_157 : i32
      %add3A_159 = arith.constant 16 : i32
      %add3A_160 = arith.addi %mul3A_158, %add3A_159 : i32
      %get3A_161 = arith.index_cast %add3A_160 : i32 to index
      %get3A_162 = tpu.vector_load %arg4[%get3A_161] {strides = array<i32>} : memref<512xf32, #tpu.memory_space<vmem>>, vector<16xf32>,
      %mul3A_163 = arith.constant 3.200000e+01 : f32
      %mul3A_164 = vector.broadcast %mul3A_163 : f32 to vector<16xf32>
      %mul3A_165 = arith.mulf %get3A_162, %mul3A_164 : vector<16xf32>
      %convert_element_type3A_166 = arith.fptosi %mul3A_165 : vector<16xf32> to vector<16xi32>
      %add3A_167 = vector.broadcast %add3A_160 : i32 to vector<16xi32>
      %add3A_168 = arith.addi %add3A_167, %iota3A : vector<16xi32>
      %swap3A_169 = arith.index_cast %add3A_160 : i32 to index
      %swap3A_170 = tpu.vector_load %arg8[%swap3A_169] {strides = array<i32>} : memref<512xi32, #tpu.memory_space<vmem>>, vector<16xi32>,
      tpu.vector_store %arg8[%swap3A_169], %convert_element_type3A_166 {strides = array<i32>} : memref<512xi32, #tpu.memory_space<vmem>>, vector<16xi32>,
      tpu.vector_store_idx %arg12[%convert_element_type3A_166, %add3A_168], %broadcast_in_dim3A_3 : memref<32x512xf32, #tpu.memory_space<vmem>>[vector<16xi32>, vector<16xi32>], vector<16xf32>,
      %mul3A_171 = arith.constant 64 : i32
      %mul3A_172 = arith.muli %scan3A_145, %mul3A_171 : i32
      %add3A_173 = arith.constant 32 : i32
      %add3A_174 = arith.addi %mul3A_172, %add3A_173 : i32
      %get3A_175 = arith.index_cast %add3A_174 : i32 to index
      %get3A_176 = tpu.vector_load %arg4[%get3A_175] {strides = array<i32>} : memref<512xf32, #tpu.memory_space<vmem>>, vector<16xf32>,
      %mul3A_177 = arith.constant 3.200000e+01 : f32
      %mul3A_178 = vector.broadcast %mul3A_177 : f32 to vector<16xf32>
      %mul3A_179 = arith.mulf %get3A_176, %mul3A_178 : vector<16xf32>
      %convert_element_type3A_180 = arith.fptosi %mul3A_179 : vector<16xf32> to vector<16xi32>
      %add3A_181 = vector.broadcast %add3A_174 : i32 to vector<16xi32>
      %add3A_182 = arith.addi %add3A_181, %iota3A : vector<16xi32>
      %swap3A_183 = arith.index_cast %add3A_174 : i32 to index
      %swap3A_184 = tpu.vector_load %arg8[%swap3A_183] {strides = array<i32>} : memref<512xi32, #tpu.memory_space<vmem>>, vector<16xi32>,
      tpu.vector_store %arg8[%swap3A_183], %convert_element_type3A_180 {strides = array<i32>} : memref<512xi32, #tpu.memory_space<vmem>>, vector<16xi32>,
      tpu.vector_store_idx %arg12[%convert_element_type3A_180, %add3A_182], %broadcast_in_dim3A_3 : memref<32x512xf32, #tpu.memory_space<vmem>>[vector<16xi32>, vector<16xi32>], vector<16xf32>,
      %mul3A_185 = arith.constant 64 : i32
      %mul3A_186 = arith.muli %scan3A_145, %mul3A_185 : i32
      %add3A_187 = arith.constant 48 : i32
      %add3A_188 = arith.addi %mul3A_186, %add3A_187 : i32
      %get3A_189 = arith.index_cast %add3A_188 : i32 to index
      %get3A_190 = tpu.vector_load %arg4[%get3A_189] {strides = array<i32>} : memref<512xf32, #tpu.memory_space<vmem>>, vector<16xf32>,
      %mul3A_191 = arith.constant 3.200000e+01 : f32
      %mul3A_192 = vector.broadcast %mul3A_191 : f32 to vector<16xf32>
      %mul3A_193 = arith.mulf %get3A_190, %mul3A_192 : vector<16xf32>
      %convert_element_type3A_194 = arith.fptosi %mul3A_193 : vector<16xf32> to vector<16xi32>
      %add3A_195 = vector.broadcast %add3A_188 : i32 to vector<16xi32>
      %add3A_196 = arith.addi %add3A_195, %iota3A : vector<16xi32>
      %swap3A_197 = arith.index_cast %add3A_188 : i32 to index
      %swap3A_198 = tpu.vector_load %arg8[%swap3A_197] {strides = array<i32>} : memref<512xi32, #tpu.memory_space<vmem>>, vector<16xi32>,
      tpu.vector_store %arg8[%swap3A_197], %convert_element_type3A_194 {strides = array<i32>} : memref<512xi32, #tpu.memory_space<vmem>>, vector<16xi32>,
      tpu.vector_store_idx %arg12[%convert_element_type3A_194, %add3A_196], %broadcast_in_dim3A_3 : memref<32x512xf32, #tpu.memory_space<vmem>>[vector<16xi32>, vector<16xi32>], vector<16xf32>,
    }
    %scan3A_32 = arith.constant 8 : i32
    %add3A_33 = arith.constant 0 : i32
    %add3A_34 = arith.addi %mul3A_2, %add3A_33 : i32
    %dma_start3A_35 = arith.constant 0 : i32
    %dma_start3A_36 = tpu.memref_slice %arg3[%dma_start3A_35, %add3A_34] : memref<32x2097152xf32, #tpu.memory_space<hbm>> -> memref<32x512xf32, #tpu.memory_space<hbm>>
    %dma_start3A_37 = arith.constant 0 : i32
    %dma_start3A_38 = tpu.memref_slice %arg3[%dma_start3A_37, %add3A_34] : memref<32x2097152xf32, #tpu.memory_space<hbm>> -> memref<32x512xf32, #tpu.memory_space<hbm>>
    tpu.enqueue_dma source(%arg12 : memref<32x512xf32, #tpu.memory_space<vmem>>) target(%dma_start3A_38 : memref<32x512xf32, #tpu.memory_space<hbm>>) target_semaphore(%arg20 : memref<!tpu.dma_semaphore, #tpu.memory_space<semaphore_mem>>)
    %add3A_39 = arith.constant 2048 : i32
    %add3A_40 = arith.addi %mul3A_2, %add3A_39 : i32
    %dma_start3A_41 = tpu.memref_slice %arg2[%add3A_40] : memref<2097152xf32, #tpu.memory_space<hbm>> -> memref<512xf32, #tpu.memory_space<hbm>>
    %dma_start3A_42 = tpu.memref_slice %arg2[%add3A_40] : memref<2097152xf32, #tpu.memory_space<hbm>> -> memref<512xf32, #tpu.memory_space<hbm>>
    tpu.enqueue_dma source(%dma_start3A_42 : memref<512xf32, #tpu.memory_space<hbm>>) target(%arg4 : memref<512xf32, #tpu.memory_space<vmem>>) target_semaphore(%arg16 : memref<!tpu.dma_semaphore, #tpu.memory_space<semaphore_mem>>)
    %scan3A_43 = arith.constant 0 : i32
    %scan3A_44 = arith.constant 0 : i32
    %scan3A_45 = arith.constant 32 : i32
    %scan3A_46 = arith.addi %scan3A_44, %scan3A_45 : i32
    %scan3A_47 = arith.constant 1 : i32
    scf.for %scan3A_145 = %scan3A_44 to %scan3A_46 step %scan3A_47  : i32 {
      %mul3A_146 = arith.constant 16 : i32
      %mul3A_147 = arith.muli %scan3A_145, %mul3A_146 : i32
      %swap3A = arith.constant 0 : i32
      %swap3A_148 = arith.index_cast %swap3A : i32 to index
      %swap3A_149 = arith.index_cast %mul3A_147 : i32 to index
      %swap3A_150 = tpu.vector_load %arg13[%swap3A_148, %swap3A_149] {strides = array<i32>} : memref<32x512xf32, #tpu.memory_space<vmem>>, vector<16xf32>,
      tpu.vector_store %arg13[%swap3A_148, %swap3A_149], %broadcast_in_dim3A_5 {strides = array<i32>} : memref<32x512xf32, #tpu.memory_space<vmem>>, vector<16xf32>,
      %mul3A_151 = arith.constant 16 : i32
      %mul3A_152 = arith.muli %scan3A_145, %mul3A_151 : i32
      %swap3A_153 = arith.constant 1 : i32
      %swap3A_154 = arith.index_cast %swap3A_153 : i32 to index
      %swap3A_155 = arith.index_cast %mul3A_152 : i32 to index
      %swap3A_156 = tpu.vector_load %arg13[%swap3A_154, %swap3A_155] {strides = array<i32>} : memref<32x512xf32, #tpu.memory_space<vmem>>, vector<16xf32>,
      tpu.vector_store %arg13[%swap3A_154, %swap3A_155], %broadcast_in_dim3A_5 {strides = array<i32>} : memref<32x512xf32, #tpu.memory_space<vmem>>, vector<16xf32>,
      %mul3A_157 = arith.constant 16 : i32
      %mul3A_158 = arith.muli %scan3A_145, %mul3A_157 : i32
      %swap3A_159 = arith.constant 2 : i32
      %swap3A_160 = arith.index_cast %swap3A_159 : i32 to index
      %swap3A_161 = arith.index_cast %mul3A_158 : i32 to index
      %swap3A_162 = tpu.vector_load %arg13[%swap3A_160, %swap3A_161] {strides = array<i32>} : memref<32x512xf32, #tpu.memory_space<vmem>>, vector<16xf32>,
      tpu.vector_store %arg13[%swap3A_160, %swap3A_161], %broadcast_in_dim3A_5 {strides = array<i32>} : memref<32x512xf32, #tpu.memory_space<vmem>>, vector<16xf32>,
      %mul3A_163 = arith.constant 16 : i32
      %mul3A_164 = arith.muli %scan3A_145, %mul3A_163 : i32
      %swap3A_165 = arith.constant 3 : i32
      %swap3A_166 = arith.index_cast %swap3A_165 : i32 to index
      %swap3A_167 = arith.index_cast %mul3A_164 : i32 to index
      %swap3A_168 = tpu.vector_load %arg13[%swap3A_166, %swap3A_167] {strides = array<i32>} : memref<32x512xf32, #tpu.memory_space<vmem>>, vector<16xf32>,
      tpu.vector_store %arg13[%swap3A_166, %swap3A_167], %broadcast_in_dim3A_5 {strides = array<i32>} : memref<32x512xf32, #tpu.memory_space<vmem>>, vector<16xf32>,
      %mul3A_169 = arith.constant 16 : i32
      %mul3A_170 = arith.muli %scan3A_145, %mul3A_169 : i32
      %swap3A_171 = arith.constant 4 : i32
      %swap3A_172 = arith.index_cast %swap3A_171 : i32 to index
      %swap3A_173 = arith.index_cast %mul3A_170 : i32 to index
      %swap3A_174 = tpu.vector_load %arg13[%swap3A_172, %swap3A_173] {strides = array<i32>} : memref<32x512xf32, #tpu.memory_space<vmem>>, vector<16xf32>,
      tpu.vector_store %arg13[%swap3A_172, %swap3A_173], %broadcast_in_dim3A_5 {strides = array<i32>} : memref<32x512xf32, #tpu.memory_space<vmem>>, vector<16xf32>,
      %mul3A_175 = arith.constant 16 : i32
      %mul3A_176 = arith.muli %scan3A_145, %mul3A_175 : i32
      %swap3A_177 = arith.constant 5 : i32
      %swap3A_178 = arith.index_cast %swap3A_177 : i32 to index
      %swap3A_179 = arith.index_cast %mul3A_176 : i32 to index
      %swap3A_180 = tpu.vector_load %arg13[%swap3A_178, %swap3A_179] {strides = array<i32>} : memref<32x512xf32, #tpu.memory_space<vmem>>, vector<16xf32>,
      tpu.vector_store %arg13[%swap3A_178, %swap3A_179], %broadcast_in_dim3A_5 {strides = array<i32>} : memref<32x512xf32, #tpu.memory_space<vmem>>, vector<16xf32>,
      %mul3A_181 = arith.constant 16 : i32
      %mul3A_182 = arith.muli %scan3A_145, %mul3A_181 : i32
      %swap3A_183 = arith.constant 6 : i32
      %swap3A_184 = arith.index_cast %swap3A_183 : i32 to index
      %swap3A_185 = arith.index_cast %mul3A_182 : i32 to index
      %swap3A_186 = tpu.vector_load %arg13[%swap3A_184, %swap3A_185] {strides = array<i32>} : memref<32x512xf32, #tpu.memory_space<vmem>>, vector<16xf32>,
      tpu.vector_store %arg13[%swap3A_184, %swap3A_185], %broadcast_in_dim3A_5 {strides = array<i32>} : memref<32x512xf32, #tpu.memory_space<vmem>>, vector<16xf32>,
      %mul3A_187 = arith.constant 16 : i32
      %mul3A_188 = arith.muli %scan3A_145, %mul3A_187 : i32
      %swap3A_189 = arith.constant 7 : i32
      %swap3A_190 = arith.index_cast %swap3A_189 : i32 to index
      %swap3A_191 = arith.index_cast %mul3A_188 : i32 to index
      %swap3A_192 = tpu.vector_load %arg13[%swap3A_190, %swap3A_191] {strides = array<i32>} : memref<32x512xf32, #tpu.memory_space<vmem>>, vector<16xf32>,
      tpu.vector_store %arg13[%swap3A_190, %swap3A_191], %broadcast_in_dim3A_5 {strides = array<i32>} : memref<32x512xf32, #tpu.memory_space<vmem>>, vector<16xf32>,
      %mul3A_193 = arith.constant 16 : i32
      %mul3A_194 = arith.muli %scan3A_145, %mul3A_193 : i32
      %swap3A_195 = arith.constant 8 : i32
      %swap3A_196 = arith.index_cast %swap3A_195 : i32 to index
      %swap3A_197 = arith.index_cast %mul3A_194 : i32 to index
      %swap3A_198 = tpu.vector_load %arg13[%swap3A_196, %swap3A_197] {strides = array<i32>} : memref<32x512xf32, #tpu.memory_space<vmem>>, vector<16xf32>,
      tpu.vector_store %arg13[%swap3A_196, %swap3A_197], %broadcast_in_dim3A_5 {strides = array<i32>} : memref<32x512xf32, #tpu.memory_space<vmem>>, vector<16xf32>,
      %mul3A_199 = arith.constant 16 : i32
      %mul3A_200 = arith.muli %scan3A_145, %mul3A_199 : i32
      %swap3A_201 = arith.constant 9 : i32
      %swap3A_202 = arith.index_cast %swap3A_201 : i32 to index
      %swap3A_203 = arith.index_cast %mul3A_200 : i32 to index
      %swap3A_204 = tpu.vector_load %arg13[%swap3A_202, %swap3A_203] {strides = array<i32>} : memref<32x512xf32, #tpu.memory_space<vmem>>, vector<16xf32>,
      tpu.vector_store %arg13[%swap3A_202, %swap3A_203], %broadcast_in_dim3A_5 {strides = array<i32>} : memref<32x512xf32, #tpu.memory_space<vmem>>, vector<16xf32>,
      %mul3A_205 = arith.constant 16 : i32
      %mul3A_206 = arith.muli %scan3A_145, %mul3A_205 : i32
      %swap3A_207 = arith.constant 10 : i32
      %swap3A_208 = arith.index_cast %swap3A_207 : i32 to index
      %swap3A_209 = arith.index_cast %mul3A_206 : i32 to index
      %swap3A_210 = tpu.vector_load %arg13[%swap3A_208, %swap3A_209] {strides = array<i32>} : memref<32x512xf32, #tpu.memory_space<vmem>>, vector<16xf32>,
      tpu.vector_store %arg13[%swap3A_208, %swap3A_209], %broadcast_in_dim3A_5 {strides = array<i32>} : memref<32x512xf32, #tpu.memory_space<vmem>>, vector<16xf32>,
      %mul3A_211 = arith.constant 16 : i32
      %mul3A_212 = arith.muli %scan3A_145, %mul3A_211 : i32
      %swap3A_213 = arith.constant 11 : i32
      %swap3A_214 = arith.index_cast %swap3A_213 : i32 to index
      %swap3A_215 = arith.index_cast %mul3A_212 : i32 to index
      %swap3A_216 = tpu.vector_load %arg13[%swap3A_214, %swap3A_215] {strides = array<i32>} : memref<32x512xf32, #tpu.memory_space<vmem>>, vector<16xf32>,
      tpu.vector_store %arg13[%swap3A_214, %swap3A_215], %broadcast_in_dim3A_5 {strides = array<i32>} : memref<32x512xf32, #tpu.memory_space<vmem>>, vector<16xf32>,
      %mul3A_217 = arith.constant 16 : i32
      %mul3A_218 = arith.muli %scan3A_145, %mul3A_217 : i32
      %swap3A_219 = arith.constant 12 : i32
      %swap3A_220 = arith.index_cast %swap3A_219 : i32 to index
      %swap3A_221 = arith.index_cast %mul3A_218 : i32 to index
      %swap3A_222 = tpu.vector_load %arg13[%swap3A_220, %swap3A_221] {strides = array<i32>} : memref<32x512xf32, #tpu.memory_space<vmem>>, vector<16xf32>,
      tpu.vector_store %arg13[%swap3A_220, %swap3A_221], %broadcast_in_dim3A_5 {strides = array<i32>} : memref<32x512xf32, #tpu.memory_space<vmem>>, vector<16xf32>,
      %mul3A_223 = arith.constant 16 : i32
      %mul3A_224 = arith.muli %scan3A_145, %mul3A_223 : i32
      %swap3A_225 = arith.constant 13 : i32
      %swap3A_226 = arith.index_cast %swap3A_225 : i32 to index
      %swap3A_227 = arith.index_cast %mul3A_224 : i32 to index
      %swap3A_228 = tpu.vector_load %arg13[%swap3A_226, %swap3A_227] {strides = array<i32>} : memref<32x512xf32, #tpu.memory_space<vmem>>, vector<16xf32>,
      tpu.vector_store %arg13[%swap3A_226, %swap3A_227], %broadcast_in_dim3A_5 {strides = array<i32>} : memref<32x512xf32, #tpu.memory_space<vmem>>, vector<16xf32>,
      %mul3A_229 = arith.constant 16 : i32
      %mul3A_230 = arith.muli %scan3A_145, %mul3A_229 : i32
      %swap3A_231 = arith.constant 14 : i32
      %swap3A_232 = arith.index_cast %swap3A_231 : i32 to index
      %swap3A_233 = arith.index_cast %mul3A_230 : i32 to index
      %swap3A_234 = tpu.vector_load %arg13[%swap3A_232, %swap3A_233] {strides = array<i32>} : memref<32x512xf32, #tpu.memory_space<vmem>>, vector<16xf32>,
      tpu.vector_store %arg13[%swap3A_232, %swap3A_233], %broadcast_in_dim3A_5 {strides = array<i32>} : memref<32x512xf32, #tpu.memory_space<vmem>>, vector<16xf32>,
      %mul3A_235 = arith.constant 16 : i32
      %mul3A_236 = arith.muli %scan3A_145, %mul3A_235 : i32
      %swap3A_237 = arith.constant 15 : i32
      %swap3A_238 = arith.index_cast %swap3A_237 : i32 to index
      %swap3A_239 = arith.index_cast %mul3A_236 : i32 to index
      %swap3A_240 = tpu.vector_load %arg13[%swap3A_238, %swap3A_239] {strides = array<i32>} : memref<32x512xf32, #tpu.memory_space<vmem>>, vector<16xf32>,
      tpu.vector_store %arg13[%swap3A_238, %swap3A_239], %broadcast_in_dim3A_5 {strides = array<i32>} : memref<32x512xf32, #tpu.memory_space<vmem>>, vector<16xf32>,
      %mul3A_241 = arith.constant 16 : i32
      %mul3A_242 = arith.muli %scan3A_145, %mul3A_241 : i32
      %swap3A_243 = arith.constant 16 : i32
      %swap3A_244 = arith.index_cast %swap3A_243 : i32 to index
      %swap3A_245 = arith.index_cast %mul3A_242 : i32 to index
      %swap3A_246 = tpu.vector_load %arg13[%swap3A_244, %swap3A_245] {strides = array<i32>} : memref<32x512xf32, #tpu.memory_space<vmem>>, vector<16xf32>,
      tpu.vector_store %arg13[%swap3A_244, %swap3A_245], %broadcast_in_dim3A_5 {strides = array<i32>} : memref<32x512xf32, #tpu.memory_space<vmem>>, vector<16xf32>,
      %mul3A_247 = arith.constant 16 : i32
      %mul3A_248 = arith.muli %scan3A_145, %mul3A_247 : i32
      %swap3A_249 = arith.constant 17 : i32
      %swap3A_250 = arith.index_cast %swap3A_249 : i32 to index
      %swap3A_251 = arith.index_cast %mul3A_248 : i32 to index
      %swap3A_252 = tpu.vector_load %arg13[%swap3A_250, %swap3A_251] {strides = array<i32>} : memref<32x512xf32, #tpu.memory_space<vmem>>, vector<16xf32>,
      tpu.vector_store %arg13[%swap3A_250, %swap3A_251], %broadcast_in_dim3A_5 {strides = array<i32>} : memref<32x512xf32, #tpu.memory_space<vmem>>, vector<16xf32>,
      %mul3A_253 = arith.constant 16 : i32
      %mul3A_254 = arith.muli %scan3A_145, %mul3A_253 : i32
      %swap3A_255 = arith.constant 18 : i32
      %swap3A_256 = arith.index_cast %swap3A_255 : i32 to index
      %swap3A_257 = arith.index_cast %mul3A_254 : i32 to index
      %swap3A_258 = tpu.vector_load %arg13[%swap3A_256, %swap3A_257] {strides = array<i32>} : memref<32x512xf32, #tpu.memory_space<vmem>>, vector<16xf32>,
      tpu.vector_store %arg13[%swap3A_256, %swap3A_257], %broadcast_in_dim3A_5 {strides = array<i32>} : memref<32x512xf32, #tpu.memory_space<vmem>>, vector<16xf32>,
      %mul3A_259 = arith.constant 16 : i32
      %mul3A_260 = arith.muli %scan3A_145, %mul3A_259 : i32
      %swap3A_261 = arith.constant 19 : i32
      %swap3A_262 = arith.index_cast %swap3A_261 : i32 to index
      %swap3A_263 = arith.index_cast %mul3A_260 : i32 to index
      %swap3A_264 = tpu.vector_load %arg13[%swap3A_262, %swap3A_263] {strides = array<i32>} : memref<32x512xf32, #tpu.memory_space<vmem>>, vector<16xf32>,
      tpu.vector_store %arg13[%swap3A_262, %swap3A_263], %broadcast_in_dim3A_5 {strides = array<i32>} : memref<32x512xf32, #tpu.memory_space<vmem>>, vector<16xf32>,
      %mul3A_265 = arith.constant 16 : i32
      %mul3A_266 = arith.muli %scan3A_145, %mul3A_265 : i32
      %swap3A_267 = arith.constant 20 : i32
      %swap3A_268 = arith.index_cast %swap3A_267 : i32 to index
      %swap3A_269 = arith.index_cast %mul3A_266 : i32 to index
      %swap3A_270 = tpu.vector_load %arg13[%swap3A_268, %swap3A_269] {strides = array<i32>} : memref<32x512xf32, #tpu.memory_space<vmem>>, vector<16xf32>,
      tpu.vector_store %arg13[%swap3A_268, %swap3A_269], %broadcast_in_dim3A_5 {strides = array<i32>} : memref<32x512xf32, #tpu.memory_space<vmem>>, vector<16xf32>,
      %mul3A_271 = arith.constant 16 : i32
      %mul3A_272 = arith.muli %scan3A_145, %mul3A_271 : i32
      %swap3A_273 = arith.constant 21 : i32
      %swap3A_274 = arith.index_cast %swap3A_273 : i32 to index
      %swap3A_275 = arith.index_cast %mul3A_272 : i32 to index
      %swap3A_276 = tpu.vector_load %arg13[%swap3A_274, %swap3A_275] {strides = array<i32>} : memref<32x512xf32, #tpu.memory_space<vmem>>, vector<16xf32>,
      tpu.vector_store %arg13[%swap3A_274, %swap3A_275], %broadcast_in_dim3A_5 {strides = array<i32>} : memref<32x512xf32, #tpu.memory_space<vmem>>, vector<16xf32>,
      %mul3A_277 = arith.constant 16 : i32
      %mul3A_278 = arith.muli %scan3A_145, %mul3A_277 : i32
      %swap3A_279 = arith.constant 22 : i32
      %swap3A_280 = arith.index_cast %swap3A_279 : i32 to index
      %swap3A_281 = arith.index_cast %mul3A_278 : i32 to index
      %swap3A_282 = tpu.vector_load %arg13[%swap3A_280, %swap3A_281] {strides = array<i32>} : memref<32x512xf32, #tpu.memory_space<vmem>>, vector<16xf32>,
      tpu.vector_store %arg13[%swap3A_280, %swap3A_281], %broadcast_in_dim3A_5 {strides = array<i32>} : memref<32x512xf32, #tpu.memory_space<vmem>>, vector<16xf32>,
      %mul3A_283 = arith.constant 16 : i32
      %mul3A_284 = arith.muli %scan3A_145, %mul3A_283 : i32
      %swap3A_285 = arith.constant 23 : i32
      %swap3A_286 = arith.index_cast %swap3A_285 : i32 to index
      %swap3A_287 = arith.index_cast %mul3A_284 : i32 to index
      %swap3A_288 = tpu.vector_load %arg13[%swap3A_286, %swap3A_287] {strides = array<i32>} : memref<32x512xf32, #tpu.memory_space<vmem>>, vector<16xf32>,
      tpu.vector_store %arg13[%swap3A_286, %swap3A_287], %broadcast_in_dim3A_5 {strides = array<i32>} : memref<32x512xf32, #tpu.memory_space<vmem>>, vector<16xf32>,
      %mul3A_289 = arith.constant 16 : i32
      %mul3A_290 = arith.muli %scan3A_145, %mul3A_289 : i32
      %swap3A_291 = arith.constant 24 : i32
      %swap3A_292 = arith.index_cast %swap3A_291 : i32 to index
      %swap3A_293 = arith.index_cast %mul3A_290 : i32 to index
      %swap3A_294 = tpu.vector_load %arg13[%swap3A_292, %swap3A_293] {strides = array<i32>} : memref<32x512xf32, #tpu.memory_space<vmem>>, vector<16xf32>,
      tpu.vector_store %arg13[%swap3A_292, %swap3A_293], %broadcast_in_dim3A_5 {strides = array<i32>} : memref<32x512xf32, #tpu.memory_space<vmem>>, vector<16xf32>,
      %mul3A_295 = arith.constant 16 : i32
      %mul3A_296 = arith.muli %scan3A_145, %mul3A_295 : i32
      %swap3A_297 = arith.constant 25 : i32
      %swap3A_298 = arith.index_cast %swap3A_297 : i32 to index
      %swap3A_299 = arith.index_cast %mul3A_296 : i32 to index
      %swap3A_300 = tpu.vector_load %arg13[%swap3A_298, %swap3A_299] {strides = array<i32>} : memref<32x512xf32, #tpu.memory_space<vmem>>, vector<16xf32>,
      tpu.vector_store %arg13[%swap3A_298, %swap3A_299], %broadcast_in_dim3A_5 {strides = array<i32>} : memref<32x512xf32, #tpu.memory_space<vmem>>, vector<16xf32>,
      %mul3A_301 = arith.constant 16 : i32
      %mul3A_302 = arith.muli %scan3A_145, %mul3A_301 : i32
      %swap3A_303 = arith.constant 26 : i32
      %swap3A_304 = arith.index_cast %swap3A_303 : i32 to index
      %swap3A_305 = arith.index_cast %mul3A_302 : i32 to index
      %swap3A_306 = tpu.vector_load %arg13[%swap3A_304, %swap3A_305] {strides = array<i32>} : memref<32x512xf32, #tpu.memory_space<vmem>>, vector<16xf32>,
      tpu.vector_store %arg13[%swap3A_304, %swap3A_305], %broadcast_in_dim3A_5 {strides = array<i32>} : memref<32x512xf32, #tpu.memory_space<vmem>>, vector<16xf32>,
      %mul3A_307 = arith.constant 16 : i32
      %mul3A_308 = arith.muli %scan3A_145, %mul3A_307 : i32
      %swap3A_309 = arith.constant 27 : i32
      %swap3A_310 = arith.index_cast %swap3A_309 : i32 to index
      %swap3A_311 = arith.index_cast %mul3A_308 : i32 to index
      %swap3A_312 = tpu.vector_load %arg13[%swap3A_310, %swap3A_311] {strides = array<i32>} : memref<32x512xf32, #tpu.memory_space<vmem>>, vector<16xf32>,
      tpu.vector_store %arg13[%swap3A_310, %swap3A_311], %broadcast_in_dim3A_5 {strides = array<i32>} : memref<32x512xf32, #tpu.memory_space<vmem>>, vector<16xf32>,
      %mul3A_313 = arith.constant 16 : i32
      %mul3A_314 = arith.muli %scan3A_145, %mul3A_313 : i32
      %swap3A_315 = arith.constant 28 : i32
      %swap3A_316 = arith.index_cast %swap3A_315 : i32 to index
      %swap3A_317 = arith.index_cast %mul3A_314 : i32 to index
      %swap3A_318 = tpu.vector_load %arg13[%swap3A_316, %swap3A_317] {strides = array<i32>} : memref<32x512xf32, #tpu.memory_space<vmem>>, vector<16xf32>,
      tpu.vector_store %arg13[%swap3A_316, %swap3A_317], %broadcast_in_dim3A_5 {strides = array<i32>} : memref<32x512xf32, #tpu.memory_space<vmem>>, vector<16xf32>,
      %mul3A_319 = arith.constant 16 : i32
      %mul3A_320 = arith.muli %scan3A_145, %mul3A_319 : i32
      %swap3A_321 = arith.constant 29 : i32
      %swap3A_322 = arith.index_cast %swap3A_321 : i32 to index
      %swap3A_323 = arith.index_cast %mul3A_320 : i32 to index
      %swap3A_324 = tpu.vector_load %arg13[%swap3A_322, %swap3A_323] {strides = array<i32>} : memref<32x512xf32, #tpu.memory_space<vmem>>, vector<16xf32>,
      tpu.vector_store %arg13[%swap3A_322, %swap3A_323], %broadcast_in_dim3A_5 {strides = array<i32>} : memref<32x512xf32, #tpu.memory_space<vmem>>, vector<16xf32>,
      %mul3A_325 = arith.constant 16 : i32
      %mul3A_326 = arith.muli %scan3A_145, %mul3A_325 : i32
      %swap3A_327 = arith.constant 30 : i32
      %swap3A_328 = arith.index_cast %swap3A_327 : i32 to index
      %swap3A_329 = arith.index_cast %mul3A_326 : i32 to index
      %swap3A_330 = tpu.vector_load %arg13[%swap3A_328, %swap3A_329] {strides = array<i32>} : memref<32x512xf32, #tpu.memory_space<vmem>>, vector<16xf32>,
      tpu.vector_store %arg13[%swap3A_328, %swap3A_329], %broadcast_in_dim3A_5 {strides = array<i32>} : memref<32x512xf32, #tpu.memory_space<vmem>>, vector<16xf32>,
      %mul3A_331 = arith.constant 16 : i32
      %mul3A_332 = arith.muli %scan3A_145, %mul3A_331 : i32
      %swap3A_333 = arith.constant 31 : i32
      %swap3A_334 = arith.index_cast %swap3A_333 : i32 to index
      %swap3A_335 = arith.index_cast %mul3A_332 : i32 to index
      %swap3A_336 = tpu.vector_load %arg13[%swap3A_334, %swap3A_335] {strides = array<i32>} : memref<32x512xf32, #tpu.memory_space<vmem>>, vector<16xf32>,
      tpu.vector_store %arg13[%swap3A_334, %swap3A_335], %broadcast_in_dim3A_5 {strides = array<i32>} : memref<32x512xf32, #tpu.memory_space<vmem>>, vector<16xf32>,
    }
    %scan3A_48 = arith.constant 32 : i32
    %dma_wait3A_49 = tpu.memref_slice %arg2[%mul3A_2] : memref<2097152xf32, #tpu.memory_space<hbm>> -> memref<512xf32, #tpu.memory_space<hbm>>
    %dma_wait3A_50 = tpu.memref_slice %arg2[%mul3A_2] : memref<2097152xf32, #tpu.memory_space<hbm>> -> memref<512xf32, #tpu.memory_space<hbm>>
    tpu.wait_dma2 semaphore(%arg17 : memref<!tpu.dma_semaphore, #tpu.memory_space<semaphore_mem>>) src(%dma_wait3A_50 : memref<512xf32, #tpu.memory_space<hbm>>) dst(%arg5 : memref<512xf32, #tpu.memory_space<vmem>>)
    %scan3A_51 = arith.constant 0 : i32
    %scan3A_52 = arith.constant 0 : i32
    %scan3A_53 = arith.constant 8 : i32
    %scan3A_54 = arith.addi %scan3A_52, %scan3A_53 : i32
    %scan3A_55 = arith.constant 1 : i32
    scf.for %scan3A_145 = %scan3A_52 to %scan3A_54 step %scan3A_55  : i32 {
      %mul3A_146 = arith.constant 64 : i32
      %mul3A_147 = arith.muli %scan3A_145, %mul3A_146 : i32
      %add3A_148 = arith.constant 0 : i32
      %add3A_149 = arith.addi %mul3A_147, %add3A_148 : i32
      %get3A = arith.index_cast %add3A_149 : i32 to index
      %get3A_150 = tpu.vector_load %arg5[%get3A] {strides = array<i32>} : memref<512xf32, #tpu.memory_space<vmem>>, vector<16xf32>,
      %mul3A_151 = arith.constant 3.200000e+01 : f32
      %mul3A_152 = vector.broadcast %mul3A_151 : f32 to vector<16xf32>
      %mul3A_153 = arith.mulf %get3A_150, %mul3A_152 : vector<16xf32>
      %convert_element_type3A = arith.fptosi %mul3A_153 : vector<16xf32> to vector<16xi32>
      %add3A_154 = vector.broadcast %add3A_149 : i32 to vector<16xi32>
      %add3A_155 = arith.addi %add3A_154, %iota3A : vector<16xi32>
      %swap3A = arith.index_cast %add3A_149 : i32 to index
      %swap3A_156 = tpu.vector_load %arg9[%swap3A] {strides = array<i32>} : memref<512xi32, #tpu.memory_space<vmem>>, vector<16xi32>,
      tpu.vector_store %arg9[%swap3A], %convert_element_type3A {strides = array<i32>} : memref<512xi32, #tpu.memory_space<vmem>>, vector<16xi32>,
      tpu.vector_store_idx %arg13[%convert_element_type3A, %add3A_155], %broadcast_in_dim3A_3 : memref<32x512xf32, #tpu.memory_space<vmem>>[vector<16xi32>, vector<16xi32>], vector<16xf32>,
      %mul3A_157 = arith.constant 64 : i32
      %mul3A_158 = arith.muli %scan3A_145, %mul3A_157 : i32
      %add3A_159 = arith.constant 16 : i32
      %add3A_160 = arith.addi %mul3A_158, %add3A_159 : i32
      %get3A_161 = arith.index_cast %add3A_160 : i32 to index
      %get3A_162 = tpu.vector_load %arg5[%get3A_161] {strides = array<i32>} : memref<512xf32, #tpu.memory_space<vmem>>, vector<16xf32>,
      %mul3A_163 = arith.constant 3.200000e+01 : f32
      %mul3A_164 = vector.broadcast %mul3A_163 : f32 to vector<16xf32>
      %mul3A_165 = arith.mulf %get3A_162, %mul3A_164 : vector<16xf32>
      %convert_element_type3A_166 = arith.fptosi %mul3A_165 : vector<16xf32> to vector<16xi32>
      %add3A_167 = vector.broadcast %add3A_160 : i32 to vector<16xi32>
      %add3A_168 = arith.addi %add3A_167, %iota3A : vector<16xi32>
      %swap3A_169 = arith.index_cast %add3A_160 : i32 to index
      %swap3A_170 = tpu.vector_load %arg9[%swap3A_169] {strides = array<i32>} : memref<512xi32, #tpu.memory_space<vmem>>, vector<16xi32>,
      tpu.vector_store %arg9[%swap3A_169], %convert_element_type3A_166 {strides = array<i32>} : memref<512xi32, #tpu.memory_space<vmem>>, vector<16xi32>,
      tpu.vector_store_idx %arg13[%convert_element_type3A_166, %add3A_168], %broadcast_in_dim3A_3 : memref<32x512xf32, #tpu.memory_space<vmem>>[vector<16xi32>, vector<16xi32>], vector<16xf32>,
      %mul3A_171 = arith.constant 64 : i32
      %mul3A_172 = arith.muli %scan3A_145, %mul3A_171 : i32
      %add3A_173 = arith.constant 32 : i32
      %add3A_174 = arith.addi %mul3A_172, %add3A_173 : i32
      %get3A_175 = arith.index_cast %add3A_174 : i32 to index
      %get3A_176 = tpu.vector_load %arg5[%get3A_175] {strides = array<i32>} : memref<512xf32, #tpu.memory_space<vmem>>, vector<16xf32>,
      %mul3A_177 = arith.constant 3.200000e+01 : f32
      %mul3A_178 = vector.broadcast %mul3A_177 : f32 to vector<16xf32>
      %mul3A_179 = arith.mulf %get3A_176, %mul3A_178 : vector<16xf32>
      %convert_element_type3A_180 = arith.fptosi %mul3A_179 : vector<16xf32> to vector<16xi32>
      %add3A_181 = vector.broadcast %add3A_174 : i32 to vector<16xi32>
      %add3A_182 = arith.addi %add3A_181, %iota3A : vector<16xi32>
      %swap3A_183 = arith.index_cast %add3A_174 : i32 to index
      %swap3A_184 = tpu.vector_load %arg9[%swap3A_183] {strides = array<i32>} : memref<512xi32, #tpu.memory_space<vmem>>, vector<16xi32>,
      tpu.vector_store %arg9[%swap3A_183], %convert_element_type3A_180 {strides = array<i32>} : memref<512xi32, #tpu.memory_space<vmem>>, vector<16xi32>,
      tpu.vector_store_idx %arg13[%convert_element_type3A_180, %add3A_182], %broadcast_in_dim3A_3 : memref<32x512xf32, #tpu.memory_space<vmem>>[vector<16xi32>, vector<16xi32>], vector<16xf32>,
      %mul3A_185 = arith.constant 64 : i32
      %mul3A_186 = arith.muli %scan3A_145, %mul3A_185 : i32
      %add3A_187 = arith.constant 48 : i32
      %add3A_188 = arith.addi %mul3A_186, %add3A_187 : i32
      %get3A_189 = arith.index_cast %add3A_188 : i32 to index
      %get3A_190 = tpu.vector_load %arg5[%get3A_189] {strides = array<i32>} : memref<512xf32, #tpu.memory_space<vmem>>, vector<16xf32>,
      %mul3A_191 = arith.constant 3.200000e+01 : f32
      %mul3A_192 = vector.broadcast %mul3A_191 : f32 to vector<16xf32>
      %mul3A_193 = arith.mulf %get3A_190, %mul3A_192 : vector<16xf32>
      %convert_element_type3A_194 = arith.fptosi %mul3A_193 : vector<16xf32> to vector<16xi32>
      %add3A_195 = vector.broadcast %add3A_188 : i32 to vector<16xi32>
      %add3A_196 = arith.addi %add3A_195, %iota3A : vector<16xi32>
      %swap3A_197 = arith.index_cast %add3A_188 : i32 to index
      %swap3A_198 = tpu.vector_load %arg9[%swap3A_197] {strides = array<i32>} : memref<512xi32, #tpu.memory_space<vmem>>, vector<16xi32>,
      tpu.vector_store %arg9[%swap3A_197], %convert_element_type3A_194 {strides = array<i32>} : memref<512xi32, #tpu.memory_space<vmem>>, vector<16xi32>,
      tpu.vector_store_idx %arg13[%convert_element_type3A_194, %add3A_196], %broadcast_in_dim3A_3 : memref<32x512xf32, #tpu.memory_space<vmem>>[vector<16xi32>, vector<16xi32>], vector<16xf32>,
    }
    %scan3A_56 = arith.constant 8 : i32
    %add3A_57 = arith.constant 512 : i32
    %add3A_58 = arith.addi %mul3A_2, %add3A_57 : i32
    %dma_start3A_59 = arith.constant 0 : i32
    %dma_start3A_60 = tpu.memref_slice %arg3[%dma_start3A_59, %add3A_58] : memref<32x2097152xf32, #tpu.memory_space<hbm>> -> memref<32x512xf32, #tpu.memory_space<hbm>>
    %dma_start3A_61 = arith.constant 0 : i32
    %dma_start3A_62 = tpu.memref_slice %arg3[%dma_start3A_61, %add3A_58] : memref<32x2097152xf32, #tpu.memory_space<hbm>> -> memref<32x512xf32, #tpu.memory_space<hbm>>
    tpu.enqueue_dma source(%arg13 : memref<32x512xf32, #tpu.memory_space<vmem>>) target(%dma_start3A_62 : memref<32x512xf32, #tpu.memory_space<hbm>>) target_semaphore(%arg21 : memref<!tpu.dma_semaphore, #tpu.memory_space<semaphore_mem>>)
    %add3A_63 = arith.constant 2560 : i32
    %add3A_64 = arith.addi %mul3A_2, %add3A_63 : i32
    %dma_start3A_65 = tpu.memref_slice %arg2[%add3A_64] : memref<2097152xf32, #tpu.memory_space<hbm>> -> memref<512xf32, #tpu.memory_space<hbm>>
    %dma_start3A_66 = tpu.memref_slice %arg2[%add3A_64] : memref<2097152xf32, #tpu.memory_space<hbm>> -> memref<512xf32, #tpu.memory_space<hbm>>
    tpu.enqueue_dma source(%dma_start3A_66 : memref<512xf32, #tpu.memory_space<hbm>>) target(%arg5 : memref<512xf32, #tpu.memory_space<vmem>>) target_semaphore(%arg17 : memref<!tpu.dma_semaphore, #tpu.memory_space<semaphore_mem>>)
    %scan3A_67 = arith.constant 0 : i32
    %scan3A_68 = arith.constant 0 : i32
    %scan3A_69 = arith.constant 32 : i32
    %scan3A_70 = arith.addi %scan3A_68, %scan3A_69 : i32
    %scan3A_71 = arith.constant 1 : i32
    scf.for %scan3A_145 = %scan3A_68 to %scan3A_70 step %scan3A_71  : i32 {
      %mul3A_146 = arith.constant 16 : i32
      %mul3A_147 = arith.muli %scan3A_145, %mul3A_146 : i32
      %swap3A = arith.constant 0 : i32
      %swap3A_148 = arith.index_cast %swap3A : i32 to index
      %swap3A_149 = arith.index_cast %mul3A_147 : i32 to index
      %swap3A_150 = tpu.vector_load %arg14[%swap3A_148, %swap3A_149] {strides = array<i32>} : memref<32x512xf32, #tpu.memory_space<vmem>>, vector<16xf32>,
      tpu.vector_store %arg14[%swap3A_148, %swap3A_149], %broadcast_in_dim3A_5 {strides = array<i32>} : memref<32x512xf32, #tpu.memory_space<vmem>>, vector<16xf32>,
      %mul3A_151 = arith.constant 16 : i32
      %mul3A_152 = arith.muli %scan3A_145, %mul3A_151 : i32
      %swap3A_153 = arith.constant 1 : i32
      %swap3A_154 = arith.index_cast %swap3A_153 : i32 to index
      %swap3A_155 = arith.index_cast %mul3A_152 : i32 to index
      %swap3A_156 = tpu.vector_load %arg14[%swap3A_154, %swap3A_155] {strides = array<i32>} : memref<32x512xf32, #tpu.memory_space<vmem>>, vector<16xf32>,
      tpu.vector_store %arg14[%swap3A_154, %swap3A_155], %broadcast_in_dim3A_5 {strides = array<i32>} : memref<32x512xf32, #tpu.memory_space<vmem>>, vector<16xf32>,
      %mul3A_157 = arith.constant 16 : i32
      %mul3A_158 = arith.muli %scan3A_145, %mul3A_157 : i32
      %swap3A_159 = arith.constant 2 : i32
      %swap3A_160 = arith.index_cast %swap3A_159 : i32 to index
      %swap3A_161 = arith.index_cast %mul3A_158 : i32 to index
      %swap3A_162 = tpu.vector_load %arg14[%swap3A_160, %swap3A_161] {strides = array<i32>} : memref<32x512xf32, #tpu.memory_space<vmem>>, vector<16xf32>,
      tpu.vector_store %arg14[%swap3A_160, %swap3A_161], %broadcast_in_dim3A_5 {strides = array<i32>} : memref<32x512xf32, #tpu.memory_space<vmem>>, vector<16xf32>,
      %mul3A_163 = arith.constant 16 : i32
      %mul3A_164 = arith.muli %scan3A_145, %mul3A_163 : i32
      %swap3A_165 = arith.constant 3 : i32
      %swap3A_166 = arith.index_cast %swap3A_165 : i32 to index
      %swap3A_167 = arith.index_cast %mul3A_164 : i32 to index
      %swap3A_168 = tpu.vector_load %arg14[%swap3A_166, %swap3A_167] {strides = array<i32>} : memref<32x512xf32, #tpu.memory_space<vmem>>, vector<16xf32>,
      tpu.vector_store %arg14[%swap3A_166, %swap3A_167], %broadcast_in_dim3A_5 {strides = array<i32>} : memref<32x512xf32, #tpu.memory_space<vmem>>, vector<16xf32>,
      %mul3A_169 = arith.constant 16 : i32
      %mul3A_170 = arith.muli %scan3A_145, %mul3A_169 : i32
      %swap3A_171 = arith.constant 4 : i32
      %swap3A_172 = arith.index_cast %swap3A_171 : i32 to index
      %swap3A_173 = arith.index_cast %mul3A_170 : i32 to index
      %swap3A_174 = tpu.vector_load %arg14[%swap3A_172, %swap3A_173] {strides = array<i32>} : memref<32x512xf32, #tpu.memory_space<vmem>>, vector<16xf32>,
      tpu.vector_store %arg14[%swap3A_172, %swap3A_173], %broadcast_in_dim3A_5 {strides = array<i32>} : memref<32x512xf32, #tpu.memory_space<vmem>>, vector<16xf32>,
      %mul3A_175 = arith.constant 16 : i32
      %mul3A_176 = arith.muli %scan3A_145, %mul3A_175 : i32
      %swap3A_177 = arith.constant 5 : i32
      %swap3A_178 = arith.index_cast %swap3A_177 : i32 to index
      %swap3A_179 = arith.index_cast %mul3A_176 : i32 to index
      %swap3A_180 = tpu.vector_load %arg14[%swap3A_178, %swap3A_179] {strides = array<i32>} : memref<32x512xf32, #tpu.memory_space<vmem>>, vector<16xf32>,
      tpu.vector_store %arg14[%swap3A_178, %swap3A_179], %broadcast_in_dim3A_5 {strides = array<i32>} : memref<32x512xf32, #tpu.memory_space<vmem>>, vector<16xf32>,
      %mul3A_181 = arith.constant 16 : i32
      %mul3A_182 = arith.muli %scan3A_145, %mul3A_181 : i32
      %swap3A_183 = arith.constant 6 : i32
      %swap3A_184 = arith.index_cast %swap3A_183 : i32 to index
      %swap3A_185 = arith.index_cast %mul3A_182 : i32 to index
      %swap3A_186 = tpu.vector_load %arg14[%swap3A_184, %swap3A_185] {strides = array<i32>} : memref<32x512xf32, #tpu.memory_space<vmem>>, vector<16xf32>,
      tpu.vector_store %arg14[%swap3A_184, %swap3A_185], %broadcast_in_dim3A_5 {strides = array<i32>} : memref<32x512xf32, #tpu.memory_space<vmem>>, vector<16xf32>,
      %mul3A_187 = arith.constant 16 : i32
      %mul3A_188 = arith.muli %scan3A_145, %mul3A_187 : i32
      %swap3A_189 = arith.constant 7 : i32
      %swap3A_190 = arith.index_cast %swap3A_189 : i32 to index
      %swap3A_191 = arith.index_cast %mul3A_188 : i32 to index
      %swap3A_192 = tpu.vector_load %arg14[%swap3A_190, %swap3A_191] {strides = array<i32>} : memref<32x512xf32, #tpu.memory_space<vmem>>, vector<16xf32>,
      tpu.vector_store %arg14[%swap3A_190, %swap3A_191], %broadcast_in_dim3A_5 {strides = array<i32>} : memref<32x512xf32, #tpu.memory_space<vmem>>, vector<16xf32>,
      %mul3A_193 = arith.constant 16 : i32
      %mul3A_194 = arith.muli %scan3A_145, %mul3A_193 : i32
      %swap3A_195 = arith.constant 8 : i32
      %swap3A_196 = arith.index_cast %swap3A_195 : i32 to index
      %swap3A_197 = arith.index_cast %mul3A_194 : i32 to index
      %swap3A_198 = tpu.vector_load %arg14[%swap3A_196, %swap3A_197] {strides = array<i32>} : memref<32x512xf32, #tpu.memory_space<vmem>>, vector<16xf32>,
      tpu.vector_store %arg14[%swap3A_196, %swap3A_197], %broadcast_in_dim3A_5 {strides = array<i32>} : memref<32x512xf32, #tpu.memory_space<vmem>>, vector<16xf32>,
      %mul3A_199 = arith.constant 16 : i32
      %mul3A_200 = arith.muli %scan3A_145, %mul3A_199 : i32
      %swap3A_201 = arith.constant 9 : i32
      %swap3A_202 = arith.index_cast %swap3A_201 : i32 to index
      %swap3A_203 = arith.index_cast %mul3A_200 : i32 to index
      %swap3A_204 = tpu.vector_load %arg14[%swap3A_202, %swap3A_203] {strides = array<i32>} : memref<32x512xf32, #tpu.memory_space<vmem>>, vector<16xf32>,
      tpu.vector_store %arg14[%swap3A_202, %swap3A_203], %broadcast_in_dim3A_5 {strides = array<i32>} : memref<32x512xf32, #tpu.memory_space<vmem>>, vector<16xf32>,
      %mul3A_205 = arith.constant 16 : i32
      %mul3A_206 = arith.muli %scan3A_145, %mul3A_205 : i32
      %swap3A_207 = arith.constant 10 : i32
      %swap3A_208 = arith.index_cast %swap3A_207 : i32 to index
      %swap3A_209 = arith.index_cast %mul3A_206 : i32 to index
      %swap3A_210 = tpu.vector_load %arg14[%swap3A_208, %swap3A_209] {strides = array<i32>} : memref<32x512xf32, #tpu.memory_space<vmem>>, vector<16xf32>,
      tpu.vector_store %arg14[%swap3A_208, %swap3A_209], %broadcast_in_dim3A_5 {strides = array<i32>} : memref<32x512xf32, #tpu.memory_space<vmem>>, vector<16xf32>,
      %mul3A_211 = arith.constant 16 : i32
      %mul3A_212 = arith.muli %scan3A_145, %mul3A_211 : i32
      %swap3A_213 = arith.constant 11 : i32
      %swap3A_214 = arith.index_cast %swap3A_213 : i32 to index
      %swap3A_215 = arith.index_cast %mul3A_212 : i32 to index
      %swap3A_216 = tpu.vector_load %arg14[%swap3A_214, %swap3A_215] {strides = array<i32>} : memref<32x512xf32, #tpu.memory_space<vmem>>, vector<16xf32>,
      tpu.vector_store %arg14[%swap3A_214, %swap3A_215], %broadcast_in_dim3A_5 {strides = array<i32>} : memref<32x512xf32, #tpu.memory_space<vmem>>, vector<16xf32>,
      %mul3A_217 = arith.constant 16 : i32
      %mul3A_218 = arith.muli %scan3A_145, %mul3A_217 : i32
      %swap3A_219 = arith.constant 12 : i32
      %swap3A_220 = arith.index_cast %swap3A_219 : i32 to index
      %swap3A_221 = arith.index_cast %mul3A_218 : i32 to index
      %swap3A_222 = tpu.vector_load %arg14[%swap3A_220, %swap3A_221] {strides = array<i32>} : memref<32x512xf32, #tpu.memory_space<vmem>>, vector<16xf32>,
      tpu.vector_store %arg14[%swap3A_220, %swap3A_221], %broadcast_in_dim3A_5 {strides = array<i32>} : memref<32x512xf32, #tpu.memory_space<vmem>>, vector<16xf32>,
      %mul3A_223 = arith.constant 16 : i32
      %mul3A_224 = arith.muli %scan3A_145, %mul3A_223 : i32
      %swap3A_225 = arith.constant 13 : i32
      %swap3A_226 = arith.index_cast %swap3A_225 : i32 to index
      %swap3A_227 = arith.index_cast %mul3A_224 : i32 to index
      %swap3A_228 = tpu.vector_load %arg14[%swap3A_226, %swap3A_227] {strides = array<i32>} : memref<32x512xf32, #tpu.memory_space<vmem>>, vector<16xf32>,
      tpu.vector_store %arg14[%swap3A_226, %swap3A_227], %broadcast_in_dim3A_5 {strides = array<i32>} : memref<32x512xf32, #tpu.memory_space<vmem>>, vector<16xf32>,
      %mul3A_229 = arith.constant 16 : i32
      %mul3A_230 = arith.muli %scan3A_145, %mul3A_229 : i32
      %swap3A_231 = arith.constant 14 : i32
      %swap3A_232 = arith.index_cast %swap3A_231 : i32 to index
      %swap3A_233 = arith.index_cast %mul3A_230 : i32 to index
      %swap3A_234 = tpu.vector_load %arg14[%swap3A_232, %swap3A_233] {strides = array<i32>} : memref<32x512xf32, #tpu.memory_space<vmem>>, vector<16xf32>,
      tpu.vector_store %arg14[%swap3A_232, %swap3A_233], %broadcast_in_dim3A_5 {strides = array<i32>} : memref<32x512xf32, #tpu.memory_space<vmem>>, vector<16xf32>,
      %mul3A_235 = arith.constant 16 : i32
      %mul3A_236 = arith.muli %scan3A_145, %mul3A_235 : i32
      %swap3A_237 = arith.constant 15 : i32
      %swap3A_238 = arith.index_cast %swap3A_237 : i32 to index
      %swap3A_239 = arith.index_cast %mul3A_236 : i32 to index
      %swap3A_240 = tpu.vector_load %arg14[%swap3A_238, %swap3A_239] {strides = array<i32>} : memref<32x512xf32, #tpu.memory_space<vmem>>, vector<16xf32>,
      tpu.vector_store %arg14[%swap3A_238, %swap3A_239], %broadcast_in_dim3A_5 {strides = array<i32>} : memref<32x512xf32, #tpu.memory_space<vmem>>, vector<16xf32>,
      %mul3A_241 = arith.constant 16 : i32
      %mul3A_242 = arith.muli %scan3A_145, %mul3A_241 : i32
      %swap3A_243 = arith.constant 16 : i32
      %swap3A_244 = arith.index_cast %swap3A_243 : i32 to index
      %swap3A_245 = arith.index_cast %mul3A_242 : i32 to index
      %swap3A_246 = tpu.vector_load %arg14[%swap3A_244, %swap3A_245] {strides = array<i32>} : memref<32x512xf32, #tpu.memory_space<vmem>>, vector<16xf32>,
      tpu.vector_store %arg14[%swap3A_244, %swap3A_245], %broadcast_in_dim3A_5 {strides = array<i32>} : memref<32x512xf32, #tpu.memory_space<vmem>>, vector<16xf32>,
      %mul3A_247 = arith.constant 16 : i32
      %mul3A_248 = arith.muli %scan3A_145, %mul3A_247 : i32
      %swap3A_249 = arith.constant 17 : i32
      %swap3A_250 = arith.index_cast %swap3A_249 : i32 to index
      %swap3A_251 = arith.index_cast %mul3A_248 : i32 to index
      %swap3A_252 = tpu.vector_load %arg14[%swap3A_250, %swap3A_251] {strides = array<i32>} : memref<32x512xf32, #tpu.memory_space<vmem>>, vector<16xf32>,
      tpu.vector_store %arg14[%swap3A_250, %swap3A_251], %broadcast_in_dim3A_5 {strides = array<i32>} : memref<32x512xf32, #tpu.memory_space<vmem>>, vector<16xf32>,
      %mul3A_253 = arith.constant 16 : i32
      %mul3A_254 = arith.muli %scan3A_145, %mul3A_253 : i32
      %swap3A_255 = arith.constant 18 : i32
      %swap3A_256 = arith.index_cast %swap3A_255 : i32 to index
      %swap3A_257 = arith.index_cast %mul3A_254 : i32 to index
      %swap3A_258 = tpu.vector_load %arg14[%swap3A_256, %swap3A_257] {strides = array<i32>} : memref<32x512xf32, #tpu.memory_space<vmem>>, vector<16xf32>,
      tpu.vector_store %arg14[%swap3A_256, %swap3A_257], %broadcast_in_dim3A_5 {strides = array<i32>} : memref<32x512xf32, #tpu.memory_space<vmem>>, vector<16xf32>,
      %mul3A_259 = arith.constant 16 : i32
      %mul3A_260 = arith.muli %scan3A_145, %mul3A_259 : i32
      %swap3A_261 = arith.constant 19 : i32
      %swap3A_262 = arith.index_cast %swap3A_261 : i32 to index
      %swap3A_263 = arith.index_cast %mul3A_260 : i32 to index
      %swap3A_264 = tpu.vector_load %arg14[%swap3A_262, %swap3A_263] {strides = array<i32>} : memref<32x512xf32, #tpu.memory_space<vmem>>, vector<16xf32>,
      tpu.vector_store %arg14[%swap3A_262, %swap3A_263], %broadcast_in_dim3A_5 {strides = array<i32>} : memref<32x512xf32, #tpu.memory_space<vmem>>, vector<16xf32>,
      %mul3A_265 = arith.constant 16 : i32
      %mul3A_266 = arith.muli %scan3A_145, %mul3A_265 : i32
      %swap3A_267 = arith.constant 20 : i32
      %swap3A_268 = arith.index_cast %swap3A_267 : i32 to index
      %swap3A_269 = arith.index_cast %mul3A_266 : i32 to index
      %swap3A_270 = tpu.vector_load %arg14[%swap3A_268, %swap3A_269] {strides = array<i32>} : memref<32x512xf32, #tpu.memory_space<vmem>>, vector<16xf32>,
      tpu.vector_store %arg14[%swap3A_268, %swap3A_269], %broadcast_in_dim3A_5 {strides = array<i32>} : memref<32x512xf32, #tpu.memory_space<vmem>>, vector<16xf32>,
      %mul3A_271 = arith.constant 16 : i32
      %mul3A_272 = arith.muli %scan3A_145, %mul3A_271 : i32
      %swap3A_273 = arith.constant 21 : i32
      %swap3A_274 = arith.index_cast %swap3A_273 : i32 to index
      %swap3A_275 = arith.index_cast %mul3A_272 : i32 to index
      %swap3A_276 = tpu.vector_load %arg14[%swap3A_274, %swap3A_275] {strides = array<i32>} : memref<32x512xf32, #tpu.memory_space<vmem>>, vector<16xf32>,
      tpu.vector_store %arg14[%swap3A_274, %swap3A_275], %broadcast_in_dim3A_5 {strides = array<i32>} : memref<32x512xf32, #tpu.memory_space<vmem>>, vector<16xf32>,
      %mul3A_277 = arith.constant 16 : i32
      %mul3A_278 = arith.muli %scan3A_145, %mul3A_277 : i32
      %swap3A_279 = arith.constant 22 : i32
      %swap3A_280 = arith.index_cast %swap3A_279 : i32 to index
      %swap3A_281 = arith.index_cast %mul3A_278 : i32 to index
      %swap3A_282 = tpu.vector_load %arg14[%swap3A_280, %swap3A_281] {strides = array<i32>} : memref<32x512xf32, #tpu.memory_space<vmem>>, vector<16xf32>,
      tpu.vector_store %arg14[%swap3A_280, %swap3A_281], %broadcast_in_dim3A_5 {strides = array<i32>} : memref<32x512xf32, #tpu.memory_space<vmem>>, vector<16xf32>,
      %mul3A_283 = arith.constant 16 : i32
      %mul3A_284 = arith.muli %scan3A_145, %mul3A_283 : i32
      %swap3A_285 = arith.constant 23 : i32
      %swap3A_286 = arith.index_cast %swap3A_285 : i32 to index
      %swap3A_287 = arith.index_cast %mul3A_284 : i32 to index
      %swap3A_288 = tpu.vector_load %arg14[%swap3A_286, %swap3A_287] {strides = array<i32>} : memref<32x512xf32, #tpu.memory_space<vmem>>, vector<16xf32>,
      tpu.vector_store %arg14[%swap3A_286, %swap3A_287], %broadcast_in_dim3A_5 {strides = array<i32>} : memref<32x512xf32, #tpu.memory_space<vmem>>, vector<16xf32>,
      %mul3A_289 = arith.constant 16 : i32
      %mul3A_290 = arith.muli %scan3A_145, %mul3A_289 : i32
      %swap3A_291 = arith.constant 24 : i32
      %swap3A_292 = arith.index_cast %swap3A_291 : i32 to index
      %swap3A_293 = arith.index_cast %mul3A_290 : i32 to index
      %swap3A_294 = tpu.vector_load %arg14[%swap3A_292, %swap3A_293] {strides = array<i32>} : memref<32x512xf32, #tpu.memory_space<vmem>>, vector<16xf32>,
      tpu.vector_store %arg14[%swap3A_292, %swap3A_293], %broadcast_in_dim3A_5 {strides = array<i32>} : memref<32x512xf32, #tpu.memory_space<vmem>>, vector<16xf32>,
      %mul3A_295 = arith.constant 16 : i32
      %mul3A_296 = arith.muli %scan3A_145, %mul3A_295 : i32
      %swap3A_297 = arith.constant 25 : i32
      %swap3A_298 = arith.index_cast %swap3A_297 : i32 to index
      %swap3A_299 = arith.index_cast %mul3A_296 : i32 to index
      %swap3A_300 = tpu.vector_load %arg14[%swap3A_298, %swap3A_299] {strides = array<i32>} : memref<32x512xf32, #tpu.memory_space<vmem>>, vector<16xf32>,
      tpu.vector_store %arg14[%swap3A_298, %swap3A_299], %broadcast_in_dim3A_5 {strides = array<i32>} : memref<32x512xf32, #tpu.memory_space<vmem>>, vector<16xf32>,
      %mul3A_301 = arith.constant 16 : i32
      %mul3A_302 = arith.muli %scan3A_145, %mul3A_301 : i32
      %swap3A_303 = arith.constant 26 : i32
      %swap3A_304 = arith.index_cast %swap3A_303 : i32 to index
      %swap3A_305 = arith.index_cast %mul3A_302 : i32 to index
      %swap3A_306 = tpu.vector_load %arg14[%swap3A_304, %swap3A_305] {strides = array<i32>} : memref<32x512xf32, #tpu.memory_space<vmem>>, vector<16xf32>,
      tpu.vector_store %arg14[%swap3A_304, %swap3A_305], %broadcast_in_dim3A_5 {strides = array<i32>} : memref<32x512xf32, #tpu.memory_space<vmem>>, vector<16xf32>,
      %mul3A_307 = arith.constant 16 : i32
      %mul3A_308 = arith.muli %scan3A_145, %mul3A_307 : i32
      %swap3A_309 = arith.constant 27 : i32
      %swap3A_310 = arith.index_cast %swap3A_309 : i32 to index
      %swap3A_311 = arith.index_cast %mul3A_308 : i32 to index
      %swap3A_312 = tpu.vector_load %arg14[%swap3A_310, %swap3A_311] {strides = array<i32>} : memref<32x512xf32, #tpu.memory_space<vmem>>, vector<16xf32>,
      tpu.vector_store %arg14[%swap3A_310, %swap3A_311], %broadcast_in_dim3A_5 {strides = array<i32>} : memref<32x512xf32, #tpu.memory_space<vmem>>, vector<16xf32>,
      %mul3A_313 = arith.constant 16 : i32
      %mul3A_314 = arith.muli %scan3A_145, %mul3A_313 : i32
      %swap3A_315 = arith.constant 28 : i32
      %swap3A_316 = arith.index_cast %swap3A_315 : i32 to index
      %swap3A_317 = arith.index_cast %mul3A_314 : i32 to index
      %swap3A_318 = tpu.vector_load %arg14[%swap3A_316, %swap3A_317] {strides = array<i32>} : memref<32x512xf32, #tpu.memory_space<vmem>>, vector<16xf32>,
      tpu.vector_store %arg14[%swap3A_316, %swap3A_317], %broadcast_in_dim3A_5 {strides = array<i32>} : memref<32x512xf32, #tpu.memory_space<vmem>>, vector<16xf32>,
      %mul3A_319 = arith.constant 16 : i32
      %mul3A_320 = arith.muli %scan3A_145, %mul3A_319 : i32
      %swap3A_321 = arith.constant 29 : i32
      %swap3A_322 = arith.index_cast %swap3A_321 : i32 to index
      %swap3A_323 = arith.index_cast %mul3A_320 : i32 to index
      %swap3A_324 = tpu.vector_load %arg14[%swap3A_322, %swap3A_323] {strides = array<i32>} : memref<32x512xf32, #tpu.memory_space<vmem>>, vector<16xf32>,
      tpu.vector_store %arg14[%swap3A_322, %swap3A_323], %broadcast_in_dim3A_5 {strides = array<i32>} : memref<32x512xf32, #tpu.memory_space<vmem>>, vector<16xf32>,
      %mul3A_325 = arith.constant 16 : i32
      %mul3A_326 = arith.muli %scan3A_145, %mul3A_325 : i32
      %swap3A_327 = arith.constant 30 : i32
      %swap3A_328 = arith.index_cast %swap3A_327 : i32 to index
      %swap3A_329 = arith.index_cast %mul3A_326 : i32 to index
      %swap3A_330 = tpu.vector_load %arg14[%swap3A_328, %swap3A_329] {strides = array<i32>} : memref<32x512xf32, #tpu.memory_space<vmem>>, vector<16xf32>,
      tpu.vector_store %arg14[%swap3A_328, %swap3A_329], %broadcast_in_dim3A_5 {strides = array<i32>} : memref<32x512xf32, #tpu.memory_space<vmem>>, vector<16xf32>,
      %mul3A_331 = arith.constant 16 : i32
      %mul3A_332 = arith.muli %scan3A_145, %mul3A_331 : i32
      %swap3A_333 = arith.constant 31 : i32
      %swap3A_334 = arith.index_cast %swap3A_333 : i32 to index
      %swap3A_335 = arith.index_cast %mul3A_332 : i32 to index
      %swap3A_336 = tpu.vector_load %arg14[%swap3A_334, %swap3A_335] {strides = array<i32>} : memref<32x512xf32, #tpu.memory_space<vmem>>, vector<16xf32>,
      tpu.vector_store %arg14[%swap3A_334, %swap3A_335], %broadcast_in_dim3A_5 {strides = array<i32>} : memref<32x512xf32, #tpu.memory_space<vmem>>, vector<16xf32>,
    }
    %scan3A_72 = arith.constant 32 : i32
    %dma_wait3A_73 = tpu.memref_slice %arg2[%mul3A_2] : memref<2097152xf32, #tpu.memory_space<hbm>> -> memref<512xf32, #tpu.memory_space<hbm>>
    %dma_wait3A_74 = tpu.memref_slice %arg2[%mul3A_2] : memref<2097152xf32, #tpu.memory_space<hbm>> -> memref<512xf32, #tpu.memory_space<hbm>>
    tpu.wait_dma2 semaphore(%arg18 : memref<!tpu.dma_semaphore, #tpu.memory_space<semaphore_mem>>) src(%dma_wait3A_74 : memref<512xf32, #tpu.memory_space<hbm>>) dst(%arg6 : memref<512xf32, #tpu.memory_space<vmem>>)
    %scan3A_75 = arith.constant 0 : i32
    %scan3A_76 = arith.constant 0 : i32
    %scan3A_77 = arith.constant 8 : i32
    %scan3A_78 = arith.addi %scan3A_76, %scan3A_77 : i32
    %scan3A_79 = arith.constant 1 : i32
    scf.for %scan3A_145 = %scan3A_76 to %scan3A_78 step %scan3A_79  : i32 {
      %mul3A_146 = arith.constant 64 : i32
      %mul3A_147 = arith.muli %scan3A_145, %mul3A_146 : i32
      %add3A_148 = arith.constant 0 : i32
      %add3A_149 = arith.addi %mul3A_147, %add3A_148 : i32
      %get3A = arith.index_cast %add3A_149 : i32 to index
      %get3A_150 = tpu.vector_load %arg6[%get3A] {strides = array<i32>} : memref<512xf32, #tpu.memory_space<vmem>>, vector<16xf32>,
      %mul3A_151 = arith.constant 3.200000e+01 : f32
      %mul3A_152 = vector.broadcast %mul3A_151 : f32 to vector<16xf32>
      %mul3A_153 = arith.mulf %get3A_150, %mul3A_152 : vector<16xf32>
      %convert_element_type3A = arith.fptosi %mul3A_153 : vector<16xf32> to vector<16xi32>
      %add3A_154 = vector.broadcast %add3A_149 : i32 to vector<16xi32>
      %add3A_155 = arith.addi %add3A_154, %iota3A : vector<16xi32>
      %swap3A = arith.index_cast %add3A_149 : i32 to index
      %swap3A_156 = tpu.vector_load %arg10[%swap3A] {strides = array<i32>} : memref<512xi32, #tpu.memory_space<vmem>>, vector<16xi32>,
      tpu.vector_store %arg10[%swap3A], %convert_element_type3A {strides = array<i32>} : memref<512xi32, #tpu.memory_space<vmem>>, vector<16xi32>,
      tpu.vector_store_idx %arg14[%convert_element_type3A, %add3A_155], %broadcast_in_dim3A_3 : memref<32x512xf32, #tpu.memory_space<vmem>>[vector<16xi32>, vector<16xi32>], vector<16xf32>,
      %mul3A_157 = arith.constant 64 : i32
      %mul3A_158 = arith.muli %scan3A_145, %mul3A_157 : i32
      %add3A_159 = arith.constant 16 : i32
      %add3A_160 = arith.addi %mul3A_158, %add3A_159 : i32
      %get3A_161 = arith.index_cast %add3A_160 : i32 to index
      %get3A_162 = tpu.vector_load %arg6[%get3A_161] {strides = array<i32>} : memref<512xf32, #tpu.memory_space<vmem>>, vector<16xf32>,
      %mul3A_163 = arith.constant 3.200000e+01 : f32
      %mul3A_164 = vector.broadcast %mul3A_163 : f32 to vector<16xf32>
      %mul3A_165 = arith.mulf %get3A_162, %mul3A_164 : vector<16xf32>
      %convert_element_type3A_166 = arith.fptosi %mul3A_165 : vector<16xf32> to vector<16xi32>
      %add3A_167 = vector.broadcast %add3A_160 : i32 to vector<16xi32>
      %add3A_168 = arith.addi %add3A_167, %iota3A : vector<16xi32>
      %swap3A_169 = arith.index_cast %add3A_160 : i32 to index
      %swap3A_170 = tpu.vector_load %arg10[%swap3A_169] {strides = array<i32>} : memref<512xi32, #tpu.memory_space<vmem>>, vector<16xi32>,
      tpu.vector_store %arg10[%swap3A_169], %convert_element_type3A_166 {strides = array<i32>} : memref<512xi32, #tpu.memory_space<vmem>>, vector<16xi32>,
      tpu.vector_store_idx %arg14[%convert_element_type3A_166, %add3A_168], %broadcast_in_dim3A_3 : memref<32x512xf32, #tpu.memory_space<vmem>>[vector<16xi32>, vector<16xi32>], vector<16xf32>,
      %mul3A_171 = arith.constant 64 : i32
      %mul3A_172 = arith.muli %scan3A_145, %mul3A_171 : i32
      %add3A_173 = arith.constant 32 : i32
      %add3A_174 = arith.addi %mul3A_172, %add3A_173 : i32
      %get3A_175 = arith.index_cast %add3A_174 : i32 to index
      %get3A_176 = tpu.vector_load %arg6[%get3A_175] {strides = array<i32>} : memref<512xf32, #tpu.memory_space<vmem>>, vector<16xf32>,
      %mul3A_177 = arith.constant 3.200000e+01 : f32
      %mul3A_178 = vector.broadcast %mul3A_177 : f32 to vector<16xf32>
      %mul3A_179 = arith.mulf %get3A_176, %mul3A_178 : vector<16xf32>
      %convert_element_type3A_180 = arith.fptosi %mul3A_179 : vector<16xf32> to vector<16xi32>
      %add3A_181 = vector.broadcast %add3A_174 : i32 to vector<16xi32>
      %add3A_182 = arith.addi %add3A_181, %iota3A : vector<16xi32>
      %swap3A_183 = arith.index_cast %add3A_174 : i32 to index
      %swap3A_184 = tpu.vector_load %arg10[%swap3A_183] {strides = array<i32>} : memref<512xi32, #tpu.memory_space<vmem>>, vector<16xi32>,
      tpu.vector_store %arg10[%swap3A_183], %convert_element_type3A_180 {strides = array<i32>} : memref<512xi32, #tpu.memory_space<vmem>>, vector<16xi32>,
      tpu.vector_store_idx %arg14[%convert_element_type3A_180, %add3A_182], %broadcast_in_dim3A_3 : memref<32x512xf32, #tpu.memory_space<vmem>>[vector<16xi32>, vector<16xi32>], vector<16xf32>,
      %mul3A_185 = arith.constant 64 : i32
      %mul3A_186 = arith.muli %scan3A_145, %mul3A_185 : i32
      %add3A_187 = arith.constant 48 : i32
      %add3A_188 = arith.addi %mul3A_186, %add3A_187 : i32
      %get3A_189 = arith.index_cast %add3A_188 : i32 to index
      %get3A_190 = tpu.vector_load %arg6[%get3A_189] {strides = array<i32>} : memref<512xf32, #tpu.memory_space<vmem>>, vector<16xf32>,
      %mul3A_191 = arith.constant 3.200000e+01 : f32
      %mul3A_192 = vector.broadcast %mul3A_191 : f32 to vector<16xf32>
      %mul3A_193 = arith.mulf %get3A_190, %mul3A_192 : vector<16xf32>
      %convert_element_type3A_194 = arith.fptosi %mul3A_193 : vector<16xf32> to vector<16xi32>
      %add3A_195 = vector.broadcast %add3A_188 : i32 to vector<16xi32>
      %add3A_196 = arith.addi %add3A_195, %iota3A : vector<16xi32>
      %swap3A_197 = arith.index_cast %add3A_188 : i32 to index
      %swap3A_198 = tpu.vector_load %arg10[%swap3A_197] {strides = array<i32>} : memref<512xi32, #tpu.memory_space<vmem>>, vector<16xi32>,
      tpu.vector_store %arg10[%swap3A_197], %convert_element_type3A_194 {strides = array<i32>} : memref<512xi32, #tpu.memory_space<vmem>>, vector<16xi32>,
      tpu.vector_store_idx %arg14[%convert_element_type3A_194, %add3A_196], %broadcast_in_dim3A_3 : memref<32x512xf32, #tpu.memory_space<vmem>>[vector<16xi32>, vector<16xi32>], vector<16xf32>,
    }
    %scan3A_80 = arith.constant 8 : i32
    %add3A_81 = arith.constant 1024 : i32
    %add3A_82 = arith.addi %mul3A_2, %add3A_81 : i32
    %dma_start3A_83 = arith.constant 0 : i32
    %dma_start3A_84 = tpu.memref_slice %arg3[%dma_start3A_83, %add3A_82] : memref<32x2097152xf32, #tpu.memory_space<hbm>> -> memref<32x512xf32, #tpu.memory_space<hbm>>
    %dma_start3A_85 = arith.constant 0 : i32
    %dma_start3A_86 = tpu.memref_slice %arg3[%dma_start3A_85, %add3A_82] : memref<32x2097152xf32, #tpu.memory_space<hbm>> -> memref<32x512xf32, #tpu.memory_space<hbm>>
    tpu.enqueue_dma source(%arg14 : memref<32x512xf32, #tpu.memory_space<vmem>>) target(%dma_start3A_86 : memref<32x512xf32, #tpu.memory_space<hbm>>) target_semaphore(%arg22 : memref<!tpu.dma_semaphore, #tpu.memory_space<semaphore_mem>>)
    %add3A_87 = arith.constant 3072 : i32
    %add3A_88 = arith.addi %mul3A_2, %add3A_87 : i32
    %dma_start3A_89 = tpu.memref_slice %arg2[%add3A_88] : memref<2097152xf32, #tpu.memory_space<hbm>> -> memref<512xf32, #tpu.memory_space<hbm>>
    %dma_start3A_90 = tpu.memref_slice %arg2[%add3A_88] : memref<2097152xf32, #tpu.memory_space<hbm>> -> memref<512xf32, #tpu.memory_space<hbm>>
    tpu.enqueue_dma source(%dma_start3A_90 : memref<512xf32, #tpu.memory_space<hbm>>) target(%arg6 : memref<512xf32, #tpu.memory_space<vmem>>) target_semaphore(%arg18 : memref<!tpu.dma_semaphore, #tpu.memory_space<semaphore_mem>>)
    %scan3A_91 = arith.constant 0 : i32
    %scan3A_92 = arith.constant 0 : i32
    %scan3A_93 = arith.constant 32 : i32
    %scan3A_94 = arith.addi %scan3A_92, %scan3A_93 : i32
    %scan3A_95 = arith.constant 1 : i32
    scf.for %scan3A_145 = %scan3A_92 to %scan3A_94 step %scan3A_95  : i32 {
      %mul3A_146 = arith.constant 16 : i32
      %mul3A_147 = arith.muli %scan3A_145, %mul3A_146 : i32
      %swap3A = arith.constant 0 : i32
      %swap3A_148 = arith.index_cast %swap3A : i32 to index
      %swap3A_149 = arith.index_cast %mul3A_147 : i32 to index
      %swap3A_150 = tpu.vector_load %arg15[%swap3A_148, %swap3A_149] {strides = array<i32>} : memref<32x512xf32, #tpu.memory_space<vmem>>, vector<16xf32>,
      tpu.vector_store %arg15[%swap3A_148, %swap3A_149], %broadcast_in_dim3A_5 {strides = array<i32>} : memref<32x512xf32, #tpu.memory_space<vmem>>, vector<16xf32>,
      %mul3A_151 = arith.constant 16 : i32
      %mul3A_152 = arith.muli %scan3A_145, %mul3A_151 : i32
      %swap3A_153 = arith.constant 1 : i32
      %swap3A_154 = arith.index_cast %swap3A_153 : i32 to index
      %swap3A_155 = arith.index_cast %mul3A_152 : i32 to index
      %swap3A_156 = tpu.vector_load %arg15[%swap3A_154, %swap3A_155] {strides = array<i32>} : memref<32x512xf32, #tpu.memory_space<vmem>>, vector<16xf32>,
      tpu.vector_store %arg15[%swap3A_154, %swap3A_155], %broadcast_in_dim3A_5 {strides = array<i32>} : memref<32x512xf32, #tpu.memory_space<vmem>>, vector<16xf32>,
      %mul3A_157 = arith.constant 16 : i32
      %mul3A_158 = arith.muli %scan3A_145, %mul3A_157 : i32
      %swap3A_159 = arith.constant 2 : i32
      %swap3A_160 = arith.index_cast %swap3A_159 : i32 to index
      %swap3A_161 = arith.index_cast %mul3A_158 : i32 to index
      %swap3A_162 = tpu.vector_load %arg15[%swap3A_160, %swap3A_161] {strides = array<i32>} : memref<32x512xf32, #tpu.memory_space<vmem>>, vector<16xf32>,
      tpu.vector_store %arg15[%swap3A_160, %swap3A_161], %broadcast_in_dim3A_5 {strides = array<i32>} : memref<32x512xf32, #tpu.memory_space<vmem>>, vector<16xf32>,
      %mul3A_163 = arith.constant 16 : i32
      %mul3A_164 = arith.muli %scan3A_145, %mul3A_163 : i32
      %swap3A_165 = arith.constant 3 : i32
      %swap3A_166 = arith.index_cast %swap3A_165 : i32 to index
      %swap3A_167 = arith.index_cast %mul3A_164 : i32 to index
      %swap3A_168 = tpu.vector_load %arg15[%swap3A_166, %swap3A_167] {strides = array<i32>} : memref<32x512xf32, #tpu.memory_space<vmem>>, vector<16xf32>,
      tpu.vector_store %arg15[%swap3A_166, %swap3A_167], %broadcast_in_dim3A_5 {strides = array<i32>} : memref<32x512xf32, #tpu.memory_space<vmem>>, vector<16xf32>,
      %mul3A_169 = arith.constant 16 : i32
      %mul3A_170 = arith.muli %scan3A_145, %mul3A_169 : i32
      %swap3A_171 = arith.constant 4 : i32
      %swap3A_172 = arith.index_cast %swap3A_171 : i32 to index
      %swap3A_173 = arith.index_cast %mul3A_170 : i32 to index
      %swap3A_174 = tpu.vector_load %arg15[%swap3A_172, %swap3A_173] {strides = array<i32>} : memref<32x512xf32, #tpu.memory_space<vmem>>, vector<16xf32>,
      tpu.vector_store %arg15[%swap3A_172, %swap3A_173], %broadcast_in_dim3A_5 {strides = array<i32>} : memref<32x512xf32, #tpu.memory_space<vmem>>, vector<16xf32>,
      %mul3A_175 = arith.constant 16 : i32
      %mul3A_176 = arith.muli %scan3A_145, %mul3A_175 : i32
      %swap3A_177 = arith.constant 5 : i32
      %swap3A_178 = arith.index_cast %swap3A_177 : i32 to index
      %swap3A_179 = arith.index_cast %mul3A_176 : i32 to index
      %swap3A_180 = tpu.vector_load %arg15[%swap3A_178, %swap3A_179] {strides = array<i32>} : memref<32x512xf32, #tpu.memory_space<vmem>>, vector<16xf32>,
      tpu.vector_store %arg15[%swap3A_178, %swap3A_179], %broadcast_in_dim3A_5 {strides = array<i32>} : memref<32x512xf32, #tpu.memory_space<vmem>>, vector<16xf32>,
      %mul3A_181 = arith.constant 16 : i32
      %mul3A_182 = arith.muli %scan3A_145, %mul3A_181 : i32
      %swap3A_183 = arith.constant 6 : i32
      %swap3A_184 = arith.index_cast %swap3A_183 : i32 to index
      %swap3A_185 = arith.index_cast %mul3A_182 : i32 to index
      %swap3A_186 = tpu.vector_load %arg15[%swap3A_184, %swap3A_185] {strides = array<i32>} : memref<32x512xf32, #tpu.memory_space<vmem>>, vector<16xf32>,
      tpu.vector_store %arg15[%swap3A_184, %swap3A_185], %broadcast_in_dim3A_5 {strides = array<i32>} : memref<32x512xf32, #tpu.memory_space<vmem>>, vector<16xf32>,
      %mul3A_187 = arith.constant 16 : i32
      %mul3A_188 = arith.muli %scan3A_145, %mul3A_187 : i32
      %swap3A_189 = arith.constant 7 : i32
      %swap3A_190 = arith.index_cast %swap3A_189 : i32 to index
      %swap3A_191 = arith.index_cast %mul3A_188 : i32 to index
      %swap3A_192 = tpu.vector_load %arg15[%swap3A_190, %swap3A_191] {strides = array<i32>} : memref<32x512xf32, #tpu.memory_space<vmem>>, vector<16xf32>,
      tpu.vector_store %arg15[%swap3A_190, %swap3A_191], %broadcast_in_dim3A_5 {strides = array<i32>} : memref<32x512xf32, #tpu.memory_space<vmem>>, vector<16xf32>,
      %mul3A_193 = arith.constant 16 : i32
      %mul3A_194 = arith.muli %scan3A_145, %mul3A_193 : i32
      %swap3A_195 = arith.constant 8 : i32
      %swap3A_196 = arith.index_cast %swap3A_195 : i32 to index
      %swap3A_197 = arith.index_cast %mul3A_194 : i32 to index
      %swap3A_198 = tpu.vector_load %arg15[%swap3A_196, %swap3A_197] {strides = array<i32>} : memref<32x512xf32, #tpu.memory_space<vmem>>, vector<16xf32>,
      tpu.vector_store %arg15[%swap3A_196, %swap3A_197], %broadcast_in_dim3A_5 {strides = array<i32>} : memref<32x512xf32, #tpu.memory_space<vmem>>, vector<16xf32>,
      %mul3A_199 = arith.constant 16 : i32
      %mul3A_200 = arith.muli %scan3A_145, %mul3A_199 : i32
      %swap3A_201 = arith.constant 9 : i32
      %swap3A_202 = arith.index_cast %swap3A_201 : i32 to index
      %swap3A_203 = arith.index_cast %mul3A_200 : i32 to index
      %swap3A_204 = tpu.vector_load %arg15[%swap3A_202, %swap3A_203] {strides = array<i32>} : memref<32x512xf32, #tpu.memory_space<vmem>>, vector<16xf32>,
      tpu.vector_store %arg15[%swap3A_202, %swap3A_203], %broadcast_in_dim3A_5 {strides = array<i32>} : memref<32x512xf32, #tpu.memory_space<vmem>>, vector<16xf32>,
      %mul3A_205 = arith.constant 16 : i32
      %mul3A_206 = arith.muli %scan3A_145, %mul3A_205 : i32
      %swap3A_207 = arith.constant 10 : i32
      %swap3A_208 = arith.index_cast %swap3A_207 : i32 to index
      %swap3A_209 = arith.index_cast %mul3A_206 : i32 to index
      %swap3A_210 = tpu.vector_load %arg15[%swap3A_208, %swap3A_209] {strides = array<i32>} : memref<32x512xf32, #tpu.memory_space<vmem>>, vector<16xf32>,
      tpu.vector_store %arg15[%swap3A_208, %swap3A_209], %broadcast_in_dim3A_5 {strides = array<i32>} : memref<32x512xf32, #tpu.memory_space<vmem>>, vector<16xf32>,
      %mul3A_211 = arith.constant 16 : i32
      %mul3A_212 = arith.muli %scan3A_145, %mul3A_211 : i32
      %swap3A_213 = arith.constant 11 : i32
      %swap3A_214 = arith.index_cast %swap3A_213 : i32 to index
      %swap3A_215 = arith.index_cast %mul3A_212 : i32 to index
      %swap3A_216 = tpu.vector_load %arg15[%swap3A_214, %swap3A_215] {strides = array<i32>} : memref<32x512xf32, #tpu.memory_space<vmem>>, vector<16xf32>,
      tpu.vector_store %arg15[%swap3A_214, %swap3A_215], %broadcast_in_dim3A_5 {strides = array<i32>} : memref<32x512xf32, #tpu.memory_space<vmem>>, vector<16xf32>,
      %mul3A_217 = arith.constant 16 : i32
      %mul3A_218 = arith.muli %scan3A_145, %mul3A_217 : i32
      %swap3A_219 = arith.constant 12 : i32
      %swap3A_220 = arith.index_cast %swap3A_219 : i32 to index
      %swap3A_221 = arith.index_cast %mul3A_218 : i32 to index
      %swap3A_222 = tpu.vector_load %arg15[%swap3A_220, %swap3A_221] {strides = array<i32>} : memref<32x512xf32, #tpu.memory_space<vmem>>, vector<16xf32>,
      tpu.vector_store %arg15[%swap3A_220, %swap3A_221], %broadcast_in_dim3A_5 {strides = array<i32>} : memref<32x512xf32, #tpu.memory_space<vmem>>, vector<16xf32>,
      %mul3A_223 = arith.constant 16 : i32
      %mul3A_224 = arith.muli %scan3A_145, %mul3A_223 : i32
      %swap3A_225 = arith.constant 13 : i32
      %swap3A_226 = arith.index_cast %swap3A_225 : i32 to index
      %swap3A_227 = arith.index_cast %mul3A_224 : i32 to index
      %swap3A_228 = tpu.vector_load %arg15[%swap3A_226, %swap3A_227] {strides = array<i32>} : memref<32x512xf32, #tpu.memory_space<vmem>>, vector<16xf32>,
      tpu.vector_store %arg15[%swap3A_226, %swap3A_227], %broadcast_in_dim3A_5 {strides = array<i32>} : memref<32x512xf32, #tpu.memory_space<vmem>>, vector<16xf32>,
      %mul3A_229 = arith.constant 16 : i32
      %mul3A_230 = arith.muli %scan3A_145, %mul3A_229 : i32
      %swap3A_231 = arith.constant 14 : i32
      %swap3A_232 = arith.index_cast %swap3A_231 : i32 to index
      %swap3A_233 = arith.index_cast %mul3A_230 : i32 to index
      %swap3A_234 = tpu.vector_load %arg15[%swap3A_232, %swap3A_233] {strides = array<i32>} : memref<32x512xf32, #tpu.memory_space<vmem>>, vector<16xf32>,
      tpu.vector_store %arg15[%swap3A_232, %swap3A_233], %broadcast_in_dim3A_5 {strides = array<i32>} : memref<32x512xf32, #tpu.memory_space<vmem>>, vector<16xf32>,
      %mul3A_235 = arith.constant 16 : i32
      %mul3A_236 = arith.muli %scan3A_145, %mul3A_235 : i32
      %swap3A_237 = arith.constant 15 : i32
      %swap3A_238 = arith.index_cast %swap3A_237 : i32 to index
      %swap3A_239 = arith.index_cast %mul3A_236 : i32 to index
      %swap3A_240 = tpu.vector_load %arg15[%swap3A_238, %swap3A_239] {strides = array<i32>} : memref<32x512xf32, #tpu.memory_space<vmem>>, vector<16xf32>,
      tpu.vector_store %arg15[%swap3A_238, %swap3A_239], %broadcast_in_dim3A_5 {strides = array<i32>} : memref<32x512xf32, #tpu.memory_space<vmem>>, vector<16xf32>,
      %mul3A_241 = arith.constant 16 : i32
      %mul3A_242 = arith.muli %scan3A_145, %mul3A_241 : i32
      %swap3A_243 = arith.constant 16 : i32
      %swap3A_244 = arith.index_cast %swap3A_243 : i32 to index
      %swap3A_245 = arith.index_cast %mul3A_242 : i32 to index
      %swap3A_246 = tpu.vector_load %arg15[%swap3A_244, %swap3A_245] {strides = array<i32>} : memref<32x512xf32, #tpu.memory_space<vmem>>, vector<16xf32>,
      tpu.vector_store %arg15[%swap3A_244, %swap3A_245], %broadcast_in_dim3A_5 {strides = array<i32>} : memref<32x512xf32, #tpu.memory_space<vmem>>, vector<16xf32>,
      %mul3A_247 = arith.constant 16 : i32
      %mul3A_248 = arith.muli %scan3A_145, %mul3A_247 : i32
      %swap3A_249 = arith.constant 17 : i32
      %swap3A_250 = arith.index_cast %swap3A_249 : i32 to index
      %swap3A_251 = arith.index_cast %mul3A_248 : i32 to index
      %swap3A_252 = tpu.vector_load %arg15[%swap3A_250, %swap3A_251] {strides = array<i32>} : memref<32x512xf32, #tpu.memory_space<vmem>>, vector<16xf32>,
      tpu.vector_store %arg15[%swap3A_250, %swap3A_251], %broadcast_in_dim3A_5 {strides = array<i32>} : memref<32x512xf32, #tpu.memory_space<vmem>>, vector<16xf32>,
      %mul3A_253 = arith.constant 16 : i32
      %mul3A_254 = arith.muli %scan3A_145, %mul3A_253 : i32
      %swap3A_255 = arith.constant 18 : i32
      %swap3A_256 = arith.index_cast %swap3A_255 : i32 to index
      %swap3A_257 = arith.index_cast %mul3A_254 : i32 to index
      %swap3A_258 = tpu.vector_load %arg15[%swap3A_256, %swap3A_257] {strides = array<i32>} : memref<32x512xf32, #tpu.memory_space<vmem>>, vector<16xf32>,
      tpu.vector_store %arg15[%swap3A_256, %swap3A_257], %broadcast_in_dim3A_5 {strides = array<i32>} : memref<32x512xf32, #tpu.memory_space<vmem>>, vector<16xf32>,
      %mul3A_259 = arith.constant 16 : i32
      %mul3A_260 = arith.muli %scan3A_145, %mul3A_259 : i32
      %swap3A_261 = arith.constant 19 : i32
      %swap3A_262 = arith.index_cast %swap3A_261 : i32 to index
      %swap3A_263 = arith.index_cast %mul3A_260 : i32 to index
      %swap3A_264 = tpu.vector_load %arg15[%swap3A_262, %swap3A_263] {strides = array<i32>} : memref<32x512xf32, #tpu.memory_space<vmem>>, vector<16xf32>,
      tpu.vector_store %arg15[%swap3A_262, %swap3A_263], %broadcast_in_dim3A_5 {strides = array<i32>} : memref<32x512xf32, #tpu.memory_space<vmem>>, vector<16xf32>,
      %mul3A_265 = arith.constant 16 : i32
      %mul3A_266 = arith.muli %scan3A_145, %mul3A_265 : i32
      %swap3A_267 = arith.constant 20 : i32
      %swap3A_268 = arith.index_cast %swap3A_267 : i32 to index
      %swap3A_269 = arith.index_cast %mul3A_266 : i32 to index
      %swap3A_270 = tpu.vector_load %arg15[%swap3A_268, %swap3A_269] {strides = array<i32>} : memref<32x512xf32, #tpu.memory_space<vmem>>, vector<16xf32>,
      tpu.vector_store %arg15[%swap3A_268, %swap3A_269], %broadcast_in_dim3A_5 {strides = array<i32>} : memref<32x512xf32, #tpu.memory_space<vmem>>, vector<16xf32>,
      %mul3A_271 = arith.constant 16 : i32
      %mul3A_272 = arith.muli %scan3A_145, %mul3A_271 : i32
      %swap3A_273 = arith.constant 21 : i32
      %swap3A_274 = arith.index_cast %swap3A_273 : i32 to index
      %swap3A_275 = arith.index_cast %mul3A_272 : i32 to index
      %swap3A_276 = tpu.vector_load %arg15[%swap3A_274, %swap3A_275] {strides = array<i32>} : memref<32x512xf32, #tpu.memory_space<vmem>>, vector<16xf32>,
      tpu.vector_store %arg15[%swap3A_274, %swap3A_275], %broadcast_in_dim3A_5 {strides = array<i32>} : memref<32x512xf32, #tpu.memory_space<vmem>>, vector<16xf32>,
      %mul3A_277 = arith.constant 16 : i32
      %mul3A_278 = arith.muli %scan3A_145, %mul3A_277 : i32
      %swap3A_279 = arith.constant 22 : i32
      %swap3A_280 = arith.index_cast %swap3A_279 : i32 to index
      %swap3A_281 = arith.index_cast %mul3A_278 : i32 to index
      %swap3A_282 = tpu.vector_load %arg15[%swap3A_280, %swap3A_281] {strides = array<i32>} : memref<32x512xf32, #tpu.memory_space<vmem>>, vector<16xf32>,
      tpu.vector_store %arg15[%swap3A_280, %swap3A_281], %broadcast_in_dim3A_5 {strides = array<i32>} : memref<32x512xf32, #tpu.memory_space<vmem>>, vector<16xf32>,
      %mul3A_283 = arith.constant 16 : i32
      %mul3A_284 = arith.muli %scan3A_145, %mul3A_283 : i32
      %swap3A_285 = arith.constant 23 : i32
      %swap3A_286 = arith.index_cast %swap3A_285 : i32 to index
      %swap3A_287 = arith.index_cast %mul3A_284 : i32 to index
      %swap3A_288 = tpu.vector_load %arg15[%swap3A_286, %swap3A_287] {strides = array<i32>} : memref<32x512xf32, #tpu.memory_space<vmem>>, vector<16xf32>,
      tpu.vector_store %arg15[%swap3A_286, %swap3A_287], %broadcast_in_dim3A_5 {strides = array<i32>} : memref<32x512xf32, #tpu.memory_space<vmem>>, vector<16xf32>,
      %mul3A_289 = arith.constant 16 : i32
      %mul3A_290 = arith.muli %scan3A_145, %mul3A_289 : i32
      %swap3A_291 = arith.constant 24 : i32
      %swap3A_292 = arith.index_cast %swap3A_291 : i32 to index
      %swap3A_293 = arith.index_cast %mul3A_290 : i32 to index
      %swap3A_294 = tpu.vector_load %arg15[%swap3A_292, %swap3A_293] {strides = array<i32>} : memref<32x512xf32, #tpu.memory_space<vmem>>, vector<16xf32>,
      tpu.vector_store %arg15[%swap3A_292, %swap3A_293], %broadcast_in_dim3A_5 {strides = array<i32>} : memref<32x512xf32, #tpu.memory_space<vmem>>, vector<16xf32>,
      %mul3A_295 = arith.constant 16 : i32
      %mul3A_296 = arith.muli %scan3A_145, %mul3A_295 : i32
      %swap3A_297 = arith.constant 25 : i32
      %swap3A_298 = arith.index_cast %swap3A_297 : i32 to index
      %swap3A_299 = arith.index_cast %mul3A_296 : i32 to index
      %swap3A_300 = tpu.vector_load %arg15[%swap3A_298, %swap3A_299] {strides = array<i32>} : memref<32x512xf32, #tpu.memory_space<vmem>>, vector<16xf32>,
      tpu.vector_store %arg15[%swap3A_298, %swap3A_299], %broadcast_in_dim3A_5 {strides = array<i32>} : memref<32x512xf32, #tpu.memory_space<vmem>>, vector<16xf32>,
      %mul3A_301 = arith.constant 16 : i32
      %mul3A_302 = arith.muli %scan3A_145, %mul3A_301 : i32
      %swap3A_303 = arith.constant 26 : i32
      %swap3A_304 = arith.index_cast %swap3A_303 : i32 to index
      %swap3A_305 = arith.index_cast %mul3A_302 : i32 to index
      %swap3A_306 = tpu.vector_load %arg15[%swap3A_304, %swap3A_305] {strides = array<i32>} : memref<32x512xf32, #tpu.memory_space<vmem>>, vector<16xf32>,
      tpu.vector_store %arg15[%swap3A_304, %swap3A_305], %broadcast_in_dim3A_5 {strides = array<i32>} : memref<32x512xf32, #tpu.memory_space<vmem>>, vector<16xf32>,
      %mul3A_307 = arith.constant 16 : i32
      %mul3A_308 = arith.muli %scan3A_145, %mul3A_307 : i32
      %swap3A_309 = arith.constant 27 : i32
      %swap3A_310 = arith.index_cast %swap3A_309 : i32 to index
      %swap3A_311 = arith.index_cast %mul3A_308 : i32 to index
      %swap3A_312 = tpu.vector_load %arg15[%swap3A_310, %swap3A_311] {strides = array<i32>} : memref<32x512xf32, #tpu.memory_space<vmem>>, vector<16xf32>,
      tpu.vector_store %arg15[%swap3A_310, %swap3A_311], %broadcast_in_dim3A_5 {strides = array<i32>} : memref<32x512xf32, #tpu.memory_space<vmem>>, vector<16xf32>,
      %mul3A_313 = arith.constant 16 : i32
      %mul3A_314 = arith.muli %scan3A_145, %mul3A_313 : i32
      %swap3A_315 = arith.constant 28 : i32
      %swap3A_316 = arith.index_cast %swap3A_315 : i32 to index
      %swap3A_317 = arith.index_cast %mul3A_314 : i32 to index
      %swap3A_318 = tpu.vector_load %arg15[%swap3A_316, %swap3A_317] {strides = array<i32>} : memref<32x512xf32, #tpu.memory_space<vmem>>, vector<16xf32>,
      tpu.vector_store %arg15[%swap3A_316, %swap3A_317], %broadcast_in_dim3A_5 {strides = array<i32>} : memref<32x512xf32, #tpu.memory_space<vmem>>, vector<16xf32>,
      %mul3A_319 = arith.constant 16 : i32
      %mul3A_320 = arith.muli %scan3A_145, %mul3A_319 : i32
      %swap3A_321 = arith.constant 29 : i32
      %swap3A_322 = arith.index_cast %swap3A_321 : i32 to index
      %swap3A_323 = arith.index_cast %mul3A_320 : i32 to index
      %swap3A_324 = tpu.vector_load %arg15[%swap3A_322, %swap3A_323] {strides = array<i32>} : memref<32x512xf32, #tpu.memory_space<vmem>>, vector<16xf32>,
      tpu.vector_store %arg15[%swap3A_322, %swap3A_323], %broadcast_in_dim3A_5 {strides = array<i32>} : memref<32x512xf32, #tpu.memory_space<vmem>>, vector<16xf32>,
      %mul3A_325 = arith.constant 16 : i32
      %mul3A_326 = arith.muli %scan3A_145, %mul3A_325 : i32
      %swap3A_327 = arith.constant 30 : i32
      %swap3A_328 = arith.index_cast %swap3A_327 : i32 to index
      %swap3A_329 = arith.index_cast %mul3A_326 : i32 to index
      %swap3A_330 = tpu.vector_load %arg15[%swap3A_328, %swap3A_329] {strides = array<i32>} : memref<32x512xf32, #tpu.memory_space<vmem>>, vector<16xf32>,
      tpu.vector_store %arg15[%swap3A_328, %swap3A_329], %broadcast_in_dim3A_5 {strides = array<i32>} : memref<32x512xf32, #tpu.memory_space<vmem>>, vector<16xf32>,
      %mul3A_331 = arith.constant 16 : i32
      %mul3A_332 = arith.muli %scan3A_145, %mul3A_331 : i32
      %swap3A_333 = arith.constant 31 : i32
      %swap3A_334 = arith.index_cast %swap3A_333 : i32 to index
      %swap3A_335 = arith.index_cast %mul3A_332 : i32 to index
      %swap3A_336 = tpu.vector_load %arg15[%swap3A_334, %swap3A_335] {strides = array<i32>} : memref<32x512xf32, #tpu.memory_space<vmem>>, vector<16xf32>,
      tpu.vector_store %arg15[%swap3A_334, %swap3A_335], %broadcast_in_dim3A_5 {strides = array<i32>} : memref<32x512xf32, #tpu.memory_space<vmem>>, vector<16xf32>,
    }
    %scan3A_96 = arith.constant 32 : i32
    %dma_wait3A_97 = tpu.memref_slice %arg2[%mul3A_2] : memref<2097152xf32, #tpu.memory_space<hbm>> -> memref<512xf32, #tpu.memory_space<hbm>>
    %dma_wait3A_98 = tpu.memref_slice %arg2[%mul3A_2] : memref<2097152xf32, #tpu.memory_space<hbm>> -> memref<512xf32, #tpu.memory_space<hbm>>
    tpu.wait_dma2 semaphore(%arg19 : memref<!tpu.dma_semaphore, #tpu.memory_space<semaphore_mem>>) src(%dma_wait3A_98 : memref<512xf32, #tpu.memory_space<hbm>>) dst(%arg7 : memref<512xf32, #tpu.memory_space<vmem>>)
    %scan3A_99 = arith.constant 0 : i32
    %scan3A_100 = arith.constant 0 : i32
    %scan3A_101 = arith.constant 8 : i32
    %scan3A_102 = arith.addi %scan3A_100, %scan3A_101 : i32
    %scan3A_103 = arith.constant 1 : i32
    scf.for %scan3A_145 = %scan3A_100 to %scan3A_102 step %scan3A_103  : i32 {
      %mul3A_146 = arith.constant 64 : i32
      %mul3A_147 = arith.muli %scan3A_145, %mul3A_146 : i32
      %add3A_148 = arith.constant 0 : i32
      %add3A_149 = arith.addi %mul3A_147, %add3A_148 : i32
      %get3A = arith.index_cast %add3A_149 : i32 to index
      %get3A_150 = tpu.vector_load %arg7[%get3A] {strides = array<i32>} : memref<512xf32, #tpu.memory_space<vmem>>, vector<16xf32>,
      %mul3A_151 = arith.constant 3.200000e+01 : f32
      %mul3A_152 = vector.broadcast %mul3A_151 : f32 to vector<16xf32>
      %mul3A_153 = arith.mulf %get3A_150, %mul3A_152 : vector<16xf32>
      %convert_element_type3A = arith.fptosi %mul3A_153 : vector<16xf32> to vector<16xi32>
      %add3A_154 = vector.broadcast %add3A_149 : i32 to vector<16xi32>
      %add3A_155 = arith.addi %add3A_154, %iota3A : vector<16xi32>
      %swap3A = arith.index_cast %add3A_149 : i32 to index
      %swap3A_156 = tpu.vector_load %arg11[%swap3A] {strides = array<i32>} : memref<512xi32, #tpu.memory_space<vmem>>, vector<16xi32>,
      tpu.vector_store %arg11[%swap3A], %convert_element_type3A {strides = array<i32>} : memref<512xi32, #tpu.memory_space<vmem>>, vector<16xi32>,
      tpu.vector_store_idx %arg15[%convert_element_type3A, %add3A_155], %broadcast_in_dim3A_3 : memref<32x512xf32, #tpu.memory_space<vmem>>[vector<16xi32>, vector<16xi32>], vector<16xf32>,
      %mul3A_157 = arith.constant 64 : i32
      %mul3A_158 = arith.muli %scan3A_145, %mul3A_157 : i32
      %add3A_159 = arith.constant 16 : i32
      %add3A_160 = arith.addi %mul3A_158, %add3A_159 : i32
      %get3A_161 = arith.index_cast %add3A_160 : i32 to index
      %get3A_162 = tpu.vector_load %arg7[%get3A_161] {strides = array<i32>} : memref<512xf32, #tpu.memory_space<vmem>>, vector<16xf32>,
      %mul3A_163 = arith.constant 3.200000e+01 : f32
      %mul3A_164 = vector.broadcast %mul3A_163 : f32 to vector<16xf32>
      %mul3A_165 = arith.mulf %get3A_162, %mul3A_164 : vector<16xf32>
      %convert_element_type3A_166 = arith.fptosi %mul3A_165 : vector<16xf32> to vector<16xi32>
      %add3A_167 = vector.broadcast %add3A_160 : i32 to vector<16xi32>
      %add3A_168 = arith.addi %add3A_167, %iota3A : vector<16xi32>
      %swap3A_169 = arith.index_cast %add3A_160 : i32 to index
      %swap3A_170 = tpu.vector_load %arg11[%swap3A_169] {strides = array<i32>} : memref<512xi32, #tpu.memory_space<vmem>>, vector<16xi32>,
      tpu.vector_store %arg11[%swap3A_169], %convert_element_type3A_166 {strides = array<i32>} : memref<512xi32, #tpu.memory_space<vmem>>, vector<16xi32>,
      tpu.vector_store_idx %arg15[%convert_element_type3A_166, %add3A_168], %broadcast_in_dim3A_3 : memref<32x512xf32, #tpu.memory_space<vmem>>[vector<16xi32>, vector<16xi32>], vector<16xf32>,
      %mul3A_171 = arith.constant 64 : i32
      %mul3A_172 = arith.muli %scan3A_145, %mul3A_171 : i32
      %add3A_173 = arith.constant 32 : i32
      %add3A_174 = arith.addi %mul3A_172, %add3A_173 : i32
      %get3A_175 = arith.index_cast %add3A_174 : i32 to index
      %get3A_176 = tpu.vector_load %arg7[%get3A_175] {strides = array<i32>} : memref<512xf32, #tpu.memory_space<vmem>>, vector<16xf32>,
      %mul3A_177 = arith.constant 3.200000e+01 : f32
      %mul3A_178 = vector.broadcast %mul3A_177 : f32 to vector<16xf32>
      %mul3A_179 = arith.mulf %get3A_176, %mul3A_178 : vector<16xf32>
      %convert_element_type3A_180 = arith.fptosi %mul3A_179 : vector<16xf32> to vector<16xi32>
      %add3A_181 = vector.broadcast %add3A_174 : i32 to vector<16xi32>
      %add3A_182 = arith.addi %add3A_181, %iota3A : vector<16xi32>
      %swap3A_183 = arith.index_cast %add3A_174 : i32 to index
      %swap3A_184 = tpu.vector_load %arg11[%swap3A_183] {strides = array<i32>} : memref<512xi32, #tpu.memory_space<vmem>>, vector<16xi32>,
      tpu.vector_store %arg11[%swap3A_183], %convert_element_type3A_180 {strides = array<i32>} : memref<512xi32, #tpu.memory_space<vmem>>, vector<16xi32>,
      tpu.vector_store_idx %arg15[%convert_element_type3A_180, %add3A_182], %broadcast_in_dim3A_3 : memref<32x512xf32, #tpu.memory_space<vmem>>[vector<16xi32>, vector<16xi32>], vector<16xf32>,
      %mul3A_185 = arith.constant 64 : i32
      %mul3A_186 = arith.muli %scan3A_145, %mul3A_185 : i32
      %add3A_187 = arith.constant 48 : i32
      %add3A_188 = arith.addi %mul3A_186, %add3A_187 : i32
      %get3A_189 = arith.index_cast %add3A_188 : i32 to index
      %get3A_190 = tpu.vector_load %arg7[%get3A_189] {strides = array<i32>} : memref<512xf32, #tpu.memory_space<vmem>>, vector<16xf32>,
      %mul3A_191 = arith.constant 3.200000e+01 : f32
      %mul3A_192 = vector.broadcast %mul3A_191 : f32 to vector<16xf32>
      %mul3A_193 = arith.mulf %get3A_190, %mul3A_192 : vector<16xf32>
      %convert_element_type3A_194 = arith.fptosi %mul3A_193 : vector<16xf32> to vector<16xi32>
      %add3A_195 = vector.broadcast %add3A_188 : i32 to vector<16xi32>
      %add3A_196 = arith.addi %add3A_195, %iota3A : vector<16xi32>
      %swap3A_197 = arith.index_cast %add3A_188 : i32 to index
      %swap3A_198 = tpu.vector_load %arg11[%swap3A_197] {strides = array<i32>} : memref<512xi32, #tpu.memory_space<vmem>>, vector<16xi32>,
      tpu.vector_store %arg11[%swap3A_197], %convert_element_type3A_194 {strides = array<i32>} : memref<512xi32, #tpu.memory_space<vmem>>, vector<16xi32>,
      tpu.vector_store_idx %arg15[%convert_element_type3A_194, %add3A_196], %broadcast_in_dim3A_3 : memref<32x512xf32, #tpu.memory_space<vmem>>[vector<16xi32>, vector<16xi32>], vector<16xf32>,
    }
    %scan3A_104 = arith.constant 8 : i32
    %add3A_105 = arith.constant 1536 : i32
    %add3A_106 = arith.addi %mul3A_2, %add3A_105 : i32
    %dma_start3A_107 = arith.constant 0 : i32
    %dma_start3A_108 = tpu.memref_slice %arg3[%dma_start3A_107, %add3A_106] : memref<32x2097152xf32, #tpu.memory_space<hbm>> -> memref<32x512xf32, #tpu.memory_space<hbm>>
    %dma_start3A_109 = arith.constant 0 : i32
    %dma_start3A_110 = tpu.memref_slice %arg3[%dma_start3A_109, %add3A_106] : memref<32x2097152xf32, #tpu.memory_space<hbm>> -> memref<32x512xf32, #tpu.memory_space<hbm>>
    tpu.enqueue_dma source(%arg15 : memref<32x512xf32, #tpu.memory_space<vmem>>) target(%dma_start3A_110 : memref<32x512xf32, #tpu.memory_space<hbm>>) target_semaphore(%arg23 : memref<!tpu.dma_semaphore, #tpu.memory_space<semaphore_mem>>)
    %add3A_111 = arith.constant 3584 : i32
    %add3A_112 = arith.addi %mul3A_2, %add3A_111 : i32
    %dma_start3A_113 = tpu.memref_slice %arg2[%add3A_112] : memref<2097152xf32, #tpu.memory_space<hbm>> -> memref<512xf32, #tpu.memory_space<hbm>>
    %dma_start3A_114 = tpu.memref_slice %arg2[%add3A_112] : memref<2097152xf32, #tpu.memory_space<hbm>> -> memref<512xf32, #tpu.memory_space<hbm>>
    tpu.enqueue_dma source(%dma_start3A_114 : memref<512xf32, #tpu.memory_space<hbm>>) target(%arg7 : memref<512xf32, #tpu.memory_space<vmem>>) target_semaphore(%arg19 : memref<!tpu.dma_semaphore, #tpu.memory_space<semaphore_mem>>)
    %scan3A_115 = arith.constant 0 : i32
    %scan3A_116 = arith.constant 1 : i32
    %scan3A_117 = arith.constant 31 : i32
    %scan3A_118 = arith.addi %scan3A_116, %scan3A_117 : i32
    %scan3A_119 = arith.constant 1 : i32
    scf.for %scan3A_145 = %scan3A_116 to %scan3A_118 step %scan3A_119  : i32 {
      %mul3A_146 = arith.constant 4 : i32
      %mul3A_147 = arith.muli %mul3A_146, %scan3A_145 : i32
      %add3A_148 = arith.constant 0 : i32
      %add3A_149 = arith.addi %mul3A_147, %add3A_148 : i32
      %dma_wait3A_150 = tpu.memref_slice %arg2[%mul3A_2] : memref<2097152xf32, #tpu.memory_space<hbm>> -> memref<512xf32, #tpu.memory_space<hbm>>
      %dma_wait3A_151 = tpu.memref_slice %arg2[%mul3A_2] : memref<2097152xf32, #tpu.memory_space<hbm>> -> memref<512xf32, #tpu.memory_space<hbm>>
      tpu.wait_dma2 semaphore(%arg16 : memref<!tpu.dma_semaphore, #tpu.memory_space<semaphore_mem>>) src(%dma_wait3A_151 : memref<512xf32, #tpu.memory_space<hbm>>) dst(%arg4 : memref<512xf32, #tpu.memory_space<vmem>>)
      %dma_wait3A_152 = arith.constant 0 : i32
      %dma_wait3A_153 = tpu.memref_slice %arg3[%dma_wait3A_152, %mul3A_2] : memref<32x2097152xf32, #tpu.memory_space<hbm>> -> memref<32x512xf32, #tpu.memory_space<hbm>>
      %dma_wait3A_154 = arith.constant 0 : i32
      %dma_wait3A_155 = tpu.memref_slice %arg3[%dma_wait3A_154, %mul3A_2] : memref<32x2097152xf32, #tpu.memory_space<hbm>> -> memref<32x512xf32, #tpu.memory_space<hbm>>
      tpu.wait_dma2 semaphore(%arg20 : memref<!tpu.dma_semaphore, #tpu.memory_space<semaphore_mem>>) src(%arg12 : memref<32x512xf32, #tpu.memory_space<vmem>>) dst(%dma_wait3A_155 : memref<32x512xf32, #tpu.memory_space<hbm>>)
      %scan3A_156 = arith.constant 0 : i32
      %scan3A_157 = arith.constant 0 : i32
      %scan3A_158 = arith.constant 8 : i32
      %scan3A_159 = arith.addi %scan3A_157, %scan3A_158 : i32
      %scan3A_160 = arith.constant 1 : i32
      scf.for %scan3A_297 = %scan3A_157 to %scan3A_159 step %scan3A_160  : i32 {
        %mul3A_298 = arith.constant 64 : i32
        %mul3A_299 = arith.muli %scan3A_297, %mul3A_298 : i32
        %add3A_300 = arith.constant 0 : i32
        %add3A_301 = arith.addi %mul3A_299, %add3A_300 : i32
        %get3A = arith.index_cast %add3A_301 : i32 to index
        %get3A_302 = tpu.vector_load %arg8[%get3A] {strides = array<i32>} : memref<512xi32, #tpu.memory_space<vmem>>, vector<16xi32>,
        %add3A_303 = vector.broadcast %add3A_301 : i32 to vector<16xi32>
        %add3A_304 = arith.addi %add3A_303, %iota3A : vector<16xi32>
        tpu.vector_store_idx %arg12[%get3A_302, %add3A_304], %broadcast_in_dim3A_5 : memref<32x512xf32, #tpu.memory_space<vmem>>[vector<16xi32>, vector<16xi32>], vector<16xf32>,
        %mul3A_305 = arith.constant 64 : i32
        %mul3A_306 = arith.muli %scan3A_297, %mul3A_305 : i32
        %add3A_307 = arith.constant 16 : i32
        %add3A_308 = arith.addi %mul3A_306, %add3A_307 : i32
        %get3A_309 = arith.index_cast %add3A_308 : i32 to index
        %get3A_310 = tpu.vector_load %arg8[%get3A_309] {strides = array<i32>} : memref<512xi32, #tpu.memory_space<vmem>>, vector<16xi32>,
        %add3A_311 = vector.broadcast %add3A_308 : i32 to vector<16xi32>
        %add3A_312 = arith.addi %add3A_311, %iota3A : vector<16xi32>
        tpu.vector_store_idx %arg12[%get3A_310, %add3A_312], %broadcast_in_dim3A_5 : memref<32x512xf32, #tpu.memory_space<vmem>>[vector<16xi32>, vector<16xi32>], vector<16xf32>,
        %mul3A_313 = arith.constant 64 : i32
        %mul3A_314 = arith.muli %scan3A_297, %mul3A_313 : i32
        %add3A_315 = arith.constant 32 : i32
        %add3A_316 = arith.addi %mul3A_314, %add3A_315 : i32
        %get3A_317 = arith.index_cast %add3A_316 : i32 to index
        %get3A_318 = tpu.vector_load %arg8[%get3A_317] {strides = array<i32>} : memref<512xi32, #tpu.memory_space<vmem>>, vector<16xi32>,
        %add3A_319 = vector.broadcast %add3A_316 : i32 to vector<16xi32>
        %add3A_320 = arith.addi %add3A_319, %iota3A : vector<16xi32>
        tpu.vector_store_idx %arg12[%get3A_318, %add3A_320], %broadcast_in_dim3A_5 : memref<32x512xf32, #tpu.memory_space<vmem>>[vector<16xi32>, vector<16xi32>], vector<16xf32>,
        %mul3A_321 = arith.constant 64 : i32
        %mul3A_322 = arith.muli %scan3A_297, %mul3A_321 : i32
        %add3A_323 = arith.constant 48 : i32
        %add3A_324 = arith.addi %mul3A_322, %add3A_323 : i32
        %get3A_325 = arith.index_cast %add3A_324 : i32 to index
        %get3A_326 = tpu.vector_load %arg8[%get3A_325] {strides = array<i32>} : memref<512xi32, #tpu.memory_space<vmem>>, vector<16xi32>,
        %add3A_327 = vector.broadcast %add3A_324 : i32 to vector<16xi32>
        %add3A_328 = arith.addi %add3A_327, %iota3A : vector<16xi32>
        tpu.vector_store_idx %arg12[%get3A_326, %add3A_328], %broadcast_in_dim3A_5 : memref<32x512xf32, #tpu.memory_space<vmem>>[vector<16xi32>, vector<16xi32>], vector<16xf32>,
      }
      %scan3A_161 = arith.constant 8 : i32
      %scan3A_162 = arith.constant 0 : i32
      %scan3A_163 = arith.constant 0 : i32
      %scan3A_164 = arith.constant 8 : i32
      %scan3A_165 = arith.addi %scan3A_163, %scan3A_164 : i32
      %scan3A_166 = arith.constant 1 : i32
      scf.for %scan3A_297 = %scan3A_163 to %scan3A_165 step %scan3A_166  : i32 {
        %mul3A_298 = arith.constant 64 : i32
        %mul3A_299 = arith.muli %scan3A_297, %mul3A_298 : i32
        %add3A_300 = arith.constant 0 : i32
        %add3A_301 = arith.addi %mul3A_299, %add3A_300 : i32
        %get3A = arith.index_cast %add3A_301 : i32 to index
        %get3A_302 = tpu.vector_load %arg4[%get3A] {strides = array<i32>} : memref<512xf32, #tpu.memory_space<vmem>>, vector<16xf32>,
        %mul3A_303 = arith.constant 3.200000e+01 : f32
        %mul3A_304 = vector.broadcast %mul3A_303 : f32 to vector<16xf32>
        %mul3A_305 = arith.mulf %get3A_302, %mul3A_304 : vector<16xf32>
        %convert_element_type3A = arith.fptosi %mul3A_305 : vector<16xf32> to vector<16xi32>
        %add3A_306 = vector.broadcast %add3A_301 : i32 to vector<16xi32>
        %add3A_307 = arith.addi %add3A_306, %iota3A : vector<16xi32>
        %swap3A = arith.index_cast %add3A_301 : i32 to index
        %swap3A_308 = tpu.vector_load %arg8[%swap3A] {strides = array<i32>} : memref<512xi32, #tpu.memory_space<vmem>>, vector<16xi32>,
        tpu.vector_store %arg8[%swap3A], %convert_element_type3A {strides = array<i32>} : memref<512xi32, #tpu.memory_space<vmem>>, vector<16xi32>,
        tpu.vector_store_idx %arg12[%convert_element_type3A, %add3A_307], %broadcast_in_dim3A_3 : memref<32x512xf32, #tpu.memory_space<vmem>>[vector<16xi32>, vector<16xi32>], vector<16xf32>,
        %mul3A_309 = arith.constant 64 : i32
        %mul3A_310 = arith.muli %scan3A_297, %mul3A_309 : i32
        %add3A_311 = arith.constant 16 : i32
        %add3A_312 = arith.addi %mul3A_310, %add3A_311 : i32
        %get3A_313 = arith.index_cast %add3A_312 : i32 to index
        %get3A_314 = tpu.vector_load %arg4[%get3A_313] {strides = array<i32>} : memref<512xf32, #tpu.memory_space<vmem>>, vector<16xf32>,
        %mul3A_315 = arith.constant 3.200000e+01 : f32
        %mul3A_316 = vector.broadcast %mul3A_315 : f32 to vector<16xf32>
        %mul3A_317 = arith.mulf %get3A_314, %mul3A_316 : vector<16xf32>
        %convert_element_type3A_318 = arith.fptosi %mul3A_317 : vector<16xf32> to vector<16xi32>
        %add3A_319 = vector.broadcast %add3A_312 : i32 to vector<16xi32>
        %add3A_320 = arith.addi %add3A_319, %iota3A : vector<16xi32>
        %swap3A_321 = arith.index_cast %add3A_312 : i32 to index
        %swap3A_322 = tpu.vector_load %arg8[%swap3A_321] {strides = array<i32>} : memref<512xi32, #tpu.memory_space<vmem>>, vector<16xi32>,
        tpu.vector_store %arg8[%swap3A_321], %convert_element_type3A_318 {strides = array<i32>} : memref<512xi32, #tpu.memory_space<vmem>>, vector<16xi32>,
        tpu.vector_store_idx %arg12[%convert_element_type3A_318, %add3A_320], %broadcast_in_dim3A_3 : memref<32x512xf32, #tpu.memory_space<vmem>>[vector<16xi32>, vector<16xi32>], vector<16xf32>,
        %mul3A_323 = arith.constant 64 : i32
        %mul3A_324 = arith.muli %scan3A_297, %mul3A_323 : i32
        %add3A_325 = arith.constant 32 : i32
        %add3A_326 = arith.addi %mul3A_324, %add3A_325 : i32
        %get3A_327 = arith.index_cast %add3A_326 : i32 to index
        %get3A_328 = tpu.vector_load %arg4[%get3A_327] {strides = array<i32>} : memref<512xf32, #tpu.memory_space<vmem>>, vector<16xf32>,
        %mul3A_329 = arith.constant 3.200000e+01 : f32
        %mul3A_330 = vector.broadcast %mul3A_329 : f32 to vector<16xf32>
        %mul3A_331 = arith.mulf %get3A_328, %mul3A_330 : vector<16xf32>
        %convert_element_type3A_332 = arith.fptosi %mul3A_331 : vector<16xf32> to vector<16xi32>
        %add3A_333 = vector.broadcast %add3A_326 : i32 to vector<16xi32>
        %add3A_334 = arith.addi %add3A_333, %iota3A : vector<16xi32>
        %swap3A_335 = arith.index_cast %add3A_326 : i32 to index
        %swap3A_336 = tpu.vector_load %arg8[%swap3A_335] {strides = array<i32>} : memref<512xi32, #tpu.memory_space<vmem>>, vector<16xi32>,
        tpu.vector_store %arg8[%swap3A_335], %convert_element_type3A_332 {strides = array<i32>} : memref<512xi32, #tpu.memory_space<vmem>>, vector<16xi32>,
        tpu.vector_store_idx %arg12[%convert_element_type3A_332, %add3A_334], %broadcast_in_dim3A_3 : memref<32x512xf32, #tpu.memory_space<vmem>>[vector<16xi32>, vector<16xi32>], vector<16xf32>,
        %mul3A_337 = arith.constant 64 : i32
        %mul3A_338 = arith.muli %scan3A_297, %mul3A_337 : i32
        %add3A_339 = arith.constant 48 : i32
        %add3A_340 = arith.addi %mul3A_338, %add3A_339 : i32
        %get3A_341 = arith.index_cast %add3A_340 : i32 to index
        %get3A_342 = tpu.vector_load %arg4[%get3A_341] {strides = array<i32>} : memref<512xf32, #tpu.memory_space<vmem>>, vector<16xf32>,
        %mul3A_343 = arith.constant 3.200000e+01 : f32
        %mul3A_344 = vector.broadcast %mul3A_343 : f32 to vector<16xf32>
        %mul3A_345 = arith.mulf %get3A_342, %mul3A_344 : vector<16xf32>
        %convert_element_type3A_346 = arith.fptosi %mul3A_345 : vector<16xf32> to vector<16xi32>
        %add3A_347 = vector.broadcast %add3A_340 : i32 to vector<16xi32>
        %add3A_348 = arith.addi %add3A_347, %iota3A : vector<16xi32>
        %swap3A_349 = arith.index_cast %add3A_340 : i32 to index
        %swap3A_350 = tpu.vector_load %arg8[%swap3A_349] {strides = array<i32>} : memref<512xi32, #tpu.memory_space<vmem>>, vector<16xi32>,
        tpu.vector_store %arg8[%swap3A_349], %convert_element_type3A_346 {strides = array<i32>} : memref<512xi32, #tpu.memory_space<vmem>>, vector<16xi32>,
        tpu.vector_store_idx %arg12[%convert_element_type3A_346, %add3A_348], %broadcast_in_dim3A_3 : memref<32x512xf32, #tpu.memory_space<vmem>>[vector<16xi32>, vector<16xi32>], vector<16xf32>,
      }
      %scan3A_167 = arith.constant 8 : i32
      %mul3A_168 = arith.constant 512 : i32
      %mul3A_169 = arith.muli %add3A_149, %mul3A_168 : i32
      %add3A_170 = arith.addi %mul3A_2, %mul3A_169 : i32
      %dma_start3A_171 = arith.constant 0 : i32
      %dma_start3A_172 = tpu.memref_slice %arg3[%dma_start3A_171, %add3A_170] : memref<32x2097152xf32, #tpu.memory_space<hbm>> -> memref<32x512xf32, #tpu.memory_space<hbm>>
      %dma_start3A_173 = arith.constant 0 : i32
      %dma_start3A_174 = tpu.memref_slice %arg3[%dma_start3A_173, %add3A_170] : memref<32x2097152xf32, #tpu.memory_space<hbm>> -> memref<32x512xf32, #tpu.memory_space<hbm>>
      tpu.enqueue_dma source(%arg12 : memref<32x512xf32, #tpu.memory_space<vmem>>) target(%dma_start3A_174 : memref<32x512xf32, #tpu.memory_space<hbm>>) target_semaphore(%arg20 : memref<!tpu.dma_semaphore, #tpu.memory_space<semaphore_mem>>)
      %add3A_175 = arith.constant 4 : i32
      %add3A_176 = arith.addi %add3A_149, %add3A_175 : i32
      %rem3A = arith.constant 128 : i32
      %rem3A_177 = arith.remsi %add3A_176, %rem3A : i32
      %mul3A_178 = arith.constant 512 : i32
      %mul3A_179 = arith.muli %rem3A_177, %mul3A_178 : i32
      %add3A_180 = arith.addi %mul3A_2, %mul3A_179 : i32
      %dma_start3A_181 = tpu.memref_slice %arg2[%add3A_180] : memref<2097152xf32, #tpu.memory_space<hbm>> -> memref<512xf32, #tpu.memory_space<hbm>>
      %dma_start3A_182 = tpu.memref_slice %arg2[%add3A_180] : memref<2097152xf32, #tpu.memory_space<hbm>> -> memref<512xf32, #tpu.memory_space<hbm>>
      tpu.enqueue_dma source(%dma_start3A_182 : memref<512xf32, #tpu.memory_space<hbm>>) target(%arg4 : memref<512xf32, #tpu.memory_space<vmem>>) target_semaphore(%arg16 : memref<!tpu.dma_semaphore, #tpu.memory_space<semaphore_mem>>)
      %mul3A_183 = arith.constant 4 : i32
      %mul3A_184 = arith.muli %mul3A_183, %scan3A_145 : i32
      %add3A_185 = arith.constant 1 : i32
      %add3A_186 = arith.addi %mul3A_184, %add3A_185 : i32
      %dma_wait3A_187 = tpu.memref_slice %arg2[%mul3A_2] : memref<2097152xf32, #tpu.memory_space<hbm>> -> memref<512xf32, #tpu.memory_space<hbm>>
      %dma_wait3A_188 = tpu.memref_slice %arg2[%mul3A_2] : memref<2097152xf32, #tpu.memory_space<hbm>> -> memref<512xf32, #tpu.memory_space<hbm>>
      tpu.wait_dma2 semaphore(%arg17 : memref<!tpu.dma_semaphore, #tpu.memory_space<semaphore_mem>>) src(%dma_wait3A_188 : memref<512xf32, #tpu.memory_space<hbm>>) dst(%arg5 : memref<512xf32, #tpu.memory_space<vmem>>)
      %dma_wait3A_189 = arith.constant 0 : i32
      %dma_wait3A_190 = tpu.memref_slice %arg3[%dma_wait3A_189, %mul3A_2] : memref<32x2097152xf32, #tpu.memory_space<hbm>> -> memref<32x512xf32, #tpu.memory_space<hbm>>
      %dma_wait3A_191 = arith.constant 0 : i32
      %dma_wait3A_192 = tpu.memref_slice %arg3[%dma_wait3A_191, %mul3A_2] : memref<32x2097152xf32, #tpu.memory_space<hbm>> -> memref<32x512xf32, #tpu.memory_space<hbm>>
      tpu.wait_dma2 semaphore(%arg21 : memref<!tpu.dma_semaphore, #tpu.memory_space<semaphore_mem>>) src(%arg13 : memref<32x512xf32, #tpu.memory_space<vmem>>) dst(%dma_wait3A_192 : memref<32x512xf32, #tpu.memory_space<hbm>>)
      %scan3A_193 = arith.constant 0 : i32
      %scan3A_194 = arith.constant 0 : i32
      %scan3A_195 = arith.constant 8 : i32
      %scan3A_196 = arith.addi %scan3A_194, %scan3A_195 : i32
      %scan3A_197 = arith.constant 1 : i32
      scf.for %scan3A_297 = %scan3A_194 to %scan3A_196 step %scan3A_197  : i32 {
        %mul3A_298 = arith.constant 64 : i32
        %mul3A_299 = arith.muli %scan3A_297, %mul3A_298 : i32
        %add3A_300 = arith.constant 0 : i32
        %add3A_301 = arith.addi %mul3A_299, %add3A_300 : i32
        %get3A = arith.index_cast %add3A_301 : i32 to index
        %get3A_302 = tpu.vector_load %arg9[%get3A] {strides = array<i32>} : memref<512xi32, #tpu.memory_space<vmem>>, vector<16xi32>,
        %add3A_303 = vector.broadcast %add3A_301 : i32 to vector<16xi32>
        %add3A_304 = arith.addi %add3A_303, %iota3A : vector<16xi32>
        tpu.vector_store_idx %arg13[%get3A_302, %add3A_304], %broadcast_in_dim3A_5 : memref<32x512xf32, #tpu.memory_space<vmem>>[vector<16xi32>, vector<16xi32>], vector<16xf32>,
        %mul3A_305 = arith.constant 64 : i32
        %mul3A_306 = arith.muli %scan3A_297, %mul3A_305 : i32
        %add3A_307 = arith.constant 16 : i32
        %add3A_308 = arith.addi %mul3A_306, %add3A_307 : i32
        %get3A_309 = arith.index_cast %add3A_308 : i32 to index
        %get3A_310 = tpu.vector_load %arg9[%get3A_309] {strides = array<i32>} : memref<512xi32, #tpu.memory_space<vmem>>, vector<16xi32>,
        %add3A_311 = vector.broadcast %add3A_308 : i32 to vector<16xi32>
        %add3A_312 = arith.addi %add3A_311, %iota3A : vector<16xi32>
        tpu.vector_store_idx %arg13[%get3A_310, %add3A_312], %broadcast_in_dim3A_5 : memref<32x512xf32, #tpu.memory_space<vmem>>[vector<16xi32>, vector<16xi32>], vector<16xf32>,
        %mul3A_313 = arith.constant 64 : i32
        %mul3A_314 = arith.muli %scan3A_297, %mul3A_313 : i32
        %add3A_315 = arith.constant 32 : i32
        %add3A_316 = arith.addi %mul3A_314, %add3A_315 : i32
        %get3A_317 = arith.index_cast %add3A_316 : i32 to index
        %get3A_318 = tpu.vector_load %arg9[%get3A_317] {strides = array<i32>} : memref<512xi32, #tpu.memory_space<vmem>>, vector<16xi32>,
        %add3A_319 = vector.broadcast %add3A_316 : i32 to vector<16xi32>
        %add3A_320 = arith.addi %add3A_319, %iota3A : vector<16xi32>
        tpu.vector_store_idx %arg13[%get3A_318, %add3A_320], %broadcast_in_dim3A_5 : memref<32x512xf32, #tpu.memory_space<vmem>>[vector<16xi32>, vector<16xi32>], vector<16xf32>,
        %mul3A_321 = arith.constant 64 : i32
        %mul3A_322 = arith.muli %scan3A_297, %mul3A_321 : i32
        %add3A_323 = arith.constant 48 : i32
        %add3A_324 = arith.addi %mul3A_322, %add3A_323 : i32
        %get3A_325 = arith.index_cast %add3A_324 : i32 to index
        %get3A_326 = tpu.vector_load %arg9[%get3A_325] {strides = array<i32>} : memref<512xi32, #tpu.memory_space<vmem>>, vector<16xi32>,
        %add3A_327 = vector.broadcast %add3A_324 : i32 to vector<16xi32>
        %add3A_328 = arith.addi %add3A_327, %iota3A : vector<16xi32>
        tpu.vector_store_idx %arg13[%get3A_326, %add3A_328], %broadcast_in_dim3A_5 : memref<32x512xf32, #tpu.memory_space<vmem>>[vector<16xi32>, vector<16xi32>], vector<16xf32>,
      }
      %scan3A_198 = arith.constant 8 : i32
      %scan3A_199 = arith.constant 0 : i32
      %scan3A_200 = arith.constant 0 : i32
      %scan3A_201 = arith.constant 8 : i32
      %scan3A_202 = arith.addi %scan3A_200, %scan3A_201 : i32
      %scan3A_203 = arith.constant 1 : i32
      scf.for %scan3A_297 = %scan3A_200 to %scan3A_202 step %scan3A_203  : i32 {
        %mul3A_298 = arith.constant 64 : i32
        %mul3A_299 = arith.muli %scan3A_297, %mul3A_298 : i32
        %add3A_300 = arith.constant 0 : i32
        %add3A_301 = arith.addi %mul3A_299, %add3A_300 : i32
        %get3A = arith.index_cast %add3A_301 : i32 to index
        %get3A_302 = tpu.vector_load %arg5[%get3A] {strides = array<i32>} : memref<512xf32, #tpu.memory_space<vmem>>, vector<16xf32>,
        %mul3A_303 = arith.constant 3.200000e+01 : f32
        %mul3A_304 = vector.broadcast %mul3A_303 : f32 to vector<16xf32>
        %mul3A_305 = arith.mulf %get3A_302, %mul3A_304 : vector<16xf32>
        %convert_element_type3A = arith.fptosi %mul3A_305 : vector<16xf32> to vector<16xi32>
        %add3A_306 = vector.broadcast %add3A_301 : i32 to vector<16xi32>
        %add3A_307 = arith.addi %add3A_306, %iota3A : vector<16xi32>
        %swap3A = arith.index_cast %add3A_301 : i32 to index
        %swap3A_308 = tpu.vector_load %arg9[%swap3A] {strides = array<i32>} : memref<512xi32, #tpu.memory_space<vmem>>, vector<16xi32>,
        tpu.vector_store %arg9[%swap3A], %convert_element_type3A {strides = array<i32>} : memref<512xi32, #tpu.memory_space<vmem>>, vector<16xi32>,
        tpu.vector_store_idx %arg13[%convert_element_type3A, %add3A_307], %broadcast_in_dim3A_3 : memref<32x512xf32, #tpu.memory_space<vmem>>[vector<16xi32>, vector<16xi32>], vector<16xf32>,
        %mul3A_309 = arith.constant 64 : i32
        %mul3A_310 = arith.muli %scan3A_297, %mul3A_309 : i32
        %add3A_311 = arith.constant 16 : i32
        %add3A_312 = arith.addi %mul3A_310, %add3A_311 : i32
        %get3A_313 = arith.index_cast %add3A_312 : i32 to index
        %get3A_314 = tpu.vector_load %arg5[%get3A_313] {strides = array<i32>} : memref<512xf32, #tpu.memory_space<vmem>>, vector<16xf32>,
        %mul3A_315 = arith.constant 3.200000e+01 : f32
        %mul3A_316 = vector.broadcast %mul3A_315 : f32 to vector<16xf32>
        %mul3A_317 = arith.mulf %get3A_314, %mul3A_316 : vector<16xf32>
        %convert_element_type3A_318 = arith.fptosi %mul3A_317 : vector<16xf32> to vector<16xi32>
        %add3A_319 = vector.broadcast %add3A_312 : i32 to vector<16xi32>
        %add3A_320 = arith.addi %add3A_319, %iota3A : vector<16xi32>
        %swap3A_321 = arith.index_cast %add3A_312 : i32 to index
        %swap3A_322 = tpu.vector_load %arg9[%swap3A_321] {strides = array<i32>} : memref<512xi32, #tpu.memory_space<vmem>>, vector<16xi32>,
        tpu.vector_store %arg9[%swap3A_321], %convert_element_type3A_318 {strides = array<i32>} : memref<512xi32, #tpu.memory_space<vmem>>, vector<16xi32>,
        tpu.vector_store_idx %arg13[%convert_element_type3A_318, %add3A_320], %broadcast_in_dim3A_3 : memref<32x512xf32, #tpu.memory_space<vmem>>[vector<16xi32>, vector<16xi32>], vector<16xf32>,
        %mul3A_323 = arith.constant 64 : i32
        %mul3A_324 = arith.muli %scan3A_297, %mul3A_323 : i32
        %add3A_325 = arith.constant 32 : i32
        %add3A_326 = arith.addi %mul3A_324, %add3A_325 : i32
        %get3A_327 = arith.index_cast %add3A_326 : i32 to index
        %get3A_328 = tpu.vector_load %arg5[%get3A_327] {strides = array<i32>} : memref<512xf32, #tpu.memory_space<vmem>>, vector<16xf32>,
        %mul3A_329 = arith.constant 3.200000e+01 : f32
        %mul3A_330 = vector.broadcast %mul3A_329 : f32 to vector<16xf32>
        %mul3A_331 = arith.mulf %get3A_328, %mul3A_330 : vector<16xf32>
        %convert_element_type3A_332 = arith.fptosi %mul3A_331 : vector<16xf32> to vector<16xi32>
        %add3A_333 = vector.broadcast %add3A_326 : i32 to vector<16xi32>
        %add3A_334 = arith.addi %add3A_333, %iota3A : vector<16xi32>
        %swap3A_335 = arith.index_cast %add3A_326 : i32 to index
        %swap3A_336 = tpu.vector_load %arg9[%swap3A_335] {strides = array<i32>} : memref<512xi32, #tpu.memory_space<vmem>>, vector<16xi32>,
        tpu.vector_store %arg9[%swap3A_335], %convert_element_type3A_332 {strides = array<i32>} : memref<512xi32, #tpu.memory_space<vmem>>, vector<16xi32>,
        tpu.vector_store_idx %arg13[%convert_element_type3A_332, %add3A_334], %broadcast_in_dim3A_3 : memref<32x512xf32, #tpu.memory_space<vmem>>[vector<16xi32>, vector<16xi32>], vector<16xf32>,
        %mul3A_337 = arith.constant 64 : i32
        %mul3A_338 = arith.muli %scan3A_297, %mul3A_337 : i32
        %add3A_339 = arith.constant 48 : i32
        %add3A_340 = arith.addi %mul3A_338, %add3A_339 : i32
        %get3A_341 = arith.index_cast %add3A_340 : i32 to index
        %get3A_342 = tpu.vector_load %arg5[%get3A_341] {strides = array<i32>} : memref<512xf32, #tpu.memory_space<vmem>>, vector<16xf32>,
        %mul3A_343 = arith.constant 3.200000e+01 : f32
        %mul3A_344 = vector.broadcast %mul3A_343 : f32 to vector<16xf32>
        %mul3A_345 = arith.mulf %get3A_342, %mul3A_344 : vector<16xf32>
        %convert_element_type3A_346 = arith.fptosi %mul3A_345 : vector<16xf32> to vector<16xi32>
        %add3A_347 = vector.broadcast %add3A_340 : i32 to vector<16xi32>
        %add3A_348 = arith.addi %add3A_347, %iota3A : vector<16xi32>
        %swap3A_349 = arith.index_cast %add3A_340 : i32 to index
        %swap3A_350 = tpu.vector_load %arg9[%swap3A_349] {strides = array<i32>} : memref<512xi32, #tpu.memory_space<vmem>>, vector<16xi32>,
        tpu.vector_store %arg9[%swap3A_349], %convert_element_type3A_346 {strides = array<i32>} : memref<512xi32, #tpu.memory_space<vmem>>, vector<16xi32>,
        tpu.vector_store_idx %arg13[%convert_element_type3A_346, %add3A_348], %broadcast_in_dim3A_3 : memref<32x512xf32, #tpu.memory_space<vmem>>[vector<16xi32>, vector<16xi32>], vector<16xf32>,
      }
      %scan3A_204 = arith.constant 8 : i32
      %mul3A_205 = arith.constant 512 : i32
      %mul3A_206 = arith.muli %add3A_186, %mul3A_205 : i32
      %add3A_207 = arith.addi %mul3A_2, %mul3A_206 : i32
      %dma_start3A_208 = arith.constant 0 : i32
      %dma_start3A_209 = tpu.memref_slice %arg3[%dma_start3A_208, %add3A_207] : memref<32x2097152xf32, #tpu.memory_space<hbm>> -> memref<32x512xf32, #tpu.memory_space<hbm>>
      %dma_start3A_210 = arith.constant 0 : i32
      %dma_start3A_211 = tpu.memref_slice %arg3[%dma_start3A_210, %add3A_207] : memref<32x2097152xf32, #tpu.memory_space<hbm>> -> memref<32x512xf32, #tpu.memory_space<hbm>>
      tpu.enqueue_dma source(%arg13 : memref<32x512xf32, #tpu.memory_space<vmem>>) target(%dma_start3A_211 : memref<32x512xf32, #tpu.memory_space<hbm>>) target_semaphore(%arg21 : memref<!tpu.dma_semaphore, #tpu.memory_space<semaphore_mem>>)
      %add3A_212 = arith.constant 4 : i32
      %add3A_213 = arith.addi %add3A_186, %add3A_212 : i32
      %rem3A_214 = arith.constant 128 : i32
      %rem3A_215 = arith.remsi %add3A_213, %rem3A_214 : i32
      %mul3A_216 = arith.constant 512 : i32
      %mul3A_217 = arith.muli %rem3A_215, %mul3A_216 : i32
      %add3A_218 = arith.addi %mul3A_2, %mul3A_217 : i32
      %dma_start3A_219 = tpu.memref_slice %arg2[%add3A_218] : memref<2097152xf32, #tpu.memory_space<hbm>> -> memref<512xf32, #tpu.memory_space<hbm>>
      %dma_start3A_220 = tpu.memref_slice %arg2[%add3A_218] : memref<2097152xf32, #tpu.memory_space<hbm>> -> memref<512xf32, #tpu.memory_space<hbm>>
      tpu.enqueue_dma source(%dma_start3A_220 : memref<512xf32, #tpu.memory_space<hbm>>) target(%arg5 : memref<512xf32, #tpu.memory_space<vmem>>) target_semaphore(%arg17 : memref<!tpu.dma_semaphore, #tpu.memory_space<semaphore_mem>>)
      %mul3A_221 = arith.constant 4 : i32
      %mul3A_222 = arith.muli %mul3A_221, %scan3A_145 : i32
      %add3A_223 = arith.constant 2 : i32
      %add3A_224 = arith.addi %mul3A_222, %add3A_223 : i32
      %dma_wait3A_225 = tpu.memref_slice %arg2[%mul3A_2] : memref<2097152xf32, #tpu.memory_space<hbm>> -> memref<512xf32, #tpu.memory_space<hbm>>
      %dma_wait3A_226 = tpu.memref_slice %arg2[%mul3A_2] : memref<2097152xf32, #tpu.memory_space<hbm>> -> memref<512xf32, #tpu.memory_space<hbm>>
      tpu.wait_dma2 semaphore(%arg18 : memref<!tpu.dma_semaphore, #tpu.memory_space<semaphore_mem>>) src(%dma_wait3A_226 : memref<512xf32, #tpu.memory_space<hbm>>) dst(%arg6 : memref<512xf32, #tpu.memory_space<vmem>>)
      %dma_wait3A_227 = arith.constant 0 : i32
      %dma_wait3A_228 = tpu.memref_slice %arg3[%dma_wait3A_227, %mul3A_2] : memref<32x2097152xf32, #tpu.memory_space<hbm>> -> memref<32x512xf32, #tpu.memory_space<hbm>>
      %dma_wait3A_229 = arith.constant 0 : i32
      %dma_wait3A_230 = tpu.memref_slice %arg3[%dma_wait3A_229, %mul3A_2] : memref<32x2097152xf32, #tpu.memory_space<hbm>> -> memref<32x512xf32, #tpu.memory_space<hbm>>
      tpu.wait_dma2 semaphore(%arg22 : memref<!tpu.dma_semaphore, #tpu.memory_space<semaphore_mem>>) src(%arg14 : memref<32x512xf32, #tpu.memory_space<vmem>>) dst(%dma_wait3A_230 : memref<32x512xf32, #tpu.memory_space<hbm>>)
      %scan3A_231 = arith.constant 0 : i32
      %scan3A_232 = arith.constant 0 : i32
      %scan3A_233 = arith.constant 8 : i32
      %scan3A_234 = arith.addi %scan3A_232, %scan3A_233 : i32
      %scan3A_235 = arith.constant 1 : i32
      scf.for %scan3A_297 = %scan3A_232 to %scan3A_234 step %scan3A_235  : i32 {
        %mul3A_298 = arith.constant 64 : i32
        %mul3A_299 = arith.muli %scan3A_297, %mul3A_298 : i32
        %add3A_300 = arith.constant 0 : i32
        %add3A_301 = arith.addi %mul3A_299, %add3A_300 : i32
        %get3A = arith.index_cast %add3A_301 : i32 to index
        %get3A_302 = tpu.vector_load %arg10[%get3A] {strides = array<i32>} : memref<512xi32, #tpu.memory_space<vmem>>, vector<16xi32>,
        %add3A_303 = vector.broadcast %add3A_301 : i32 to vector<16xi32>
        %add3A_304 = arith.addi %add3A_303, %iota3A : vector<16xi32>
        tpu.vector_store_idx %arg14[%get3A_302, %add3A_304], %broadcast_in_dim3A_5 : memref<32x512xf32, #tpu.memory_space<vmem>>[vector<16xi32>, vector<16xi32>], vector<16xf32>,
        %mul3A_305 = arith.constant 64 : i32
        %mul3A_306 = arith.muli %scan3A_297, %mul3A_305 : i32
        %add3A_307 = arith.constant 16 : i32
        %add3A_308 = arith.addi %mul3A_306, %add3A_307 : i32
        %get3A_309 = arith.index_cast %add3A_308 : i32 to index
        %get3A_310 = tpu.vector_load %arg10[%get3A_309] {strides = array<i32>} : memref<512xi32, #tpu.memory_space<vmem>>, vector<16xi32>,
        %add3A_311 = vector.broadcast %add3A_308 : i32 to vector<16xi32>
        %add3A_312 = arith.addi %add3A_311, %iota3A : vector<16xi32>
        tpu.vector_store_idx %arg14[%get3A_310, %add3A_312], %broadcast_in_dim3A_5 : memref<32x512xf32, #tpu.memory_space<vmem>>[vector<16xi32>, vector<16xi32>], vector<16xf32>,
        %mul3A_313 = arith.constant 64 : i32
        %mul3A_314 = arith.muli %scan3A_297, %mul3A_313 : i32
        %add3A_315 = arith.constant 32 : i32
        %add3A_316 = arith.addi %mul3A_314, %add3A_315 : i32
        %get3A_317 = arith.index_cast %add3A_316 : i32 to index
        %get3A_318 = tpu.vector_load %arg10[%get3A_317] {strides = array<i32>} : memref<512xi32, #tpu.memory_space<vmem>>, vector<16xi32>,
        %add3A_319 = vector.broadcast %add3A_316 : i32 to vector<16xi32>
        %add3A_320 = arith.addi %add3A_319, %iota3A : vector<16xi32>
        tpu.vector_store_idx %arg14[%get3A_318, %add3A_320], %broadcast_in_dim3A_5 : memref<32x512xf32, #tpu.memory_space<vmem>>[vector<16xi32>, vector<16xi32>], vector<16xf32>,
        %mul3A_321 = arith.constant 64 : i32
        %mul3A_322 = arith.muli %scan3A_297, %mul3A_321 : i32
        %add3A_323 = arith.constant 48 : i32
        %add3A_324 = arith.addi %mul3A_322, %add3A_323 : i32
        %get3A_325 = arith.index_cast %add3A_324 : i32 to index
        %get3A_326 = tpu.vector_load %arg10[%get3A_325] {strides = array<i32>} : memref<512xi32, #tpu.memory_space<vmem>>, vector<16xi32>,
        %add3A_327 = vector.broadcast %add3A_324 : i32 to vector<16xi32>
        %add3A_328 = arith.addi %add3A_327, %iota3A : vector<16xi32>
        tpu.vector_store_idx %arg14[%get3A_326, %add3A_328], %broadcast_in_dim3A_5 : memref<32x512xf32, #tpu.memory_space<vmem>>[vector<16xi32>, vector<16xi32>], vector<16xf32>,
      }
      %scan3A_236 = arith.constant 8 : i32
      %scan3A_237 = arith.constant 0 : i32
      %scan3A_238 = arith.constant 0 : i32
      %scan3A_239 = arith.constant 8 : i32
      %scan3A_240 = arith.addi %scan3A_238, %scan3A_239 : i32
      %scan3A_241 = arith.constant 1 : i32
      scf.for %scan3A_297 = %scan3A_238 to %scan3A_240 step %scan3A_241  : i32 {
        %mul3A_298 = arith.constant 64 : i32
        %mul3A_299 = arith.muli %scan3A_297, %mul3A_298 : i32
        %add3A_300 = arith.constant 0 : i32
        %add3A_301 = arith.addi %mul3A_299, %add3A_300 : i32
        %get3A = arith.index_cast %add3A_301 : i32 to index
        %get3A_302 = tpu.vector_load %arg6[%get3A] {strides = array<i32>} : memref<512xf32, #tpu.memory_space<vmem>>, vector<16xf32>,
        %mul3A_303 = arith.constant 3.200000e+01 : f32
        %mul3A_304 = vector.broadcast %mul3A_303 : f32 to vector<16xf32>
        %mul3A_305 = arith.mulf %get3A_302, %mul3A_304 : vector<16xf32>
        %convert_element_type3A = arith.fptosi %mul3A_305 : vector<16xf32> to vector<16xi32>
        %add3A_306 = vector.broadcast %add3A_301 : i32 to vector<16xi32>
        %add3A_307 = arith.addi %add3A_306, %iota3A : vector<16xi32>
        %swap3A = arith.index_cast %add3A_301 : i32 to index
        %swap3A_308 = tpu.vector_load %arg10[%swap3A] {strides = array<i32>} : memref<512xi32, #tpu.memory_space<vmem>>, vector<16xi32>,
        tpu.vector_store %arg10[%swap3A], %convert_element_type3A {strides = array<i32>} : memref<512xi32, #tpu.memory_space<vmem>>, vector<16xi32>,
        tpu.vector_store_idx %arg14[%convert_element_type3A, %add3A_307], %broadcast_in_dim3A_3 : memref<32x512xf32, #tpu.memory_space<vmem>>[vector<16xi32>, vector<16xi32>], vector<16xf32>,
        %mul3A_309 = arith.constant 64 : i32
        %mul3A_310 = arith.muli %scan3A_297, %mul3A_309 : i32
        %add3A_311 = arith.constant 16 : i32
        %add3A_312 = arith.addi %mul3A_310, %add3A_311 : i32
        %get3A_313 = arith.index_cast %add3A_312 : i32 to index
        %get3A_314 = tpu.vector_load %arg6[%get3A_313] {strides = array<i32>} : memref<512xf32, #tpu.memory_space<vmem>>, vector<16xf32>,
        %mul3A_315 = arith.constant 3.200000e+01 : f32
        %mul3A_316 = vector.broadcast %mul3A_315 : f32 to vector<16xf32>
        %mul3A_317 = arith.mulf %get3A_314, %mul3A_316 : vector<16xf32>
        %convert_element_type3A_318 = arith.fptosi %mul3A_317 : vector<16xf32> to vector<16xi32>
        %add3A_319 = vector.broadcast %add3A_312 : i32 to vector<16xi32>
        %add3A_320 = arith.addi %add3A_319, %iota3A : vector<16xi32>
        %swap3A_321 = arith.index_cast %add3A_312 : i32 to index
        %swap3A_322 = tpu.vector_load %arg10[%swap3A_321] {strides = array<i32>} : memref<512xi32, #tpu.memory_space<vmem>>, vector<16xi32>,
        tpu.vector_store %arg10[%swap3A_321], %convert_element_type3A_318 {strides = array<i32>} : memref<512xi32, #tpu.memory_space<vmem>>, vector<16xi32>,
        tpu.vector_store_idx %arg14[%convert_element_type3A_318, %add3A_320], %broadcast_in_dim3A_3 : memref<32x512xf32, #tpu.memory_space<vmem>>[vector<16xi32>, vector<16xi32>], vector<16xf32>,
        %mul3A_323 = arith.constant 64 : i32
        %mul3A_324 = arith.muli %scan3A_297, %mul3A_323 : i32
        %add3A_325 = arith.constant 32 : i32
        %add3A_326 = arith.addi %mul3A_324, %add3A_325 : i32
        %get3A_327 = arith.index_cast %add3A_326 : i32 to index
        %get3A_328 = tpu.vector_load %arg6[%get3A_327] {strides = array<i32>} : memref<512xf32, #tpu.memory_space<vmem>>, vector<16xf32>,
        %mul3A_329 = arith.constant 3.200000e+01 : f32
        %mul3A_330 = vector.broadcast %mul3A_329 : f32 to vector<16xf32>
        %mul3A_331 = arith.mulf %get3A_328, %mul3A_330 : vector<16xf32>
        %convert_element_type3A_332 = arith.fptosi %mul3A_331 : vector<16xf32> to vector<16xi32>
        %add3A_333 = vector.broadcast %add3A_326 : i32 to vector<16xi32>
        %add3A_334 = arith.addi %add3A_333, %iota3A : vector<16xi32>
        %swap3A_335 = arith.index_cast %add3A_326 : i32 to index
        %swap3A_336 = tpu.vector_load %arg10[%swap3A_335] {strides = array<i32>} : memref<512xi32, #tpu.memory_space<vmem>>, vector<16xi32>,
        tpu.vector_store %arg10[%swap3A_335], %convert_element_type3A_332 {strides = array<i32>} : memref<512xi32, #tpu.memory_space<vmem>>, vector<16xi32>,
        tpu.vector_store_idx %arg14[%convert_element_type3A_332, %add3A_334], %broadcast_in_dim3A_3 : memref<32x512xf32, #tpu.memory_space<vmem>>[vector<16xi32>, vector<16xi32>], vector<16xf32>,
        %mul3A_337 = arith.constant 64 : i32
        %mul3A_338 = arith.muli %scan3A_297, %mul3A_337 : i32
        %add3A_339 = arith.constant 48 : i32
        %add3A_340 = arith.addi %mul3A_338, %add3A_339 : i32
        %get3A_341 = arith.index_cast %add3A_340 : i32 to index
        %get3A_342 = tpu.vector_load %arg6[%get3A_341] {strides = array<i32>} : memref<512xf32, #tpu.memory_space<vmem>>, vector<16xf32>,
        %mul3A_343 = arith.constant 3.200000e+01 : f32
        %mul3A_344 = vector.broadcast %mul3A_343 : f32 to vector<16xf32>
        %mul3A_345 = arith.mulf %get3A_342, %mul3A_344 : vector<16xf32>
        %convert_element_type3A_346 = arith.fptosi %mul3A_345 : vector<16xf32> to vector<16xi32>
        %add3A_347 = vector.broadcast %add3A_340 : i32 to vector<16xi32>
        %add3A_348 = arith.addi %add3A_347, %iota3A : vector<16xi32>
        %swap3A_349 = arith.index_cast %add3A_340 : i32 to index
        %swap3A_350 = tpu.vector_load %arg10[%swap3A_349] {strides = array<i32>} : memref<512xi32, #tpu.memory_space<vmem>>, vector<16xi32>,
        tpu.vector_store %arg10[%swap3A_349], %convert_element_type3A_346 {strides = array<i32>} : memref<512xi32, #tpu.memory_space<vmem>>, vector<16xi32>,
        tpu.vector_store_idx %arg14[%convert_element_type3A_346, %add3A_348], %broadcast_in_dim3A_3 : memref<32x512xf32, #tpu.memory_space<vmem>>[vector<16xi32>, vector<16xi32>], vector<16xf32>,
      }
      %scan3A_242 = arith.constant 8 : i32
      %mul3A_243 = arith.constant 512 : i32
      %mul3A_244 = arith.muli %add3A_224, %mul3A_243 : i32
      %add3A_245 = arith.addi %mul3A_2, %mul3A_244 : i32
      %dma_start3A_246 = arith.constant 0 : i32
      %dma_start3A_247 = tpu.memref_slice %arg3[%dma_start3A_246, %add3A_245] : memref<32x2097152xf32, #tpu.memory_space<hbm>> -> memref<32x512xf32, #tpu.memory_space<hbm>>
      %dma_start3A_248 = arith.constant 0 : i32
      %dma_start3A_249 = tpu.memref_slice %arg3[%dma_start3A_248, %add3A_245] : memref<32x2097152xf32, #tpu.memory_space<hbm>> -> memref<32x512xf32, #tpu.memory_space<hbm>>
      tpu.enqueue_dma source(%arg14 : memref<32x512xf32, #tpu.memory_space<vmem>>) target(%dma_start3A_249 : memref<32x512xf32, #tpu.memory_space<hbm>>) target_semaphore(%arg22 : memref<!tpu.dma_semaphore, #tpu.memory_space<semaphore_mem>>)
      %add3A_250 = arith.constant 4 : i32
      %add3A_251 = arith.addi %add3A_224, %add3A_250 : i32
      %rem3A_252 = arith.constant 128 : i32
      %rem3A_253 = arith.remsi %add3A_251, %rem3A_252 : i32
      %mul3A_254 = arith.constant 512 : i32
      %mul3A_255 = arith.muli %rem3A_253, %mul3A_254 : i32
      %add3A_256 = arith.addi %mul3A_2, %mul3A_255 : i32
      %dma_start3A_257 = tpu.memref_slice %arg2[%add3A_256] : memref<2097152xf32, #tpu.memory_space<hbm>> -> memref<512xf32, #tpu.memory_space<hbm>>
      %dma_start3A_258 = tpu.memref_slice %arg2[%add3A_256] : memref<2097152xf32, #tpu.memory_space<hbm>> -> memref<512xf32, #tpu.memory_space<hbm>>
      tpu.enqueue_dma source(%dma_start3A_258 : memref<512xf32, #tpu.memory_space<hbm>>) target(%arg6 : memref<512xf32, #tpu.memory_space<vmem>>) target_semaphore(%arg18 : memref<!tpu.dma_semaphore, #tpu.memory_space<semaphore_mem>>)
      %mul3A_259 = arith.constant 4 : i32
      %mul3A_260 = arith.muli %mul3A_259, %scan3A_145 : i32
      %add3A_261 = arith.constant 3 : i32
      %add3A_262 = arith.addi %mul3A_260, %add3A_261 : i32
      %dma_wait3A_263 = tpu.memref_slice %arg2[%mul3A_2] : memref<2097152xf32, #tpu.memory_space<hbm>> -> memref<512xf32, #tpu.memory_space<hbm>>
      %dma_wait3A_264 = tpu.memref_slice %arg2[%mul3A_2] : memref<2097152xf32, #tpu.memory_space<hbm>> -> memref<512xf32, #tpu.memory_space<hbm>>
      tpu.wait_dma2 semaphore(%arg19 : memref<!tpu.dma_semaphore, #tpu.memory_space<semaphore_mem>>) src(%dma_wait3A_264 : memref<512xf32, #tpu.memory_space<hbm>>) dst(%arg7 : memref<512xf32, #tpu.memory_space<vmem>>)
      %dma_wait3A_265 = arith.constant 0 : i32
      %dma_wait3A_266 = tpu.memref_slice %arg3[%dma_wait3A_265, %mul3A_2] : memref<32x2097152xf32, #tpu.memory_space<hbm>> -> memref<32x512xf32, #tpu.memory_space<hbm>>
      %dma_wait3A_267 = arith.constant 0 : i32
      %dma_wait3A_268 = tpu.memref_slice %arg3[%dma_wait3A_267, %mul3A_2] : memref<32x2097152xf32, #tpu.memory_space<hbm>> -> memref<32x512xf32, #tpu.memory_space<hbm>>
      tpu.wait_dma2 semaphore(%arg23 : memref<!tpu.dma_semaphore, #tpu.memory_space<semaphore_mem>>) src(%arg15 : memref<32x512xf32, #tpu.memory_space<vmem>>) dst(%dma_wait3A_268 : memref<32x512xf32, #tpu.memory_space<hbm>>)
      %scan3A_269 = arith.constant 0 : i32
      %scan3A_270 = arith.constant 0 : i32
      %scan3A_271 = arith.constant 8 : i32
      %scan3A_272 = arith.addi %scan3A_270, %scan3A_271 : i32
      %scan3A_273 = arith.constant 1 : i32
      scf.for %scan3A_297 = %scan3A_270 to %scan3A_272 step %scan3A_273  : i32 {
        %mul3A_298 = arith.constant 64 : i32
        %mul3A_299 = arith.muli %scan3A_297, %mul3A_298 : i32
        %add3A_300 = arith.constant 0 : i32
        %add3A_301 = arith.addi %mul3A_299, %add3A_300 : i32
        %get3A = arith.index_cast %add3A_301 : i32 to index
        %get3A_302 = tpu.vector_load %arg11[%get3A] {strides = array<i32>} : memref<512xi32, #tpu.memory_space<vmem>>, vector<16xi32>,
        %add3A_303 = vector.broadcast %add3A_301 : i32 to vector<16xi32>
        %add3A_304 = arith.addi %add3A_303, %iota3A : vector<16xi32>
        tpu.vector_store_idx %arg15[%get3A_302, %add3A_304], %broadcast_in_dim3A_5 : memref<32x512xf32, #tpu.memory_space<vmem>>[vector<16xi32>, vector<16xi32>], vector<16xf32>,
        %mul3A_305 = arith.constant 64 : i32
        %mul3A_306 = arith.muli %scan3A_297, %mul3A_305 : i32
        %add3A_307 = arith.constant 16 : i32
        %add3A_308 = arith.addi %mul3A_306, %add3A_307 : i32
        %get3A_309 = arith.index_cast %add3A_308 : i32 to index
        %get3A_310 = tpu.vector_load %arg11[%get3A_309] {strides = array<i32>} : memref<512xi32, #tpu.memory_space<vmem>>, vector<16xi32>,
        %add3A_311 = vector.broadcast %add3A_308 : i32 to vector<16xi32>
        %add3A_312 = arith.addi %add3A_311, %iota3A : vector<16xi32>
        tpu.vector_store_idx %arg15[%get3A_310, %add3A_312], %broadcast_in_dim3A_5 : memref<32x512xf32, #tpu.memory_space<vmem>>[vector<16xi32>, vector<16xi32>], vector<16xf32>,
        %mul3A_313 = arith.constant 64 : i32
        %mul3A_314 = arith.muli %scan3A_297, %mul3A_313 : i32
        %add3A_315 = arith.constant 32 : i32
        %add3A_316 = arith.addi %mul3A_314, %add3A_315 : i32
        %get3A_317 = arith.index_cast %add3A_316 : i32 to index
        %get3A_318 = tpu.vector_load %arg11[%get3A_317] {strides = array<i32>} : memref<512xi32, #tpu.memory_space<vmem>>, vector<16xi32>,
        %add3A_319 = vector.broadcast %add3A_316 : i32 to vector<16xi32>
        %add3A_320 = arith.addi %add3A_319, %iota3A : vector<16xi32>
        tpu.vector_store_idx %arg15[%get3A_318, %add3A_320], %broadcast_in_dim3A_5 : memref<32x512xf32, #tpu.memory_space<vmem>>[vector<16xi32>, vector<16xi32>], vector<16xf32>,
        %mul3A_321 = arith.constant 64 : i32
        %mul3A_322 = arith.muli %scan3A_297, %mul3A_321 : i32
        %add3A_323 = arith.constant 48 : i32
        %add3A_324 = arith.addi %mul3A_322, %add3A_323 : i32
        %get3A_325 = arith.index_cast %add3A_324 : i32 to index
        %get3A_326 = tpu.vector_load %arg11[%get3A_325] {strides = array<i32>} : memref<512xi32, #tpu.memory_space<vmem>>, vector<16xi32>,
        %add3A_327 = vector.broadcast %add3A_324 : i32 to vector<16xi32>
        %add3A_328 = arith.addi %add3A_327, %iota3A : vector<16xi32>
        tpu.vector_store_idx %arg15[%get3A_326, %add3A_328], %broadcast_in_dim3A_5 : memref<32x512xf32, #tpu.memory_space<vmem>>[vector<16xi32>, vector<16xi32>], vector<16xf32>,
      }
      %scan3A_274 = arith.constant 8 : i32
      %scan3A_275 = arith.constant 0 : i32
      %scan3A_276 = arith.constant 0 : i32
      %scan3A_277 = arith.constant 8 : i32
      %scan3A_278 = arith.addi %scan3A_276, %scan3A_277 : i32
      %scan3A_279 = arith.constant 1 : i32
      scf.for %scan3A_297 = %scan3A_276 to %scan3A_278 step %scan3A_279  : i32 {
        %mul3A_298 = arith.constant 64 : i32
        %mul3A_299 = arith.muli %scan3A_297, %mul3A_298 : i32
        %add3A_300 = arith.constant 0 : i32
        %add3A_301 = arith.addi %mul3A_299, %add3A_300 : i32
        %get3A = arith.index_cast %add3A_301 : i32 to index
        %get3A_302 = tpu.vector_load %arg7[%get3A] {strides = array<i32>} : memref<512xf32, #tpu.memory_space<vmem>>, vector<16xf32>,
        %mul3A_303 = arith.constant 3.200000e+01 : f32
        %mul3A_304 = vector.broadcast %mul3A_303 : f32 to vector<16xf32>
        %mul3A_305 = arith.mulf %get3A_302, %mul3A_304 : vector<16xf32>
        %convert_element_type3A = arith.fptosi %mul3A_305 : vector<16xf32> to vector<16xi32>
        %add3A_306 = vector.broadcast %add3A_301 : i32 to vector<16xi32>
        %add3A_307 = arith.addi %add3A_306, %iota3A : vector<16xi32>
        %swap3A = arith.index_cast %add3A_301 : i32 to index
        %swap3A_308 = tpu.vector_load %arg11[%swap3A] {strides = array<i32>} : memref<512xi32, #tpu.memory_space<vmem>>, vector<16xi32>,
        tpu.vector_store %arg11[%swap3A], %convert_element_type3A {strides = array<i32>} : memref<512xi32, #tpu.memory_space<vmem>>, vector<16xi32>,
        tpu.vector_store_idx %arg15[%convert_element_type3A, %add3A_307], %broadcast_in_dim3A_3 : memref<32x512xf32, #tpu.memory_space<vmem>>[vector<16xi32>, vector<16xi32>], vector<16xf32>,
        %mul3A_309 = arith.constant 64 : i32
        %mul3A_310 = arith.muli %scan3A_297, %mul3A_309 : i32
        %add3A_311 = arith.constant 16 : i32
        %add3A_312 = arith.addi %mul3A_310, %add3A_311 : i32
        %get3A_313 = arith.index_cast %add3A_312 : i32 to index
        %get3A_314 = tpu.vector_load %arg7[%get3A_313] {strides = array<i32>} : memref<512xf32, #tpu.memory_space<vmem>>, vector<16xf32>,
        %mul3A_315 = arith.constant 3.200000e+01 : f32
        %mul3A_316 = vector.broadcast %mul3A_315 : f32 to vector<16xf32>
        %mul3A_317 = arith.mulf %get3A_314, %mul3A_316 : vector<16xf32>
        %convert_element_type3A_318 = arith.fptosi %mul3A_317 : vector<16xf32> to vector<16xi32>
        %add3A_319 = vector.broadcast %add3A_312 : i32 to vector<16xi32>
        %add3A_320 = arith.addi %add3A_319, %iota3A : vector<16xi32>
        %swap3A_321 = arith.index_cast %add3A_312 : i32 to index
        %swap3A_322 = tpu.vector_load %arg11[%swap3A_321] {strides = array<i32>} : memref<512xi32, #tpu.memory_space<vmem>>, vector<16xi32>,
        tpu.vector_store %arg11[%swap3A_321], %convert_element_type3A_318 {strides = array<i32>} : memref<512xi32, #tpu.memory_space<vmem>>, vector<16xi32>,
        tpu.vector_store_idx %arg15[%convert_element_type3A_318, %add3A_320], %broadcast_in_dim3A_3 : memref<32x512xf32, #tpu.memory_space<vmem>>[vector<16xi32>, vector<16xi32>], vector<16xf32>,
        %mul3A_323 = arith.constant 64 : i32
        %mul3A_324 = arith.muli %scan3A_297, %mul3A_323 : i32
        %add3A_325 = arith.constant 32 : i32
        %add3A_326 = arith.addi %mul3A_324, %add3A_325 : i32
        %get3A_327 = arith.index_cast %add3A_326 : i32 to index
        %get3A_328 = tpu.vector_load %arg7[%get3A_327] {strides = array<i32>} : memref<512xf32, #tpu.memory_space<vmem>>, vector<16xf32>,
        %mul3A_329 = arith.constant 3.200000e+01 : f32
        %mul3A_330 = vector.broadcast %mul3A_329 : f32 to vector<16xf32>
        %mul3A_331 = arith.mulf %get3A_328, %mul3A_330 : vector<16xf32>
        %convert_element_type3A_332 = arith.fptosi %mul3A_331 : vector<16xf32> to vector<16xi32>
        %add3A_333 = vector.broadcast %add3A_326 : i32 to vector<16xi32>
        %add3A_334 = arith.addi %add3A_333, %iota3A : vector<16xi32>
        %swap3A_335 = arith.index_cast %add3A_326 : i32 to index
        %swap3A_336 = tpu.vector_load %arg11[%swap3A_335] {strides = array<i32>} : memref<512xi32, #tpu.memory_space<vmem>>, vector<16xi32>,
        tpu.vector_store %arg11[%swap3A_335], %convert_element_type3A_332 {strides = array<i32>} : memref<512xi32, #tpu.memory_space<vmem>>, vector<16xi32>,
        tpu.vector_store_idx %arg15[%convert_element_type3A_332, %add3A_334], %broadcast_in_dim3A_3 : memref<32x512xf32, #tpu.memory_space<vmem>>[vector<16xi32>, vector<16xi32>], vector<16xf32>,
        %mul3A_337 = arith.constant 64 : i32
        %mul3A_338 = arith.muli %scan3A_297, %mul3A_337 : i32
        %add3A_339 = arith.constant 48 : i32
        %add3A_340 = arith.addi %mul3A_338, %add3A_339 : i32
        %get3A_341 = arith.index_cast %add3A_340 : i32 to index
        %get3A_342 = tpu.vector_load %arg7[%get3A_341] {strides = array<i32>} : memref<512xf32, #tpu.memory_space<vmem>>, vector<16xf32>,
        %mul3A_343 = arith.constant 3.200000e+01 : f32
        %mul3A_344 = vector.broadcast %mul3A_343 : f32 to vector<16xf32>
        %mul3A_345 = arith.mulf %get3A_342, %mul3A_344 : vector<16xf32>
        %convert_element_type3A_346 = arith.fptosi %mul3A_345 : vector<16xf32> to vector<16xi32>
        %add3A_347 = vector.broadcast %add3A_340 : i32 to vector<16xi32>
        %add3A_348 = arith.addi %add3A_347, %iota3A : vector<16xi32>
        %swap3A_349 = arith.index_cast %add3A_340 : i32 to index
        %swap3A_350 = tpu.vector_load %arg11[%swap3A_349] {strides = array<i32>} : memref<512xi32, #tpu.memory_space<vmem>>, vector<16xi32>,
        tpu.vector_store %arg11[%swap3A_349], %convert_element_type3A_346 {strides = array<i32>} : memref<512xi32, #tpu.memory_space<vmem>>, vector<16xi32>,
        tpu.vector_store_idx %arg15[%convert_element_type3A_346, %add3A_348], %broadcast_in_dim3A_3 : memref<32x512xf32, #tpu.memory_space<vmem>>[vector<16xi32>, vector<16xi32>], vector<16xf32>,
      }
      %scan3A_280 = arith.constant 8 : i32
      %mul3A_281 = arith.constant 512 : i32
      %mul3A_282 = arith.muli %add3A_262, %mul3A_281 : i32
      %add3A_283 = arith.addi %mul3A_2, %mul3A_282 : i32
      %dma_start3A_284 = arith.constant 0 : i32
      %dma_start3A_285 = tpu.memref_slice %arg3[%dma_start3A_284, %add3A_283] : memref<32x2097152xf32, #tpu.memory_space<hbm>> -> memref<32x512xf32, #tpu.memory_space<hbm>>
      %dma_start3A_286 = arith.constant 0 : i32
      %dma_start3A_287 = tpu.memref_slice %arg3[%dma_start3A_286, %add3A_283] : memref<32x2097152xf32, #tpu.memory_space<hbm>> -> memref<32x512xf32, #tpu.memory_space<hbm>>
      tpu.enqueue_dma source(%arg15 : memref<32x512xf32, #tpu.memory_space<vmem>>) target(%dma_start3A_287 : memref<32x512xf32, #tpu.memory_space<hbm>>) target_semaphore(%arg23 : memref<!tpu.dma_semaphore, #tpu.memory_space<semaphore_mem>>)
      %add3A_288 = arith.constant 4 : i32
      %add3A_289 = arith.addi %add3A_262, %add3A_288 : i32
      %rem3A_290 = arith.constant 128 : i32
      %rem3A_291 = arith.remsi %add3A_289, %rem3A_290 : i32
      %mul3A_292 = arith.constant 512 : i32
      %mul3A_293 = arith.muli %rem3A_291, %mul3A_292 : i32
      %add3A_294 = arith.addi %mul3A_2, %mul3A_293 : i32
      %dma_start3A_295 = tpu.memref_slice %arg2[%add3A_294] : memref<2097152xf32, #tpu.memory_space<hbm>> -> memref<512xf32, #tpu.memory_space<hbm>>
      %dma_start3A_296 = tpu.memref_slice %arg2[%add3A_294] : memref<2097152xf32, #tpu.memory_space<hbm>> -> memref<512xf32, #tpu.memory_space<hbm>>
      tpu.enqueue_dma source(%dma_start3A_296 : memref<512xf32, #tpu.memory_space<hbm>>) target(%arg7 : memref<512xf32, #tpu.memory_space<vmem>>) target_semaphore(%arg19 : memref<!tpu.dma_semaphore, #tpu.memory_space<semaphore_mem>>)
    }
    %scan3A_120 = arith.constant 31 : i32
    %dma_wait3A_121 = tpu.memref_slice %arg2[%mul3A_2] : memref<2097152xf32, #tpu.memory_space<hbm>> -> memref<512xf32, #tpu.memory_space<hbm>>
    %dma_wait3A_122 = tpu.memref_slice %arg2[%mul3A_2] : memref<2097152xf32, #tpu.memory_space<hbm>> -> memref<512xf32, #tpu.memory_space<hbm>>
    tpu.wait_dma2 semaphore(%arg16 : memref<!tpu.dma_semaphore, #tpu.memory_space<semaphore_mem>>) src(%dma_wait3A_122 : memref<512xf32, #tpu.memory_space<hbm>>) dst(%arg4 : memref<512xf32, #tpu.memory_space<vmem>>)
    %dma_wait3A_123 = arith.constant 0 : i32
    %dma_wait3A_124 = tpu.memref_slice %arg3[%dma_wait3A_123, %mul3A_2] : memref<32x2097152xf32, #tpu.memory_space<hbm>> -> memref<32x512xf32, #tpu.memory_space<hbm>>
    %dma_wait3A_125 = arith.constant 0 : i32
    %dma_wait3A_126 = tpu.memref_slice %arg3[%dma_wait3A_125, %mul3A_2] : memref<32x2097152xf32, #tpu.memory_space<hbm>> -> memref<32x512xf32, #tpu.memory_space<hbm>>
    tpu.wait_dma2 semaphore(%arg20 : memref<!tpu.dma_semaphore, #tpu.memory_space<semaphore_mem>>) src(%arg12 : memref<32x512xf32, #tpu.memory_space<vmem>>) dst(%dma_wait3A_126 : memref<32x512xf32, #tpu.memory_space<hbm>>)
    %dma_wait3A_127 = tpu.memref_slice %arg2[%mul3A_2] : memref<2097152xf32, #tpu.memory_space<hbm>> -> memref<512xf32, #tpu.memory_space<hbm>>
    %dma_wait3A_128 = tpu.memref_slice %arg2[%mul3A_2] : memref<2097152xf32, #tpu.memory_space<hbm>> -> memref<512xf32, #tpu.memory_space<hbm>>
    tpu.wait_dma2 semaphore(%arg17 : memref<!tpu.dma_semaphore, #tpu.memory_space<semaphore_mem>>) src(%dma_wait3A_128 : memref<512xf32, #tpu.memory_space<hbm>>) dst(%arg5 : memref<512xf32, #tpu.memory_space<vmem>>)
    %dma_wait3A_129 = arith.constant 0 : i32
    %dma_wait3A_130 = tpu.memref_slice %arg3[%dma_wait3A_129, %mul3A_2] : memref<32x2097152xf32, #tpu.memory_space<hbm>> -> memref<32x512xf32, #tpu.memory_space<hbm>>
    %dma_wait3A_131 = arith.constant 0 : i32
    %dma_wait3A_132 = tpu.memref_slice %arg3[%dma_wait3A_131, %mul3A_2] : memref<32x2097152xf32, #tpu.memory_space<hbm>> -> memref<32x512xf32, #tpu.memory_space<hbm>>
    tpu.wait_dma2 semaphore(%arg21 : memref<!tpu.dma_semaphore, #tpu.memory_space<semaphore_mem>>) src(%arg13 : memref<32x512xf32, #tpu.memory_space<vmem>>) dst(%dma_wait3A_132 : memref<32x512xf32, #tpu.memory_space<hbm>>)
    %dma_wait3A_133 = tpu.memref_slice %arg2[%mul3A_2] : memref<2097152xf32, #tpu.memory_space<hbm>> -> memref<512xf32, #tpu.memory_space<hbm>>
    %dma_wait3A_134 = tpu.memref_slice %arg2[%mul3A_2] : memref<2097152xf32, #tpu.memory_space<hbm>> -> memref<512xf32, #tpu.memory_space<hbm>>
    tpu.wait_dma2 semaphore(%arg18 : memref<!tpu.dma_semaphore, #tpu.memory_space<semaphore_mem>>) src(%dma_wait3A_134 : memref<512xf32, #tpu.memory_space<hbm>>) dst(%arg6 : memref<512xf32, #tpu.memory_space<vmem>>)
    %dma_wait3A_135 = arith.constant 0 : i32
    %dma_wait3A_136 = tpu.memref_slice %arg3[%dma_wait3A_135, %mul3A_2] : memref<32x2097152xf32, #tpu.memory_space<hbm>> -> memref<32x512xf32, #tpu.memory_space<hbm>>
    %dma_wait3A_137 = arith.constant 0 : i32
    %dma_wait3A_138 = tpu.memref_slice %arg3[%dma_wait3A_137, %mul3A_2] : memref<32x2097152xf32, #tpu.memory_space<hbm>> -> memref<32x512xf32, #tpu.memory_space<hbm>>
    tpu.wait_dma2 semaphore(%arg22 : memref<!tpu.dma_semaphore, #tpu.memory_space<semaphore_mem>>) src(%arg14 : memref<32x512xf32, #tpu.memory_space<vmem>>) dst(%dma_wait3A_138 : memref<32x512xf32, #tpu.memory_space<hbm>>)
    %dma_wait3A_139 = tpu.memref_slice %arg2[%mul3A_2] : memref<2097152xf32, #tpu.memory_space<hbm>> -> memref<512xf32, #tpu.memory_space<hbm>>
    %dma_wait3A_140 = tpu.memref_slice %arg2[%mul3A_2] : memref<2097152xf32, #tpu.memory_space<hbm>> -> memref<512xf32, #tpu.memory_space<hbm>>
    tpu.wait_dma2 semaphore(%arg19 : memref<!tpu.dma_semaphore, #tpu.memory_space<semaphore_mem>>) src(%dma_wait3A_140 : memref<512xf32, #tpu.memory_space<hbm>>) dst(%arg7 : memref<512xf32, #tpu.memory_space<vmem>>)
    %dma_wait3A_141 = arith.constant 0 : i32
    %dma_wait3A_142 = tpu.memref_slice %arg3[%dma_wait3A_141, %mul3A_2] : memref<32x2097152xf32, #tpu.memory_space<hbm>> -> memref<32x512xf32, #tpu.memory_space<hbm>>
    %dma_wait3A_143 = arith.constant 0 : i32
    %dma_wait3A_144 = tpu.memref_slice %arg3[%dma_wait3A_143, %mul3A_2] : memref<32x2097152xf32, #tpu.memory_space<hbm>> -> memref<32x512xf32, #tpu.memory_space<hbm>>
    tpu.wait_dma2 semaphore(%arg23 : memref<!tpu.dma_semaphore, #tpu.memory_space<semaphore_mem>>) src(%arg15 : memref<32x512xf32, #tpu.memory_space<vmem>>) dst(%dma_wait3A_144 : memref<32x512xf32, #tpu.memory_space<hbm>>)
    return
  }
}

</mosaic_0001>

<sc_bundles>
// kernel: kernel.3.cloned.1.call-start
scs
__scs_entry_jumppad:
0x0: {  	(pc) =	sbr.rel $0x88, $3  }
0x1: {  	(tag) =	ssettag $0x0;
	lr =	simm.s32 $0x1  }
0x2: {  	[smem:$0x3FA0] =	sst lr;
	_ =	strace $0xD0000000  }
0x3: {  	_ = 	snop  }
0x4: {  	_ = 	snop  }
0x5: {  	_ = 	snop  }
0x6: {  	_ = 	snop  }
0x7: {  	_ = 	snop  }
__scs_overlays_trampoline_lowered:
0x8: {  	[smem:$0x3FAF] =	sst s0  }
0x9: {  	[smem:$0x3FB0] =	sst s1  }
0xa: {  	[smem:$0x3FB1] =	sst s2  }
0xb: {  	[smem:$0x3FB2] =	sst s3  }
0xc: {  	[smem:$0x3FB3] =	sst s4  }
0xd: {  	[smem:$0x3FB4] =	sst s5  }
0xe: {  	[smem:$0x3FB5] =	sst s6  }
0xf: {  	[smem:$0x3FB6] =	sst s7  }
0x10: {  	[smem:$0x3FB7] =	sst s8  }
0x11: {  	[smem:$0x3FB8] =	sst s9;
	s0 =	simm.s32 @!p0 $0x0  }
0x12: {  	s1 =	sld [smem:$0x3F9E];
	s0 =	simm.s32 @p0 $0x1  }
0x13: {  	[smem:$0x3FB9] =	sst s0;
	s0 =	simm.s32 @!p1 $0x0  }
0x14: {  	s2 =	sld [smem:$0x3F9D];
	s0 =	simm.s32 @p1 $0x1  }
0x15: {  	[smem:$0x3FBA] =	sst s0;
	s0 =	simm.s32 @!p2 $0x0  }
0x16: {  	s3 =	sld [smem:$0x3FDB];
	s0 =	simm.s32 @p2 $0x1  }
0x17: {  	s4 =	simm.s32 $0x1BF5;
	[smem:$0x3FBC] =	sst s0  }
0x18: {  	s0 =	sld [smem:$0x3F9F];
	_ =	swait.ge [sflag:s4], $0x0  }
0x19: {  	s7 =	sld [smem:$0x3FA0]  }
0x1a: {  	s8 =	sadd.s32 $0xFFFFE003, lr  }
0x1b: {  	s9 =	sadd.s32 $0xFFFFFEF7, lr;
	s5 =	simm.s32 $0xFFFFFFFF;
	p2 =	slt.u32 s8, $0xFFFFF086  }
0x1c: {  	p1 =	slt.u32 s9, $0xF7A;
	s5 =	simm.s32 @!p2 $0x0  }
0x1d: {  	s5 =	simm.s32 @p1 $0x1;
	p0 =	seq.s32 s7, s2  }
0x1e: {  	s7 =	smul.u32 @!p0 $0xF7A, s2;
	p2 =	seq.s32 @!p0 s5, $0x0  }
0x1f: {  	s9 =	smul.u32 $0xF7A, s1;
	s8 =	simm.s32 @!p0 $0x1BF5;
	p2 =	por !p2, p0  }
0x20: {  	[sflag:s8] =	ssyncset.s32 @!p0 $0xFFFFF086;
	s6 =	sadd.s32 @!p0 s3, s7;
	s7 =	simm.s32 @!p0 $0x108  }
0x21: {  	s3 =	sadd.s32 s3, s9;
	s6 =	sadd.s32 @!p0 $0x88, s6;
	s7 =	simm.s32 @p2 $0x1082  }
0x22: {  	[simem:s7], [sflag:s8] =	dma.local @!p0 [hbm:s6], $0xF7A  }
0x23: {  	s9 =	sor.u32 $0xD0000000, s2;
	s6 =	simm.s32 $0x108;
	_ =	swait.ge @!p0 [sflag:s8], $0x0  }
0x24: {  	s3 =	sadd.s32 $0x88, s3;
	s6 =	simm.s32 @!p1 $0x1082;
	[sflag:s4] =	ssyncset.s32 $0xFFFFF086  }
0x25: {  	[simem:s6], [sflag:s4] =	dma.local [hbm:s3], $0xF7A  }
0x26: {  	[smem:$0x3FA0] =	sst s1;
	(tag) =	ssettag s2;
	_ =	strace s9  }
0x27: {  	s1 =	sld [smem:$0x3FB0]  }
0x28: {  	s2 =	sld [smem:$0x3FB1]  }
0x29: {  	s4 =	sld [smem:$0x3FB3]  }
0x2a: {  	p0 =	seq.s32 s5, $0x0;
	s5 =	sld [smem:$0x3FB4]  }
0x2b: {  	s6 =	sld [smem:$0x3FB5]  }
0x2c: {  	s7 =	sld [smem:$0x3FB6]  }
0x2d: {  	s3 =	simm.s32 $0x108;
	s8 =	sld [smem:$0x3FB7]  }
0x2e: {  	s3 =	simm.s32 @!p0 $0x1082;
	s9 =	sld [smem:$0x3FB8]  }
0x2f: {  	lr =	sadd.s32 s0, s3;
	s0 =	sld [smem:$0x3FAF]  }
0x30: {  	s3 =	sld [smem:$0x3FB2]  }
0x31: {  	[smem:$0x3FBB] =	sst s10  }
0x32: {  	s10 =	sld [smem:$0x3FB9];
	_ =	sdelay $0x3  }
0x33: {  	p0 =	seq.s32 s10, $0x1;
	s10 =	sld [smem:$0x3FBB];
	_ =	sdelay $0x3  }
0x34: {  	[smem:$0x3FBB] =	sst s10  }
0x35: {  	s10 =	sld [smem:$0x3FBA];
	_ =	sdelay $0x3  }
0x36: {  	p1 =	seq.s32 s10, $0x1;
	s10 =	sld [smem:$0x3FBB];
	_ =	sdelay $0x3  }
0x37: {  	[smem:$0x3FBB] =	sst s10  }
0x38: {  	s10 =	sld [smem:$0x3FBC]  }
0x39: {  	_ = 	snop;
	(pc) =	sbr.ind lr, $3  }
0x3a: {  	_ = 	snop  }
0x3b: {  	_ = 	snop  }
0x3c: {  	p2 =	seq.s32 s10, $0x1;
	s10 =	sld [smem:$0x3FBB]  }
0x3d: {  	_ =	shalt  }
0x3e: {  	_ =	shalt  }
0x3f: {  	_ =	shalt  }
0x40: {  	_ =	shalt  }
0x41: {  	_ =	shalt  }
0x42: {  	_ =	shalt  }
0x43: {  	_ =	shalt  }
0x44: {  	_ =	shalt  }
0x45: {  	_ =	shalt  }
0x46: {  	_ =	shalt  }
0x47: {  	_ =	shalt  }
0x48: {  	_ =	shalt  }
0x49: {  	_ =	shalt  }
0x4a: {  	_ =	shalt  }
0x4b: {  	_ =	shalt  }
0x4c: {  	_ =	shalt  }
0x4d: {  	_ =	shalt  }
0x4e: {  	_ =	shalt  }
0x4f: {  	_ =	shalt  }
0x50: {  	_ =	shalt  }
0x51: {  	_ =	shalt  }
0x52: {  	_ =	shalt  }
0x53: {  	_ =	shalt  }
0x54: {  	_ =	shalt  }
0x55: {  	_ =	shalt  }
0x56: {  	_ =	shalt  }
0x57: {  	_ =	shalt  }
0x58: {  	_ =	shalt  }
0x59: {  	_ =	shalt  }
0x5a: {  	_ =	shalt  }
0x5b: {  	_ =	shalt  }
0x5c: {  	_ =	shalt  }
0x5d: {  	_ =	shalt  }
0x5e: {  	_ =	shalt  }
0x5f: {  	_ =	shalt  }
0x60: {  	_ =	shalt  }
0x61: {  	_ =	shalt  }
0x62: {  	_ =	shalt  }
0x63: {  	_ =	shalt  }
0x64: {  	_ =	shalt  }
0x65: {  	_ =	shalt  }
0x66: {  	_ =	shalt  }
0x67: {  	_ =	shalt  }
0x68: {  	_ =	shalt  }
0x69: {  	_ =	shalt  }
0x6a: {  	_ =	shalt  }
0x6b: {  	_ =	shalt  }
0x6c: {  	_ =	shalt  }
0x6d: {  	_ =	shalt  }
0x6e: {  	_ =	shalt  }
0x6f: {  	_ =	shalt  }
0x70: {  	_ =	shalt  }
0x71: {  	_ =	shalt  }
0x72: {  	_ =	shalt  }
0x73: {  	_ =	shalt  }
0x74: {  	_ =	shalt  }
0x75: {  	_ =	shalt  }
0x76: {  	_ =	shalt  }
0x77: {  	_ =	shalt  }
0x78: {  	_ =	shalt  }
0x79: {  	_ =	shalt  }
0x7a: {  	_ =	shalt  }
0x7b: {  	_ =	shalt  }
0x7c: {  	_ =	shalt  }
0x7d: {  	_ =	shalt  }
0x7e: {  	_ =	shalt  }
0x7f: {  	_ =	shalt  }
0x80: {  	_ =	shalt  }
0x81: {  	_ =	shalt  }
0x82: {  	_ =	shalt  }
0x83: {  	_ =	shalt  }
0x84: {  	_ =	shalt  }
0x85: {  	_ =	shalt  }
0x86: {  	_ =	shalt  }
0x87: {  	_ =	shalt  }
.Lfunc_end0:
.L_simem_size_0:
called_computation_lowered:
.L_overlay_start_0:
0x88: {  	s2 =	sld [smem:$0x3FD9]  }
0x89: {  	s3 =	sld [smem:$0x3FFE];
	_ =	sdelay $0x1  }
0x8a: {  	s1 =	srdreg.scid  }
0x8b: {  	s0 =	sand.u32 $0x1, s1  }
0x8c: {  	s18 =	sshll.u32 s0, $0xA;
	s2 =	sadd.s32 s3, s2  }
0x8d: {  	s2 =	sadd.s32 s2, s18  }
0x8e: {  	[smem:$0x3FC7] =	sst s2  }
0x8f: {  	_ = 	snop  }
0x90: {  	s2 =	sld [smem:$0x3FC9]  }
0x91: {  	s19 =	sld [smem:$0x3FD0];
	(tm) =	ssettm $0x1  }
0x92: {  	s4 =	sld [smem:$0x3FFB];
	_ =	sdelay $0x3  }
0x93: {  	_ =	strace s4  }
0x94: {  	s4 =	sld [smem:$0x3FFC];
	_ =	sdelay $0x3  }
0x95: {  	_ =	strace s4  }
0x96: {  	s4 =	sld [smem:$0x3FFD];
	_ =	sdelay $0x3  }
0x97: {  	_ =	strace s4  }
0x98: {  	_ =	strace $0x8FFFFFFF  }
0x99: {  	s20 =	sld [smem:$0x3FDB];
	_ =	sdelay $0x1  }
0x9a: {  	s5 =	simm.s32 $_scs_section_size  }
0x9b: {  	s6 =	simm.s32 $_size__tile_overlayer_lowered;
	s7 =	simm.s32 $_tile_overlayer_lowered  }
0x9c: {  	s23 =	simm.s32 $0x1BFF;
	s22 =	sshll.u32 s7, $0x1;
	s4 =	sadd.s32 s5, s20  }
0x9d: {  	s8 =	simm.s32 $0x0;
	s21 =	sshll.u32 s6, $0x1;
	s6 =	sadd.s32 s22, s4  }
0x9e: {  	[timem:s8], [sflag:s23] =	dma.local [hbm:s6], s21  }
0x9f: {  	_ =	swait.ge [sflag:s23], s21  }
0xa0: {  	s5 =	ssub.s32 $0x0, s21;
	[sflag:s23] =	ssyncset.done $0x0  }
0xa1: {  	[sflag:s23] =	ssyncadd.s32 s5;
	_ =	sdelay $0x1  }
0xa2: {  	s24 =	simm.s32 $0x1B8B  }
0xa3: {  	_ =	swait.ge [sflag:s24], $0x1  }
0xa4: {  	[sflag:s24] =	ssyncset.done $0x0  }
0xa5: {  	s25 =	simm.s32 $0x1B8E;
	[sflag:s24] =	ssyncadd.s32 $0xFFFFFFFF  }
0xa6: {  	s26 =	simm.s32 $execute0_lowered;
	[smem:$0x3FD2] =	sst s25  }
0xa7: {  	s5 =	sshll.u32 s26, $0x1;
	_ =	strace $0x80000046;
	[dreg:$0x1] =	wrdreg $0xFFFFFFFF  }
0xa8: {  	s28 =	simm.s32 $_size_execute0_lowered;
	s4 =	sadd.s32 s4, s5;
	[dreg:$0x0] =	wrdreg $0x0  }
0xa9: {  	s5 =	sshll.u32 s28, $0x1;
	[dreg:$0x2] =	wrdreg s4  }
0xaa: {  	[dreg:$0x3] =	wrdreg s5  }
0xab: {  	[dreg:$0x4] =	wrdreg $0xC0  }
0xac: {  	_ =	task [dreg:s8], $0x5FFFF  }
0xad: {  	[dreg:$0x1] =	wrdreg $0xFFFFFFFF  }
0xae: {  	[dreg:$0x0] =	wrdreg $0x60  }
0xaf: {  	[dreg:$0x2] =	wrdreg s2  }
0xb0: {  	[dreg:$0x3] =	wrdreg s19  }
0xb1: {  	[dreg:$0x4] =	wrdreg $0x9  }
0xb2: {  	_ =	task.clear_ibuf [dreg:s8], $0x5FFFF;
	_ =	strace $0x90000046  }
0xb3: {  	s29 =	simm.s32 $0x9;
	_ =	strace $0x80000048  }
0xb4: {  	_ =	swait.ge [sflag:s29], $0x1  }
0xb5: {  	[sflag:s29] =	ssyncadd.s32 $0xFFFFFFFF  }
0xb6: {  	_ =	strace $0x90000048  }
0xb7: {  	_ =	sfence  }
0xb8: {  	s30 =	sld [smem:$0x0];
	_ =	sdelay $0x2  }
0xb9: {  	s31 =	sshll.u32 s1, $0xD;
	s1 =	sshrl.u32 s1, $0x2  }
0xba: {  	s3 =	sand.u32 $0x4000, s31;
	s1 =	sadd.s32 s1, s30  }
0xbb: {  	s0 =	sor.u32 s3, s0;
	s1 =	sshll.u32 s1, $0x11  }
0xbc: {  	s0 =	sor.u32 s1, s0  }
0xbd: {  	s0 =	sadd.s32 $0x8F2B, s0  }
0xbe: {  	[sflag:s0] =	ssyncadd.remote.s32 $0x1  }
0xbf: {  	_ =	sfence.sel $0xFFFF  }
0xc0: {  	[dreg:$0x0] =	wrdreg $0xFFFFFFFF;
	(pc) =	sbr.abs _section_cstart, $3  }
0xc1: {  	[dreg:$0x1] =	wrdreg $0xFFFFFFFF  }
0xc2: {  	_ =	task.clear_ibuf [dreg:s8], $0x2FFFF;
	_ =	strace $0x9FFFFFFF  }
0xc3: {  	(tm) =	ssettm $0x7FFFFFFF  }
tec
execute0_lowered:
.L_overlay_start_1:
0x0: {  	(tag) =	ssettag $0x1  }
0x1: {  	s1 =	rddreg [dreg:$0x0]  }
0x2: {  	s0 =	rddreg [dreg:$0x1]  }
0x3: {  	s3 =	simm.s32 $0x0;
	s2 =	srdreg.scid;
	s4 =	stileid.u32  }
0x4: {  	s28 =	simm.s32 $0x9000;
	s29 =	simm.s32 $0x4;
	s30 =	simm.s32 $0xD000  }
0x5: {  	s31 =	simm.s32 $0x5;
	[smem:$0x7FF] =	sst s3;
	s2 =	sand.u32 $0x1, s2  }
0x6: {  	s4 =	sshll.u32 s4, $0x11;
	s5 =	ssub.s32 $0x2, s2;
	s2 =	sshll.u32 s2, $0x10  }
0x7: {  	_ =	strace $0x80000047;
	s6 =	sshrl.u32 s5, $0x1;
	s4 =	sor.u32 s2, s4  }
0x8: {  	s2 =	simm.s32 $0x7;
	s18 =	sshrl.u32 s4, $0x3;
	s19 =	sshrl.u32 s4, $0x7  }
0x9: {  	s17 =	ssub.s32 s5, s6;
	s5 =	sadd.s32 s1, s18;
	s7 =	sor.u32 $0x4, s19  }
0xa: {  	s8 =	sor.u32 $0x8, s19;
	s6 =	sor.u32 $0xC, s19;
	s17 =	smax.u32 s17, $0x1  }
0xb: {  	s18 =	simm.s32 $0x200;
	s19 =	simm.s32 $0x400;
	s9 =	sshll.u32 s7, $0x4  }
0xc: {  	s10 =	sshll.u32 s8, $0x4;
	s21 =	sshll.u32 s6, $0x4;
	s22 =	sadd.s32 $0x100, s5  }
0xd: {  	s7 =	sshll.u32 s7, $0x7;
	s24 =	sadd.s32 $0x140, s5;
	[dreg:$0x6] =	wrdreg s22  }
0xe: {  	s23 =	sshll.u32 s8, $0x7;
	s25 =	sadd.s32 $0x180, s5;
	[dreg:$0x8] =	wrdreg s24  }
0xf: {  	s6 =	sshll.u32 s6, $0x7;
	s26 =	sadd.s32 $0x1C0, s5;
	[dreg:$0xa] =	wrdreg s25  }
0x10: {  	s9 =	sadd.s32 s1, s9;
	s20 =	sadd.s32 s1, s10;
	[dreg:$0xc] =	wrdreg s26  }
0x11: {  	s7 =	sadd.s32 s0, s7;
	s22 =	simm.s32 $0x1000;
	[dreg:$0x3] =	wrdreg s9  }
0x12: {  	s24 =	simm.s32 $0x2;
	s25 =	simm.s32 $0x5000;
	[dreg:$0x4] =	wrdreg s20  }
0x13: {  	s26 =	simm.s32 $0x3;
	s9 =	sadd.s32 s1, s21;
	[dreg:$0x7] =	wrdreg s7  }
0x14: {  	s7 =	sadd.s32 s0, s23;
	s20 =	simm.s32 $0x600;
	s21 =	simm.s32 $0x1  }
0x15: {  	s23 =	simm.s32 $0x1000000;
	[dreg:$0x5] =	wrdreg s9;
	s9 =	sadd.s32 s0, s4  }
0x16: {  	[dreg:$0x9] =	wrdreg s7;
	s0 =	sadd.s32 s0, s6;
	s6 =	simm.s32 $0x8  }
0x17: {  	v0 =	vimm.f32 $0.0e+00;
	v1 =	vlaneseq.u32;
	v2 =	vimm.f32 $1.000000000e+00;
	s7 =	simm.s32 $0x0;
	[dreg:$0xb] =	wrdreg s0;
	s0 =	simm.s32 $0x6  }
.LBB2_1:
0x18: {  	[tilespmem:s3], [sflag:$0x1] =	stream.linear.gather [hbm4b:s5+s3], $0x200, $0x38;
	[tilespmem:$0x11000] =	vst v63  }
0x19: {  	s8 =	rddreg [dreg:$0x3]  }
0x1a: {  	[tilespmem:s18], [sflag:$0x2] =	stream.linear.gather [hbm4b:s8+s3], $0x200, $0x38;
	[tilespmem:$0x11000] =	vst v63  }
0x1b: {  	s14 =	rddreg [dreg:$0x4];
	s16 =	sand.u32 $0x70, s3;
	s10 =	sand.u32 $0xC00, s3  }
0x1c: {  	[tilespmem:s19], [sflag:$0x3] =	stream.linear.gather [hbm4b:s14+s3], $0x200, $0x38;
	[tilespmem:$0x11000] =	vst v63  }
0x1d: {  	s15 =	rddreg [dreg:$0x5];
	s8 =	sor.u32 s16, s10  }
0x1e: {  	[tilespmem:s20], [sflag:$0x4] =	stream.linear.gather [hbm4b:s15+s3], $0x200, $0x38;
	[tilespmem:$0x11000] =	vst v63  }
0x1f: {  	[tilespmem:s8+$0x1080] =	vst v0  }
0x20: {  	[tilespmem:s8+$0x1100] =	vst v0  }
0x21: {  	[tilespmem:s8+$0x1180] =	vst v0  }
0x22: {  	[tilespmem:s8+$0x1200] =	vst v0  }
0x23: {  	[tilespmem:s8+$0x1280] =	vst v0  }
0x24: {  	s12 =	sor.u32 s3, s3;
	s11 =	simm.s32 $0x0;
	s10 =	simm.s32 $0x10;
	[tilespmem:s8+$0x1300] =	vst v0  }
.LBB2_2:
0x25: {  	p0 =	sne.s32 s10, $0x1F0;
	[tilespmem:s8+$0x1000] =	vst v0;
	s12 =	sor.u32 $0x380, s12  }
0x26: {  	[tilespmem:s12+$0x1000] =	vst v0  }
0x27: {  	[tilespmem:s8+$0x2000] =	vst v0  }
0x28: {  	[tilespmem:s8+$0x2080] =	vst v0  }
0x29: {  	[tilespmem:s8+$0x2100] =	vst v0  }
0x2a: {  	[tilespmem:s8+$0x2180] =	vst v0  }
0x2b: {  	[tilespmem:s8+$0x2200] =	vst v0  }
0x2c: {  	[tilespmem:s8+$0x2280] =	vst v0  }
0x2d: {  	[tilespmem:s8+$0x2300] =	vst v0  }
0x2e: {  	[tilespmem:s8+$0x2380] =	vst v0  }
0x2f: {  	[tilespmem:s8+$0x3000] =	vst v0  }
0x30: {  	[tilespmem:s8+$0x3080] =	vst v0  }
0x31: {  	[tilespmem:s8+$0x3100] =	vst v0  }
0x32: {  	[tilespmem:s8+$0x3180] =	vst v0  }
0x33: {  	[tilespmem:s8+$0x3200] =	vst v0  }
0x34: {  	[tilespmem:s8+$0x3280] =	vst v0  }
0x35: {  	[tilespmem:s8+$0x3300] =	vst v0  }
0x36: {  	[tilespmem:s8+$0x3380] =	vst v0  }
0x37: {  	[tilespmem:s8+$0x4000] =	vst v0  }
0x38: {  	[tilespmem:s8+$0x4080] =	vst v0  }
0x39: {  	[tilespmem:s8+$0x4100] =	vst v0  }
0x3a: {  	[tilespmem:s8+$0x4180] =	vst v0  }
0x3b: {  	[tilespmem:s8+$0x4200] =	vst v0  }
0x3c: {  	s11 =	sadd.s32 $0x80, s11;
	[tilespmem:s8+$0x4280] =	vst v0  }
0x3d: {  	s12 =	sand.u32 $0x70, s10;
	s13 =	sand.u32 $0xC00, s11;
	[tilespmem:s8+$0x4300] =	vst v0  }
0x3e: {  	[tilespmem:s8+$0x4380] =	vst v0;
	s8 =	sor.u32 s12, s13  }
0x3f: {  	[tilespmem:s8+$0x1080] =	vst v0  }
.Ltmp0:
0x40: {  	[tilespmem:s8+$0x1100] =	vst v0;
	(pc) =	sbr.rel @p0 .LBB2_2-.Ltmp0, $4  }
0x41: {  	[tilespmem:s8+$0x1180] =	vst v0  }
0x42: {  	[tilespmem:s8+$0x1200] =	vst v0  }
0x43: {  	[tilespmem:s8+$0x1280] =	vst v0  }
0x44: {  	s12 =	sor.u32 s11, s10;
	s10 =	sadd.s32 $0x10, s10;
	[tilespmem:s8+$0x1300] =	vst v0  }
0x45: {  	[tilespmem:s8+$0x1000] =	vst v0;
	s10 =	sor.u32 $0x380, s12  }
0x46: {  	[tilespmem:s10+$0x1000] =	vst v0  }
0x47: {  	[tilespmem:s8+$0x2000] =	vst v0  }
0x48: {  	[tilespmem:s8+$0x2080] =	vst v0  }
0x49: {  	[tilespmem:s8+$0x2100] =	vst v0  }
0x4a: {  	[tilespmem:s8+$0x2180] =	vst v0  }
0x4b: {  	[tilespmem:s8+$0x2200] =	vst v0  }
0x4c: {  	[tilespmem:s8+$0x2280] =	vst v0  }
0x4d: {  	[tilespmem:s8+$0x2300] =	vst v0  }
0x4e: {  	[tilespmem:s8+$0x2380] =	vst v0  }
0x4f: {  	[tilespmem:s8+$0x3000] =	vst v0  }
0x50: {  	[tilespmem:s8+$0x3080] =	vst v0  }
0x51: {  	[tilespmem:s8+$0x3100] =	vst v0  }
0x52: {  	[tilespmem:s8+$0x3180] =	vst v0  }
0x53: {  	[tilespmem:s8+$0x3200] =	vst v0  }
0x54: {  	[tilespmem:s8+$0x3280] =	vst v0  }
0x55: {  	[tilespmem:s8+$0x3300] =	vst v0  }
0x56: {  	[tilespmem:s8+$0x3380] =	vst v0  }
0x57: {  	[tilespmem:s8+$0x4000] =	vst v0  }
0x58: {  	[tilespmem:s8+$0x4080] =	vst v0  }
0x59: {  	[tilespmem:s8+$0x4100] =	vst v0  }
0x5a: {  	[tilespmem:s8+$0x4180] =	vst v0  }
0x5b: {  	[tilespmem:s8+$0x4200] =	vst v0  }
0x5c: {  	[tilespmem:s8+$0x4280] =	vst v0  }
0x5d: {  	[tilespmem:s8+$0x4300] =	vst v0  }
0x5e: {  	[tilespmem:s8+$0x4380] =	vst v0  }
0x5f: {  	_ =	swait.ge [sflag:s21], $0x200  }
0x60: {  	s11 =	simm.s32 $0x820;
	[sflag:s21] =	ssyncset.done $0x0  }
0x61: {  	s10 =	simm.s32 $0x20;
	s8 =	simm.s32 $0x0;
	[sflag:s21] =	ssyncadd.s32 $0xFFFFFE00  }
.LBB2_4:
0x62: {  	v3 =	vld [tilespmem:s10+$0xFFFFFFE0];
	_ =	sdelay $0x4  }
0x63: {  	v3 =	vmul.f32 $3.200000000e+01, v3;
	_ =	sdelay $0x1  }
0x64: {  	v3 =	vtrunc.f32 v3  }
0x65: {  	v4 =	vmov s8;
	v3 =	vcvt.f32.s32 v3  }
0x66: {  	v5 =	vor.u32 s8, v1;
	v4 =	vshll.u32 v4, $0x3  }
0x67: {  	v5 =	vand.u32 $0x4F, v5;
	v4 =	vand.u32 $0xC00, v4;
	v6 =	vshll.u32 v3, $0x9  }
0x68: {  	v4 =	vor.u32 v4, v5;
	v51 =	vshll.u32 v3, $0x7;
	v6 =	vand.u32 $0xFFFFF000, v6  }
0x69: {  	v5 =	vand.u32 $0x380, v51;
	v4 =	vor.u32 v6, v4  }
0x6a: {  	v4 =	vor.u32 v5, v4;
	_ =	sdelay $0x3  }
0x6b: {  	[tilespmem:s11+$0xFFFFFFE0] =	vst v3  }
0x6c: {  	[tilespmem:v4+s22+$0x0] =	vst.idx.msk $0xffff, v2  }
0x6d: {  	v3 =	vld [tilespmem:s10+$0xFFFFFFF0];
	_ =	sdelay $0x4  }
0x6e: {  	v3 =	vmul.f32 $3.200000000e+01, v3;
	_ =	sdelay $0x1  }
0x6f: {  	s12 =	sadd.s32 $0x10, s8;
	v3 =	vtrunc.f32 v3  }
0x70: {  	v52 =	vmov s12;
	v3 =	vcvt.f32.s32 v3  }
0x71: {  	v53 =	vor.u32 s12, v1;
	v4 =	vshll.u32 v52, $0x3  }
0x72: {  	v5 =	vand.u32 $0x5F, v53;
	v4 =	vand.u32 $0xC00, v4;
	v54 =	vshll.u32 v3, $0x9  }
0x73: {  	v4 =	vor.u32 v4, v5;
	v55 =	vshll.u32 v3, $0x7;
	v6 =	vand.u32 $0xFFFFF000, v54  }
0x74: {  	v5 =	vand.u32 $0x380, v55;
	v4 =	vor.u32 v6, v4  }
0x75: {  	v4 =	vor.u32 v5, v4;
	_ =	sdelay $0x3  }
0x76: {  	[tilespmem:s11+$0xFFFFFFF0] =	vst v3  }
0x77: {  	[tilespmem:v4+s22+$0x0] =	vst.idx.msk $0xffff, v2  }
0x78: {  	v3 =	vld [tilespmem:s10+$0x0];
	_ =	sdelay $0x4  }
0x79: {  	v3 =	vmul.f32 $3.200000000e+01, v3;
	_ =	sdelay $0x1  }
0x7a: {  	s15 =	sadd.s32 $0x20, s8;
	v3 =	vtrunc.f32 v3  }
0x7b: {  	v56 =	vmov s15;
	v3 =	vcvt.f32.s32 v3  }
0x7c: {  	v57 =	vor.u32 s15, v1;
	v4 =	vshll.u32 v56, $0x3  }
0x7d: {  	v5 =	vand.u32 $0x6F, v57;
	v4 =	vand.u32 $0xC00, v4;
	v58 =	vshll.u32 v3, $0x9  }
0x7e: {  	v4 =	vor.u32 v4, v5;
	v59 =	vshll.u32 v3, $0x7;
	v6 =	vand.u32 $0xFFFFF000, v58  }
0x7f: {  	v5 =	vand.u32 $0x380, v59;
	v4 =	vor.u32 v6, v4  }
0x80: {  	v4 =	vor.u32 v5, v4;
	_ =	sdelay $0x3  }
0x81: {  	[tilespmem:s11+$0x0] =	vst v3  }
0x82: {  	[tilespmem:v4+s22+$0x0] =	vst.idx.msk $0xffff, v2  }
0x83: {  	v3 =	vld [tilespmem:s10+$0x10];
	_ =	sdelay $0x4  }
0x84: {  	v3 =	vmul.f32 $3.200000000e+01, v3;
	_ =	sdelay $0x1  }
0x85: {  	s16 =	sadd.s32 $0x30, s8;
	v3 =	vtrunc.f32 v3  }
0x86: {  	v60 =	vmov s16;
	v3 =	vcvt.f32.s32 v3  }
0x87: {  	v61 =	vor.u32 s16, v1;
	v4 =	vshll.u32 v60, $0x3  }
0x88: {  	v5 =	vand.u32 $0x7F, v61;
	v4 =	vand.u32 $0xC00, v4;
	v62 =	vshll.u32 v3, $0x9  }
0x89: {  	v4 =	vor.u32 v4, v5;
	v63 =	vshll.u32 v3, $0x7;
	v6 =	vand.u32 $0xFFFFF000, v62  }
0x8a: {  	v5 =	vand.u32 $0x380, v63;
	v4 =	vor.u32 v6, v4  }
0x8b: {  	p0 =	sne.s32 s8, $0x1C0;
	v4 =	vor.u32 v5, v4  }
.Ltmp1:
0x8c: {  	_ = 	snop;
	(pc) =	sbr.rel @p0 .LBB2_4-.Ltmp1, $3  }
0x8d: {  	_ =	sdelay $0x1  }
0x8e: {  	[tilespmem:s11+$0x10] =	vst v3  }
0x8f: {  	s8 =	sadd.s32 $0x40, s8;
	s10 =	sadd.s32 $0x40, s10;
	s11 =	sadd.s32 $0x40, s11;
	[tilespmem:v4+s22+$0x0] =	vst.idx.msk $0xffff, v2  }
0x90: {  	[hbm4b:s9+s22] =	stream.strided.scatter [tilespmem:s22], [sflag:$0x5], $0x4000, s23, s22, $0x38;
	[tilespmem:$0x11000] =	vst v63  }
0x91: {  	s10 =	simm.s32 $0x0  }
0x92: {  	s8 =	rddreg [dreg:$0x6];
	s16 =	sand.u32 $0x70, s10;
	s11 =	sand.u32 $0xC00, s10  }
0x93: {  	[tilespmem:s10], [sflag:$0x1] =	stream.linear.gather [hbm4b:s8+s10], $0x200, $0x38;
	[tilespmem:$0x11000] =	vst v63  }
0x94: {  	s8 =	sor.u32 s16, s11  }
0x95: {  	[tilespmem:s8+$0x5080] =	vst v0  }
0x96: {  	[tilespmem:s8+$0x5100] =	vst v0  }
0x97: {  	[tilespmem:s8+$0x5180] =	vst v0  }
0x98: {  	[tilespmem:s8+$0x5200] =	vst v0  }
0x99: {  	[tilespmem:s8+$0x5280] =	vst v0  }
0x9a: {  	s12 =	sor.u32 s10, s10;
	s11 =	simm.s32 $0x10;
	[tilespmem:s8+$0x5300] =	vst v0  }
.LBB2_6:
0x9b: {  	p0 =	sne.s32 s11, $0x1F0;
	[tilespmem:s8+$0x5000] =	vst v0;
	s12 =	sor.u32 $0x380, s12  }
0x9c: {  	[tilespmem:s12+$0x5000] =	vst v0  }
0x9d: {  	[tilespmem:s8+$0x6000] =	vst v0  }
0x9e: {  	[tilespmem:s8+$0x6080] =	vst v0  }
0x9f: {  	[tilespmem:s8+$0x6100] =	vst v0  }
0xa0: {  	[tilespmem:s8+$0x6180] =	vst v0  }
0xa1: {  	[tilespmem:s8+$0x6200] =	vst v0  }
0xa2: {  	[tilespmem:s8+$0x6280] =	vst v0  }
0xa3: {  	[tilespmem:s8+$0x6300] =	vst v0  }
0xa4: {  	[tilespmem:s8+$0x6380] =	vst v0  }
0xa5: {  	[tilespmem:s8+$0x7000] =	vst v0  }
0xa6: {  	[tilespmem:s8+$0x7080] =	vst v0  }
0xa7: {  	[tilespmem:s8+$0x7100] =	vst v0  }
0xa8: {  	[tilespmem:s8+$0x7180] =	vst v0  }
0xa9: {  	[tilespmem:s8+$0x7200] =	vst v0  }
0xaa: {  	[tilespmem:s8+$0x7280] =	vst v0  }
0xab: {  	[tilespmem:s8+$0x7300] =	vst v0  }
0xac: {  	[tilespmem:s8+$0x7380] =	vst v0  }
0xad: {  	[tilespmem:s8+$0x8000] =	vst v0  }
0xae: {  	[tilespmem:s8+$0x8080] =	vst v0  }
0xaf: {  	[tilespmem:s8+$0x8100] =	vst v0  }
0xb0: {  	[tilespmem:s8+$0x8180] =	vst v0  }
0xb1: {  	[tilespmem:s8+$0x8200] =	vst v0  }
0xb2: {  	s10 =	sadd.s32 $0x80, s10;
	[tilespmem:s8+$0x8280] =	vst v0  }
0xb3: {  	s12 =	sand.u32 $0x70, s11;
	s13 =	sand.u32 $0xC00, s10;
	[tilespmem:s8+$0x8300] =	vst v0  }
0xb4: {  	[tilespmem:s8+$0x8380] =	vst v0;
	s8 =	sor.u32 s12, s13  }
0xb5: {  	[tilespmem:s8+$0x5080] =	vst v0  }
.Ltmp2:
0xb6: {  	[tilespmem:s8+$0x5100] =	vst v0;
	(pc) =	sbr.rel @p0 .LBB2_6-.Ltmp2, $4  }
0xb7: {  	[tilespmem:s8+$0x5180] =	vst v0  }
0xb8: {  	[tilespmem:s8+$0x5200] =	vst v0  }
0xb9: {  	[tilespmem:s8+$0x5280] =	vst v0  }
0xba: {  	s12 =	sor.u32 s10, s11;
	s11 =	sadd.s32 $0x10, s11;
	[tilespmem:s8+$0x5300] =	vst v0  }
0xbb: {  	[tilespmem:s8+$0x5000] =	vst v0;
	s10 =	sor.u32 $0x380, s12  }
0xbc: {  	[tilespmem:s10+$0x5000] =	vst v0  }
0xbd: {  	[tilespmem:s8+$0x6000] =	vst v0  }
0xbe: {  	[tilespmem:s8+$0x6080] =	vst v0  }
0xbf: {  	[tilespmem:s8+$0x6100] =	vst v0  }
0xc0: {  	[tilespmem:s8+$0x6180] =	vst v0  }
0xc1: {  	[tilespmem:s8+$0x6200] =	vst v0  }
0xc2: {  	[tilespmem:s8+$0x6280] =	vst v0  }
0xc3: {  	[tilespmem:s8+$0x6300] =	vst v0  }
0xc4: {  	[tilespmem:s8+$0x6380] =	vst v0  }
0xc5: {  	[tilespmem:s8+$0x7000] =	vst v0  }
0xc6: {  	[tilespmem:s8+$0x7080] =	vst v0  }
0xc7: {  	[tilespmem:s8+$0x7100] =	vst v0  }
0xc8: {  	[tilespmem:s8+$0x7180] =	vst v0  }
0xc9: {  	[tilespmem:s8+$0x7200] =	vst v0  }
0xca: {  	[tilespmem:s8+$0x7280] =	vst v0  }
0xcb: {  	[tilespmem:s8+$0x7300] =	vst v0  }
0xcc: {  	[tilespmem:s8+$0x7380] =	vst v0  }
0xcd: {  	[tilespmem:s8+$0x8000] =	vst v0  }
0xce: {  	[tilespmem:s8+$0x8080] =	vst v0  }
0xcf: {  	[tilespmem:s8+$0x8100] =	vst v0  }
0xd0: {  	[tilespmem:s8+$0x8180] =	vst v0  }
0xd1: {  	[tilespmem:s8+$0x8200] =	vst v0  }
0xd2: {  	[tilespmem:s8+$0x8280] =	vst v0  }
0xd3: {  	[tilespmem:s8+$0x8300] =	vst v0  }
0xd4: {  	[tilespmem:s8+$0x8380] =	vst v0  }
0xd5: {  	_ =	swait.ge [sflag:s24], $0x200  }
0xd6: {  	s11 =	simm.s32 $0xA20;
	[sflag:s24] =	ssyncset.done $0x0  }
0xd7: {  	s10 =	simm.s32 $0x220;
	s8 =	simm.s32 $0x0;
	[sflag:s24] =	ssyncadd.s32 $0xFFFFFE00  }
.LBB2_8:
0xd8: {  	v3 =	vld [tilespmem:s10+$0xFFFFFFE0];
	_ =	sdelay $0x4  }
0xd9: {  	v3 =	vmul.f32 $3.200000000e+01, v3;
	_ =	sdelay $0x1  }
0xda: {  	v3 =	vtrunc.f32 v3  }
0xdb: {  	v4 =	vmov s8;
	v3 =	vcvt.f32.s32 v3  }
0xdc: {  	v5 =	vor.u32 s8, v1;
	v4 =	vshll.u32 v4, $0x3  }
0xdd: {  	v5 =	vand.u32 $0x4F, v5;
	v4 =	vand.u32 $0xC00, v4;
	v6 =	vshll.u32 v3, $0x9  }
0xde: {  	v4 =	vor.u32 v4, v5;
	v51 =	vshll.u32 v3, $0x7;
	v6 =	vand.u32 $0xFFFFF000, v6  }
0xdf: {  	v5 =	vand.u32 $0x380, v51;
	v4 =	vor.u32 v6, v4  }
0xe0: {  	v4 =	vor.u32 v5, v4;
	_ =	sdelay $0x3  }
0xe1: {  	[tilespmem:s11+$0xFFFFFFE0] =	vst v3  }
0xe2: {  	[tilespmem:v4+s25+$0x0] =	vst.idx.msk $0xffff, v2  }
0xe3: {  	v3 =	vld [tilespmem:s10+$0xFFFFFFF0];
	_ =	sdelay $0x4  }
0xe4: {  	v3 =	vmul.f32 $3.200000000e+01, v3;
	_ =	sdelay $0x1  }
0xe5: {  	s12 =	sadd.s32 $0x10, s8;
	v3 =	vtrunc.f32 v3  }
0xe6: {  	v52 =	vmov s12;
	v3 =	vcvt.f32.s32 v3  }
0xe7: {  	v53 =	vor.u32 s12, v1;
	v4 =	vshll.u32 v52, $0x3  }
0xe8: {  	v5 =	vand.u32 $0x5F, v53;
	v4 =	vand.u32 $0xC00, v4;
	v54 =	vshll.u32 v3, $0x9  }
0xe9: {  	v4 =	vor.u32 v4, v5;
	v55 =	vshll.u32 v3, $0x7;
	v6 =	vand.u32 $0xFFFFF000, v54  }
0xea: {  	v5 =	vand.u32 $0x380, v55;
	v4 =	vor.u32 v6, v4  }
0xeb: {  	v4 =	vor.u32 v5, v4;
	_ =	sdelay $0x3  }
0xec: {  	[tilespmem:s11+$0xFFFFFFF0] =	vst v3  }
0xed: {  	[tilespmem:v4+s25+$0x0] =	vst.idx.msk $0xffff, v2  }
0xee: {  	v3 =	vld [tilespmem:s10+$0x0];
	_ =	sdelay $0x4  }
0xef: {  	v3 =	vmul.f32 $3.200000000e+01, v3;
	_ =	sdelay $0x1  }
0xf0: {  	s15 =	sadd.s32 $0x20, s8;
	v3 =	vtrunc.f32 v3  }
0xf1: {  	v56 =	vmov s15;
	v3 =	vcvt.f32.s32 v3  }
0xf2: {  	v57 =	vor.u32 s15, v1;
	v4 =	vshll.u32 v56, $0x3  }
0xf3: {  	v5 =	vand.u32 $0x6F, v57;
	v4 =	vand.u32 $0xC00, v4;
	v58 =	vshll.u32 v3, $0x9  }
0xf4: {  	v4 =	vor.u32 v4, v5;
	v59 =	vshll.u32 v3, $0x7;
	v6 =	vand.u32 $0xFFFFF000, v58  }
0xf5: {  	v5 =	vand.u32 $0x380, v59;
	v4 =	vor.u32 v6, v4  }
0xf6: {  	v4 =	vor.u32 v5, v4;
	_ =	sdelay $0x3  }
0xf7: {  	[tilespmem:s11+$0x0] =	vst v3  }
0xf8: {  	[tilespmem:v4+s25+$0x0] =	vst.idx.msk $0xffff, v2  }
0xf9: {  	v3 =	vld [tilespmem:s10+$0x10];
	_ =	sdelay $0x4  }
0xfa: {  	v3 =	vmul.f32 $3.200000000e+01, v3;
	_ =	sdelay $0x1  }
0xfb: {  	s16 =	sadd.s32 $0x30, s8;
	v3 =	vtrunc.f32 v3  }
0xfc: {  	v60 =	vmov s16;
	v3 =	vcvt.f32.s32 v3  }
0xfd: {  	v61 =	vor.u32 s16, v1;
	v4 =	vshll.u32 v60, $0x3  }
0xfe: {  	v5 =	vand.u32 $0x7F, v61;
	v4 =	vand.u32 $0xC00, v4;
	v62 =	vshll.u32 v3, $0x9  }
0xff: {  	v4 =	vor.u32 v4, v5;
	v63 =	vshll.u32 v3, $0x7;
	v6 =	vand.u32 $0xFFFFF000, v62  }
0x100: {  	v5 =	vand.u32 $0x380, v63;
	v4 =	vor.u32 v6, v4  }
0x101: {  	p0 =	sne.s32 s8, $0x1C0;
	v4 =	vor.u32 v5, v4  }
.Ltmp3:
0x102: {  	_ = 	snop;
	(pc) =	sbr.rel @p0 .LBB2_8-.Ltmp3, $3  }
0x103: {  	_ =	sdelay $0x1  }
0x104: {  	[tilespmem:s11+$0x10] =	vst v3  }
0x105: {  	s8 =	sadd.s32 $0x40, s8;
	s10 =	sadd.s32 $0x40, s10;
	s11 =	sadd.s32 $0x40, s11;
	[tilespmem:v4+s25+$0x0] =	vst.idx.msk $0xffff, v2  }
0x106: {  	s8 =	rddreg [dreg:$0x7];
	s10 =	simm.s32 $0x0  }
0x107: {  	[hbm4b:s8+s22] =	stream.strided.scatter [tilespmem:s25], [sflag:$0x6], $0x4000, s23, s22, $0x38;
	[tilespmem:$0x11000] =	vst v63  }
0x108: {  	s16 =	sand.u32 $0x70, s10;
	s11 =	sand.u32 $0xC00, s10  }
0x109: {  	s15 =	rddreg [dreg:$0x8];
	s8 =	sor.u32 s16, s11  }
0x10a: {  	[tilespmem:s18], [sflag:$0x2] =	stream.linear.gather [hbm4b:s15+s10], $0x200, $0x38;
	[tilespmem:$0x11000] =	vst v63  }
0x10b: {  	[tilespmem:s8+$0x9080] =	vst v0  }
0x10c: {  	[tilespmem:s8+$0x9100] =	vst v0  }
0x10d: {  	[tilespmem:s8+$0x9180] =	vst v0  }
0x10e: {  	[tilespmem:s8+$0x9200] =	vst v0  }
0x10f: {  	[tilespmem:s8+$0x9280] =	vst v0  }
0x110: {  	s12 =	sor.u32 s10, s10;
	s11 =	simm.s32 $0x10;
	[tilespmem:s8+$0x9300] =	vst v0  }
.LBB2_10:
0x111: {  	p0 =	sne.s32 s11, $0x1F0;
	[tilespmem:s8+$0x9000] =	vst v0;
	s12 =	sor.u32 $0x380, s12  }
0x112: {  	[tilespmem:s12+$0x9000] =	vst v0  }
0x113: {  	[tilespmem:s8+$0xA000] =	vst v0  }
0x114: {  	[tilespmem:s8+$0xA080] =	vst v0  }
0x115: {  	[tilespmem:s8+$0xA100] =	vst v0  }
0x116: {  	[tilespmem:s8+$0xA180] =	vst v0  }
0x117: {  	[tilespmem:s8+$0xA200] =	vst v0  }
0x118: {  	[tilespmem:s8+$0xA280] =	vst v0  }
0x119: {  	[tilespmem:s8+$0xA300] =	vst v0  }
0x11a: {  	[tilespmem:s8+$0xA380] =	vst v0  }
0x11b: {  	[tilespmem:s8+$0xB000] =	vst v0  }
0x11c: {  	[tilespmem:s8+$0xB080] =	vst v0  }
0x11d: {  	[tilespmem:s8+$0xB100] =	vst v0  }
0x11e: {  	[tilespmem:s8+$0xB180] =	vst v0  }
0x11f: {  	[tilespmem:s8+$0xB200] =	vst v0  }
0x120: {  	[tilespmem:s8+$0xB280] =	vst v0  }
0x121: {  	[tilespmem:s8+$0xB300] =	vst v0  }
0x122: {  	[tilespmem:s8+$0xB380] =	vst v0  }
0x123: {  	[tilespmem:s8+$0xC000] =	vst v0  }
0x124: {  	[tilespmem:s8+$0xC080] =	vst v0  }
0x125: {  	[tilespmem:s8+$0xC100] =	vst v0  }
0x126: {  	[tilespmem:s8+$0xC180] =	vst v0  }
0x127: {  	[tilespmem:s8+$0xC200] =	vst v0  }
0x128: {  	s10 =	sadd.s32 $0x80, s10;
	[tilespmem:s8+$0xC280] =	vst v0  }
0x129: {  	s12 =	sand.u32 $0x70, s11;
	s13 =	sand.u32 $0xC00, s10;
	[tilespmem:s8+$0xC300] =	vst v0  }
0x12a: {  	[tilespmem:s8+$0xC380] =	vst v0;
	s8 =	sor.u32 s12, s13  }
0x12b: {  	[tilespmem:s8+$0x9080] =	vst v0  }
.Ltmp4:
0x12c: {  	[tilespmem:s8+$0x9100] =	vst v0;
	(pc) =	sbr.rel @p0 .LBB2_10-.Ltmp4, $4  }
0x12d: {  	[tilespmem:s8+$0x9180] =	vst v0  }
0x12e: {  	[tilespmem:s8+$0x9200] =	vst v0  }
0x12f: {  	[tilespmem:s8+$0x9280] =	vst v0  }
0x130: {  	s12 =	sor.u32 s10, s11;
	s11 =	sadd.s32 $0x10, s11;
	[tilespmem:s8+$0x9300] =	vst v0  }
0x131: {  	[tilespmem:s8+$0x9000] =	vst v0;
	s10 =	sor.u32 $0x380, s12  }
0x132: {  	[tilespmem:s10+$0x9000] =	vst v0  }
0x133: {  	[tilespmem:s8+$0xA000] =	vst v0  }
0x134: {  	[tilespmem:s8+$0xA080] =	vst v0  }
0x135: {  	[tilespmem:s8+$0xA100] =	vst v0  }
0x136: {  	[tilespmem:s8+$0xA180] =	vst v0  }
0x137: {  	[tilespmem:s8+$0xA200] =	vst v0  }
0x138: {  	[tilespmem:s8+$0xA280] =	vst v0  }
0x139: {  	[tilespmem:s8+$0xA300] =	vst v0  }
0x13a: {  	[tilespmem:s8+$0xA380] =	vst v0  }
0x13b: {  	[tilespmem:s8+$0xB000] =	vst v0  }
0x13c: {  	[tilespmem:s8+$0xB080] =	vst v0  }
0x13d: {  	[tilespmem:s8+$0xB100] =	vst v0  }
0x13e: {  	[tilespmem:s8+$0xB180] =	vst v0  }
0x13f: {  	[tilespmem:s8+$0xB200] =	vst v0  }
0x140: {  	[tilespmem:s8+$0xB280] =	vst v0  }
0x141: {  	[tilespmem:s8+$0xB300] =	vst v0  }
0x142: {  	[tilespmem:s8+$0xB380] =	vst v0  }
0x143: {  	[tilespmem:s8+$0xC000] =	vst v0  }
0x144: {  	[tilespmem:s8+$0xC080] =	vst v0  }
0x145: {  	[tilespmem:s8+$0xC100] =	vst v0  }
0x146: {  	[tilespmem:s8+$0xC180] =	vst v0  }
0x147: {  	[tilespmem:s8+$0xC200] =	vst v0  }
0x148: {  	[tilespmem:s8+$0xC280] =	vst v0  }
0x149: {  	[tilespmem:s8+$0xC300] =	vst v0  }
0x14a: {  	[tilespmem:s8+$0xC380] =	vst v0  }
0x14b: {  	_ =	swait.ge [sflag:s26], $0x200  }
0x14c: {  	s11 =	simm.s32 $0xC20;
	[sflag:s26] =	ssyncset.done $0x0  }
0x14d: {  	s10 =	simm.s32 $0x420;
	s8 =	simm.s32 $0x0;
	[sflag:s26] =	ssyncadd.s32 $0xFFFFFE00  }
.LBB2_12:
0x14e: {  	v3 =	vld [tilespmem:s10+$0xFFFFFFE0];
	_ =	sdelay $0x4  }
0x14f: {  	v3 =	vmul.f32 $3.200000000e+01, v3;
	_ =	sdelay $0x1  }
0x150: {  	v3 =	vtrunc.f32 v3  }
0x151: {  	v4 =	vmov s8;
	v3 =	vcvt.f32.s32 v3  }
0x152: {  	v5 =	vor.u32 s8, v1;
	v4 =	vshll.u32 v4, $0x3  }
0x153: {  	v5 =	vand.u32 $0x4F, v5;
	v4 =	vand.u32 $0xC00, v4;
	v6 =	vshll.u32 v3, $0x9  }
0x154: {  	v4 =	vor.u32 v4, v5;
	v51 =	vshll.u32 v3, $0x7;
	v6 =	vand.u32 $0xFFFFF000, v6  }
0x155: {  	v5 =	vand.u32 $0x380, v51;
	v4 =	vor.u32 v6, v4  }
0x156: {  	v4 =	vor.u32 v5, v4;
	_ =	sdelay $0x3  }
0x157: {  	[tilespmem:s11+$0xFFFFFFE0] =	vst v3  }
0x158: {  	[tilespmem:v4+s28+$0x0] =	vst.idx.msk $0xffff, v2  }
0x159: {  	v3 =	vld [tilespmem:s10+$0xFFFFFFF0];
	_ =	sdelay $0x4  }
0x15a: {  	v3 =	vmul.f32 $3.200000000e+01, v3;
	_ =	sdelay $0x1  }
0x15b: {  	s12 =	sadd.s32 $0x10, s8;
	v3 =	vtrunc.f32 v3  }
0x15c: {  	v52 =	vmov s12;
	v3 =	vcvt.f32.s32 v3  }
0x15d: {  	v53 =	vor.u32 s12, v1;
	v4 =	vshll.u32 v52, $0x3  }
0x15e: {  	v5 =	vand.u32 $0x5F, v53;
	v4 =	vand.u32 $0xC00, v4;
	v54 =	vshll.u32 v3, $0x9  }
0x15f: {  	v4 =	vor.u32 v4, v5;
	v55 =	vshll.u32 v3, $0x7;
	v6 =	vand.u32 $0xFFFFF000, v54  }
0x160: {  	v5 =	vand.u32 $0x380, v55;
	v4 =	vor.u32 v6, v4  }
0x161: {  	v4 =	vor.u32 v5, v4;
	_ =	sdelay $0x3  }
0x162: {  	[tilespmem:s11+$0xFFFFFFF0] =	vst v3  }
0x163: {  	[tilespmem:v4+s28+$0x0] =	vst.idx.msk $0xffff, v2  }
0x164: {  	v3 =	vld [tilespmem:s10+$0x0];
	_ =	sdelay $0x4  }
0x165: {  	v3 =	vmul.f32 $3.200000000e+01, v3;
	_ =	sdelay $0x1  }
0x166: {  	s15 =	sadd.s32 $0x20, s8;
	v3 =	vtrunc.f32 v3  }
0x167: {  	v56 =	vmov s15;
	v3 =	vcvt.f32.s32 v3  }
0x168: {  	v57 =	vor.u32 s15, v1;
	v4 =	vshll.u32 v56, $0x3  }
0x169: {  	v5 =	vand.u32 $0x6F, v57;
	v4 =	vand.u32 $0xC00, v4;
	v58 =	vshll.u32 v3, $0x9  }
0x16a: {  	v4 =	vor.u32 v4, v5;
	v59 =	vshll.u32 v3, $0x7;
	v6 =	vand.u32 $0xFFFFF000, v58  }
0x16b: {  	v5 =	vand.u32 $0x380, v59;
	v4 =	vor.u32 v6, v4  }
0x16c: {  	v4 =	vor.u32 v5, v4;
	_ =	sdelay $0x3  }
0x16d: {  	[tilespmem:s11+$0x0] =	vst v3  }
0x16e: {  	[tilespmem:v4+s28+$0x0] =	vst.idx.msk $0xffff, v2  }
0x16f: {  	v3 =	vld [tilespmem:s10+$0x10];
	_ =	sdelay $0x4  }
0x170: {  	v3 =	vmul.f32 $3.200000000e+01, v3;
	_ =	sdelay $0x1  }
0x171: {  	s16 =	sadd.s32 $0x30, s8;
	v3 =	vtrunc.f32 v3  }
0x172: {  	v60 =	vmov s16;
	v3 =	vcvt.f32.s32 v3  }
0x173: {  	v61 =	vor.u32 s16, v1;
	v4 =	vshll.u32 v60, $0x3  }
0x174: {  	v5 =	vand.u32 $0x7F, v61;
	v4 =	vand.u32 $0xC00, v4;
	v62 =	vshll.u32 v3, $0x9  }
0x175: {  	v4 =	vor.u32 v4, v5;
	v63 =	vshll.u32 v3, $0x7;
	v6 =	vand.u32 $0xFFFFF000, v62  }
0x176: {  	v5 =	vand.u32 $0x380, v63;
	v4 =	vor.u32 v6, v4  }
0x177: {  	p0 =	sne.s32 s8, $0x1C0;
	v4 =	vor.u32 v5, v4  }
.Ltmp5:
0x178: {  	_ = 	snop;
	(pc) =	sbr.rel @p0 .LBB2_12-.Ltmp5, $3  }
0x179: {  	_ =	sdelay $0x1  }
0x17a: {  	[tilespmem:s11+$0x10] =	vst v3  }
0x17b: {  	s8 =	sadd.s32 $0x40, s8;
	s10 =	sadd.s32 $0x40, s10;
	s11 =	sadd.s32 $0x40, s11;
	[tilespmem:v4+s28+$0x0] =	vst.idx.msk $0xffff, v2  }
0x17c: {  	s8 =	rddreg [dreg:$0x9];
	s10 =	simm.s32 $0x0  }
0x17d: {  	[hbm4b:s8+s22] =	stream.strided.scatter [tilespmem:s28], [sflag:$0x7], $0x4000, s23, s22, $0x38;
	[tilespmem:$0x11000] =	vst v63  }
0x17e: {  	s16 =	sand.u32 $0x70, s10;
	s11 =	sand.u32 $0xC00, s10  }
0x17f: {  	s15 =	rddreg [dreg:$0xa];
	s8 =	sor.u32 s16, s11  }
0x180: {  	[tilespmem:s19], [sflag:$0x3] =	stream.linear.gather [hbm4b:s15+s10], $0x200, $0x38;
	[tilespmem:$0x11000] =	vst v63  }
0x181: {  	[tilespmem:s8+$0xD080] =	vst v0  }
0x182: {  	[tilespmem:s8+$0xD100] =	vst v0  }
0x183: {  	[tilespmem:s8+$0xD180] =	vst v0  }
0x184: {  	[tilespmem:s8+$0xD200] =	vst v0  }
0x185: {  	[tilespmem:s8+$0xD280] =	vst v0  }
0x186: {  	s12 =	sor.u32 s10, s10;
	s11 =	simm.s32 $0x10;
	[tilespmem:s8+$0xD300] =	vst v0  }
.LBB2_14:
0x187: {  	p0 =	sne.s32 s11, $0x1F0;
	[tilespmem:s8+$0xD000] =	vst v0;
	s12 =	sor.u32 $0x380, s12  }
0x188: {  	[tilespmem:s12+$0xD000] =	vst v0  }
0x189: {  	[tilespmem:s8+$0xE000] =	vst v0  }
0x18a: {  	[tilespmem:s8+$0xE080] =	vst v0  }
0x18b: {  	[tilespmem:s8+$0xE100] =	vst v0  }
0x18c: {  	[tilespmem:s8+$0xE180] =	vst v0  }
0x18d: {  	[tilespmem:s8+$0xE200] =	vst v0  }
0x18e: {  	[tilespmem:s8+$0xE280] =	vst v0  }
0x18f: {  	[tilespmem:s8+$0xE300] =	vst v0  }
0x190: {  	[tilespmem:s8+$0xE380] =	vst v0  }
0x191: {  	[tilespmem:s8+$0xF000] =	vst v0  }
0x192: {  	[tilespmem:s8+$0xF080] =	vst v0  }
0x193: {  	[tilespmem:s8+$0xF100] =	vst v0  }
0x194: {  	[tilespmem:s8+$0xF180] =	vst v0  }
0x195: {  	[tilespmem:s8+$0xF200] =	vst v0  }
0x196: {  	[tilespmem:s8+$0xF280] =	vst v0  }
0x197: {  	[tilespmem:s8+$0xF300] =	vst v0  }
0x198: {  	[tilespmem:s8+$0xF380] =	vst v0  }
0x199: {  	[tilespmem:s8+$0x10000] =	vst v0  }
0x19a: {  	[tilespmem:s8+$0x10080] =	vst v0  }
0x19b: {  	[tilespmem:s8+$0x10100] =	vst v0  }
0x19c: {  	[tilespmem:s8+$0x10180] =	vst v0  }
0x19d: {  	[tilespmem:s8+$0x10200] =	vst v0  }
0x19e: {  	s10 =	sadd.s32 $0x80, s10;
	[tilespmem:s8+$0x10280] =	vst v0  }
0x19f: {  	s12 =	sand.u32 $0x70, s11;
	s13 =	sand.u32 $0xC00, s10;
	[tilespmem:s8+$0x10300] =	vst v0  }
0x1a0: {  	[tilespmem:s8+$0x10380] =	vst v0;
	s8 =	sor.u32 s12, s13  }
0x1a1: {  	[tilespmem:s8+$0xD080] =	vst v0  }
.Ltmp6:
0x1a2: {  	[tilespmem:s8+$0xD100] =	vst v0;
	(pc) =	sbr.rel @p0 .LBB2_14-.Ltmp6, $4  }
0x1a3: {  	[tilespmem:s8+$0xD180] =	vst v0  }
0x1a4: {  	[tilespmem:s8+$0xD200] =	vst v0  }
0x1a5: {  	[tilespmem:s8+$0xD280] =	vst v0  }
0x1a6: {  	s12 =	sor.u32 s10, s11;
	s11 =	sadd.s32 $0x10, s11;
	[tilespmem:s8+$0xD300] =	vst v0  }
0x1a7: {  	[tilespmem:s8+$0xD000] =	vst v0;
	s10 =	sor.u32 $0x380, s12  }
0x1a8: {  	[tilespmem:s10+$0xD000] =	vst v0  }
0x1a9: {  	[tilespmem:s8+$0xE000] =	vst v0  }
0x1aa: {  	[tilespmem:s8+$0xE080] =	vst v0  }
0x1ab: {  	[tilespmem:s8+$0xE100] =	vst v0  }
0x1ac: {  	[tilespmem:s8+$0xE180] =	vst v0  }
0x1ad: {  	[tilespmem:s8+$0xE200] =	vst v0  }
0x1ae: {  	[tilespmem:s8+$0xE280] =	vst v0  }
0x1af: {  	[tilespmem:s8+$0xE300] =	vst v0  }
0x1b0: {  	[tilespmem:s8+$0xE380] =	vst v0  }
0x1b1: {  	[tilespmem:s8+$0xF000] =	vst v0  }
0x1b2: {  	[tilespmem:s8+$0xF080] =	vst v0  }
0x1b3: {  	[tilespmem:s8+$0xF100] =	vst v0  }
0x1b4: {  	[tilespmem:s8+$0xF180] =	vst v0  }
0x1b5: {  	[tilespmem:s8+$0xF200] =	vst v0  }
0x1b6: {  	[tilespmem:s8+$0xF280] =	vst v0  }
0x1b7: {  	[tilespmem:s8+$0xF300] =	vst v0  }
0x1b8: {  	[tilespmem:s8+$0xF380] =	vst v0  }
0x1b9: {  	[tilespmem:s8+$0x10000] =	vst v0  }
0x1ba: {  	[tilespmem:s8+$0x10080] =	vst v0  }
0x1bb: {  	[tilespmem:s8+$0x10100] =	vst v0  }
0x1bc: {  	[tilespmem:s8+$0x10180] =	vst v0  }
0x1bd: {  	[tilespmem:s8+$0x10200] =	vst v0  }
0x1be: {  	[tilespmem:s8+$0x10280] =	vst v0  }
0x1bf: {  	[tilespmem:s8+$0x10300] =	vst v0  }
0x1c0: {  	[tilespmem:s8+$0x10380] =	vst v0  }
0x1c1: {  	_ =	swait.ge [sflag:s29], $0x200  }
0x1c2: {  	s11 =	simm.s32 $0xE20;
	[sflag:s29] =	ssyncset.done $0x0  }
0x1c3: {  	s10 =	simm.s32 $0x620;
	s8 =	simm.s32 $0x0;
	[sflag:s29] =	ssyncadd.s32 $0xFFFFFE00  }
.LBB2_16:
0x1c4: {  	v3 =	vld [tilespmem:s10+$0xFFFFFFE0];
	_ =	sdelay $0x4  }
0x1c5: {  	v3 =	vmul.f32 $3.200000000e+01, v3;
	_ =	sdelay $0x1  }
0x1c6: {  	v3 =	vtrunc.f32 v3  }
0x1c7: {  	v4 =	vmov s8;
	v3 =	vcvt.f32.s32 v3  }
0x1c8: {  	v5 =	vor.u32 s8, v1;
	v4 =	vshll.u32 v4, $0x3  }
0x1c9: {  	v5 =	vand.u32 $0x4F, v5;
	v4 =	vand.u32 $0xC00, v4;
	v6 =	vshll.u32 v3, $0x9  }
0x1ca: {  	v4 =	vor.u32 v4, v5;
	v51 =	vshll.u32 v3, $0x7;
	v6 =	vand.u32 $0xFFFFF000, v6  }
0x1cb: {  	v5 =	vand.u32 $0x380, v51;
	v4 =	vor.u32 v6, v4  }
0x1cc: {  	v4 =	vor.u32 v5, v4;
	_ =	sdelay $0x3  }
0x1cd: {  	[tilespmem:s11+$0xFFFFFFE0] =	vst v3  }
0x1ce: {  	[tilespmem:v4+s30+$0x0] =	vst.idx.msk $0xffff, v2  }
0x1cf: {  	v3 =	vld [tilespmem:s10+$0xFFFFFFF0];
	_ =	sdelay $0x4  }
0x1d0: {  	v3 =	vmul.f32 $3.200000000e+01, v3;
	_ =	sdelay $0x1  }
0x1d1: {  	s12 =	sadd.s32 $0x10, s8;
	v3 =	vtrunc.f32 v3  }
0x1d2: {  	v52 =	vmov s12;
	v3 =	vcvt.f32.s32 v3  }
0x1d3: {  	v53 =	vor.u32 s12, v1;
	v4 =	vshll.u32 v52, $0x3  }
0x1d4: {  	v5 =	vand.u32 $0x5F, v53;
	v4 =	vand.u32 $0xC00, v4;
	v54 =	vshll.u32 v3, $0x9  }
0x1d5: {  	v4 =	vor.u32 v4, v5;
	v55 =	vshll.u32 v3, $0x7;
	v6 =	vand.u32 $0xFFFFF000, v54  }
0x1d6: {  	v5 =	vand.u32 $0x380, v55;
	v4 =	vor.u32 v6, v4  }
0x1d7: {  	v4 =	vor.u32 v5, v4;
	_ =	sdelay $0x3  }
0x1d8: {  	[tilespmem:s11+$0xFFFFFFF0] =	vst v3  }
0x1d9: {  	[tilespmem:v4+s30+$0x0] =	vst.idx.msk $0xffff, v2  }
0x1da: {  	v3 =	vld [tilespmem:s10+$0x0];
	_ =	sdelay $0x4  }
0x1db: {  	v3 =	vmul.f32 $3.200000000e+01, v3;
	_ =	sdelay $0x1  }
0x1dc: {  	s15 =	sadd.s32 $0x20, s8;
	v3 =	vtrunc.f32 v3  }
0x1dd: {  	v56 =	vmov s15;
	v3 =	vcvt.f32.s32 v3  }
0x1de: {  	v57 =	vor.u32 s15, v1;
	v4 =	vshll.u32 v56, $0x3  }
0x1df: {  	v5 =	vand.u32 $0x6F, v57;
	v4 =	vand.u32 $0xC00, v4;
	v58 =	vshll.u32 v3, $0x9  }
0x1e0: {  	v4 =	vor.u32 v4, v5;
	v59 =	vshll.u32 v3, $0x7;
	v6 =	vand.u32 $0xFFFFF000, v58  }
0x1e1: {  	v5 =	vand.u32 $0x380, v59;
	v4 =	vor.u32 v6, v4  }
0x1e2: {  	v4 =	vor.u32 v5, v4;
	_ =	sdelay $0x3  }
0x1e3: {  	[tilespmem:s11+$0x0] =	vst v3  }
0x1e4: {  	[tilespmem:v4+s30+$0x0] =	vst.idx.msk $0xffff, v2  }
0x1e5: {  	v3 =	vld [tilespmem:s10+$0x10];
	_ =	sdelay $0x4  }
0x1e6: {  	v3 =	vmul.f32 $3.200000000e+01, v3;
	_ =	sdelay $0x1  }
0x1e7: {  	s16 =	sadd.s32 $0x30, s8;
	v3 =	vtrunc.f32 v3  }
0x1e8: {  	v60 =	vmov s16;
	v3 =	vcvt.f32.s32 v3  }
0x1e9: {  	v61 =	vor.u32 s16, v1;
	v4 =	vshll.u32 v60, $0x3  }
0x1ea: {  	v5 =	vand.u32 $0x7F, v61;
	v4 =	vand.u32 $0xC00, v4;
	v62 =	vshll.u32 v3, $0x9  }
0x1eb: {  	v4 =	vor.u32 v4, v5;
	v63 =	vshll.u32 v3, $0x7;
	v6 =	vand.u32 $0xFFFFF000, v62  }
0x1ec: {  	v5 =	vand.u32 $0x380, v63;
	v4 =	vor.u32 v6, v4  }
0x1ed: {  	p0 =	sne.s32 s8, $0x1C0;
	v4 =	vor.u32 v5, v4  }
.Ltmp7:
0x1ee: {  	_ = 	snop;
	(pc) =	sbr.rel @p0 .LBB2_16-.Ltmp7, $3  }
0x1ef: {  	_ =	sdelay $0x1  }
0x1f0: {  	[tilespmem:s11+$0x10] =	vst v3  }
0x1f1: {  	s8 =	sadd.s32 $0x40, s8;
	s10 =	sadd.s32 $0x40, s10;
	s11 =	sadd.s32 $0x40, s11;
	[tilespmem:v4+s30+$0x0] =	vst.idx.msk $0xffff, v2  }
0x1f2: {  	s8 =	rddreg [dreg:$0xb]  }
0x1f3: {  	[hbm4b:s8+s22] =	stream.strided.scatter [tilespmem:s30], [sflag:$0x8], $0x4000, s23, s22, $0x38;
	[tilespmem:$0x11000] =	vst v63  }
0x1f4: {  	s16 =	rddreg [dreg:$0xc];
	s8 =	simm.s32 $0x1  }
0x1f5: {  	[tilespmem:s20], [sflag:$0x4] =	stream.linear.gather [hbm4b:s16+s3], $0x200, $0x38;
	[tilespmem:$0x11000] =	vst v63  }
.LBB2_18:
0x1f6: {  	_ =	swait.ge [sflag:s21], $0x200  }
0x1f7: {  	[sflag:s21] =	ssyncset.done $0x0  }
0x1f8: {  	[sflag:s21] =	ssyncadd.s32 $0xFFFFFE00  }
0x1f9: {  	_ =	swait.ge [sflag:s31], $0x4000  }
0x1fa: {  	s10 =	simm.s32 $0x0;
	s11 =	simm.s32 $0x820;
	[sflag:s31] =	ssyncset.done $0x0  }
0x1fb: {  	s12 =	simm.s32 $0x820;
	s13 =	simm.s32 $0x0;
	[sflag:s31] =	ssyncadd.s32 $0xFFFFC000  }
.LBB2_19:
0x1fc: {  	v3 =	vld [tilespmem:s12+$0xFFFFFFE0];
	_ =	sdelay $0x2  }
0x1fd: {  	v4 =	vmov s13  }
0x1fe: {  	v5 =	vor.u32 s13, v1;
	v4 =	vshll.u32 v4, $0x3  }
0x1ff: {  	v5 =	vand.u32 $0x4F, v5;
	v4 =	vand.u32 $0xC00, v4;
	v6 =	vshll.u32 v3, $0x9  }
0x200: {  	v4 =	vor.u32 v4, v5;
	v3 =	vshll.u32 v3, $0x7;
	v6 =	vand.u32 $0xFFFFF000, v6  }
0x201: {  	v3 =	vand.u32 $0x380, v3;
	v4 =	vor.u32 v6, v4  }
0x202: {  	v3 =	vor.u32 v3, v4;
	_ =	sdelay $0x4  }
0x203: {  	[tilespmem:v3+s22+$0x0] =	vst.idx.msk $0xffff, v0  }
0x204: {  	v3 =	vld [tilespmem:s12+$0xFFFFFFF0];
	_ =	sdelay $0x1  }
0x205: {  	s14 =	sadd.s32 $0x10, s13  }
0x206: {  	v55 =	vmov s14  }
0x207: {  	v56 =	vor.u32 s14, v1;
	v4 =	vshll.u32 v55, $0x3  }
0x208: {  	v5 =	vand.u32 $0x5F, v56;
	v4 =	vand.u32 $0xC00, v4;
	v57 =	vshll.u32 v3, $0x9  }
0x209: {  	v4 =	vor.u32 v4, v5;
	v3 =	vshll.u32 v3, $0x7;
	v6 =	vand.u32 $0xFFFFF000, v57  }
0x20a: {  	v3 =	vand.u32 $0x380, v3;
	v4 =	vor.u32 v6, v4  }
0x20b: {  	v3 =	vor.u32 v3, v4;
	_ =	sdelay $0x4  }
0x20c: {  	[tilespmem:v3+s22+$0x0] =	vst.idx.msk $0xffff, v0  }
0x20d: {  	v3 =	vld [tilespmem:s12+$0x0];
	_ =	sdelay $0x1  }
0x20e: {  	s15 =	sadd.s32 $0x20, s13  }
0x20f: {  	v58 =	vmov s15  }
0x210: {  	v59 =	vor.u32 s15, v1;
	v4 =	vshll.u32 v58, $0x3  }
0x211: {  	v5 =	vand.u32 $0x6F, v59;
	v4 =	vand.u32 $0xC00, v4;
	v60 =	vshll.u32 v3, $0x9  }
0x212: {  	v4 =	vor.u32 v4, v5;
	v3 =	vshll.u32 v3, $0x7;
	v6 =	vand.u32 $0xFFFFF000, v60  }
0x213: {  	v3 =	vand.u32 $0x380, v3;
	v4 =	vor.u32 v6, v4  }
0x214: {  	v3 =	vor.u32 v3, v4;
	_ =	sdelay $0x4  }
0x215: {  	[tilespmem:v3+s22+$0x0] =	vst.idx.msk $0xffff, v0  }
0x216: {  	v3 =	vld [tilespmem:s12+$0x10];
	_ =	sdelay $0x1  }
0x217: {  	s16 =	sadd.s32 $0x30, s13  }
0x218: {  	v61 =	vmov s16  }
0x219: {  	v62 =	vor.u32 s16, v1;
	v4 =	vshll.u32 v61, $0x3  }
0x21a: {  	v5 =	vand.u32 $0x7F, v62;
	v4 =	vand.u32 $0xC00, v4;
	v63 =	vshll.u32 v3, $0x9  }
0x21b: {  	v4 =	vor.u32 v4, v5;
	v3 =	vshll.u32 v3, $0x7;
	v6 =	vand.u32 $0xFFFFF000, v63  }
0x21c: {  	v3 =	vand.u32 $0x380, v3;
	v4 =	vor.u32 v6, v4  }
0x21d: {  	p0 =	sne.s32 s13, $0x1C0;
	v3 =	vor.u32 v3, v4  }
.Ltmp8:
0x21e: {  	_ = 	snop;
	(pc) =	sbr.rel @p0 .LBB2_19-.Ltmp8, $2  }
0x21f: {  	_ =	sdelay $0x2  }
0x220: {  	s13 =	sadd.s32 $0x40, s13;
	s12 =	sadd.s32 $0x40, s12;
	[tilespmem:v3+s22+$0x0] =	vst.idx.msk $0xffff, v0  }
0x221: {  	s12 =	simm.s32 $0x20  }
.LBB2_21:
0x222: {  	v3 =	vld [tilespmem:s12+$0xFFFFFFE0];
	_ =	sdelay $0x4  }
0x223: {  	v3 =	vmul.f32 $3.200000000e+01, v3;
	_ =	sdelay $0x1  }
0x224: {  	v3 =	vtrunc.f32 v3  }
0x225: {  	v4 =	vmov s10;
	v3 =	vcvt.f32.s32 v3  }
0x226: {  	v5 =	vor.u32 s10, v1;
	v4 =	vshll.u32 v4, $0x3  }
0x227: {  	v5 =	vand.u32 $0x4F, v5;
	v4 =	vand.u32 $0xC00, v4;
	v6 =	vshll.u32 v3, $0x9  }
0x228: {  	v4 =	vor.u32 v4, v5;
	v51 =	vshll.u32 v3, $0x7;
	v6 =	vand.u32 $0xFFFFF000, v6  }
0x229: {  	v5 =	vand.u32 $0x380, v51;
	v4 =	vor.u32 v6, v4  }
0x22a: {  	v4 =	vor.u32 v5, v4;
	_ =	sdelay $0x3  }
0x22b: {  	[tilespmem:s11+$0xFFFFFFE0] =	vst v3  }
0x22c: {  	[tilespmem:v4+s22+$0x0] =	vst.idx.msk $0xffff, v2  }
0x22d: {  	v3 =	vld [tilespmem:s12+$0xFFFFFFF0];
	_ =	sdelay $0x4  }
0x22e: {  	v3 =	vmul.f32 $3.200000000e+01, v3;
	_ =	sdelay $0x1  }
0x22f: {  	s13 =	sadd.s32 $0x10, s10;
	v3 =	vtrunc.f32 v3  }
0x230: {  	v52 =	vmov s13;
	v3 =	vcvt.f32.s32 v3  }
0x231: {  	v53 =	vor.u32 s13, v1;
	v4 =	vshll.u32 v52, $0x3  }
0x232: {  	v5 =	vand.u32 $0x5F, v53;
	v4 =	vand.u32 $0xC00, v4;
	v54 =	vshll.u32 v3, $0x9  }
0x233: {  	v4 =	vor.u32 v4, v5;
	v55 =	vshll.u32 v3, $0x7;
	v6 =	vand.u32 $0xFFFFF000, v54  }
0x234: {  	v5 =	vand.u32 $0x380, v55;
	v4 =	vor.u32 v6, v4  }
0x235: {  	v4 =	vor.u32 v5, v4;
	_ =	sdelay $0x3  }
0x236: {  	[tilespmem:s11+$0xFFFFFFF0] =	vst v3  }
0x237: {  	[tilespmem:v4+s22+$0x0] =	vst.idx.msk $0xffff, v2  }
0x238: {  	v3 =	vld [tilespmem:s12+$0x0];
	_ =	sdelay $0x4  }
0x239: {  	v3 =	vmul.f32 $3.200000000e+01, v3;
	_ =	sdelay $0x1  }
0x23a: {  	s15 =	sadd.s32 $0x20, s10;
	v3 =	vtrunc.f32 v3  }
0x23b: {  	v56 =	vmov s15;
	v3 =	vcvt.f32.s32 v3  }
0x23c: {  	v57 =	vor.u32 s15, v1;
	v4 =	vshll.u32 v56, $0x3  }
0x23d: {  	v5 =	vand.u32 $0x6F, v57;
	v4 =	vand.u32 $0xC00, v4;
	v58 =	vshll.u32 v3, $0x9  }
0x23e: {  	v4 =	vor.u32 v4, v5;
	v59 =	vshll.u32 v3, $0x7;
	v6 =	vand.u32 $0xFFFFF000, v58  }
0x23f: {  	v5 =	vand.u32 $0x380, v59;
	v4 =	vor.u32 v6, v4  }
0x240: {  	v4 =	vor.u32 v5, v4;
	_ =	sdelay $0x3  }
0x241: {  	[tilespmem:s11+$0x0] =	vst v3  }
0x242: {  	[tilespmem:v4+s22+$0x0] =	vst.idx.msk $0xffff, v2  }
0x243: {  	v3 =	vld [tilespmem:s12+$0x10];
	_ =	sdelay $0x4  }
0x244: {  	v3 =	vmul.f32 $3.200000000e+01, v3;
	_ =	sdelay $0x1  }
0x245: {  	s16 =	sadd.s32 $0x30, s10;
	v3 =	vtrunc.f32 v3  }
0x246: {  	v60 =	vmov s16;
	v3 =	vcvt.f32.s32 v3  }
0x247: {  	v61 =	vor.u32 s16, v1;
	v4 =	vshll.u32 v60, $0x3  }
0x248: {  	v5 =	vand.u32 $0x7F, v61;
	v4 =	vand.u32 $0xC00, v4;
	v62 =	vshll.u32 v3, $0x9  }
0x249: {  	v4 =	vor.u32 v4, v5;
	v63 =	vshll.u32 v3, $0x7;
	v6 =	vand.u32 $0xFFFFF000, v62  }
0x24a: {  	v5 =	vand.u32 $0x380, v63;
	v4 =	vor.u32 v6, v4  }
0x24b: {  	p0 =	sne.s32 s10, $0x1C0;
	v4 =	vor.u32 v5, v4  }
.Ltmp9:
0x24c: {  	_ = 	snop;
	(pc) =	sbr.rel @p0 .LBB2_21-.Ltmp9, $3  }
0x24d: {  	_ =	sdelay $0x1  }
0x24e: {  	[tilespmem:s11+$0x10] =	vst v3  }
0x24f: {  	s10 =	sadd.s32 $0x40, s10;
	s12 =	sadd.s32 $0x40, s12;
	s11 =	sadd.s32 $0x40, s11;
	[tilespmem:v4+s22+$0x0] =	vst.idx.msk $0xffff, v2  }
0x250: {  	s10 =	sshll.u32 s8, $0xB  }
0x251: {  	s11 =	sadd.s32 s10, s9;
	s12 =	sadd.s32 $0x800, s10  }
0x252: {  	[hbm4b:s11+s22] =	stream.strided.scatter [tilespmem:s22], [sflag:$0x5], $0x4000, s23, s22, $0x38;
	[tilespmem:$0x11000] =	vst v63  }
0x253: {  	s12 =	sand.u32 $0xF800, s12  }
0x254: {  	s12 =	sor.u32 s4, s12  }
0x255: {  	s12 =	sshrl.u32 s12, $0x3  }
0x256: {  	s13 =	sadd.s32 s1, s12;
	s12 =	simm.s32 $0x0  }
0x257: {  	[tilespmem:s12], [sflag:$0x1] =	stream.linear.gather [hbm4b:s13+s12], $0x200, $0x38;
	[tilespmem:$0x11000] =	vst v63  }
0x258: {  	_ =	swait.ge [sflag:s24], $0x200  }
0x259: {  	[sflag:s24] =	ssyncset.done $0x0  }
0x25a: {  	[sflag:s24] =	ssyncadd.s32 $0xFFFFFE00  }
0x25b: {  	_ =	swait.ge [sflag:s0], $0x4000  }
0x25c: {  	s14 =	simm.s32 $0xA20;
	[sflag:s0] =	ssyncset.done $0x0  }
0x25d: {  	s15 =	simm.s32 $0x0;
	s13 =	simm.s32 $0xA20;
	[sflag:s0] =	ssyncadd.s32 $0xFFFFC000  }
.LBB2_23:
0x25e: {  	v3 =	vld [tilespmem:s14+$0xFFFFFFE0];
	_ =	sdelay $0x2  }
0x25f: {  	v4 =	vmov s15  }
0x260: {  	v5 =	vor.u32 s15, v1;
	v4 =	vshll.u32 v4, $0x3  }
0x261: {  	v5 =	vand.u32 $0x4F, v5;
	v4 =	vand.u32 $0xC00, v4;
	v6 =	vshll.u32 v3, $0x9  }
0x262: {  	v4 =	vor.u32 v4, v5;
	v3 =	vshll.u32 v3, $0x7;
	v6 =	vand.u32 $0xFFFFF000, v6  }
0x263: {  	v3 =	vand.u32 $0x380, v3;
	v4 =	vor.u32 v6, v4  }
0x264: {  	v3 =	vor.u32 v3, v4;
	_ =	sdelay $0x4  }
0x265: {  	[tilespmem:v3+s25+$0x0] =	vst.idx.msk $0xffff, v0  }
0x266: {  	v3 =	vld [tilespmem:s14+$0xFFFFFFF0];
	_ =	sdelay $0x1  }
0x267: {  	s16 =	sadd.s32 $0x10, s15  }
0x268: {  	v55 =	vmov s16  }
0x269: {  	v56 =	vor.u32 s16, v1;
	v4 =	vshll.u32 v55, $0x3  }
0x26a: {  	v5 =	vand.u32 $0x5F, v56;
	v4 =	vand.u32 $0xC00, v4;
	v57 =	vshll.u32 v3, $0x9  }
0x26b: {  	v4 =	vor.u32 v4, v5;
	v3 =	vshll.u32 v3, $0x7;
	v6 =	vand.u32 $0xFFFFF000, v57  }
0x26c: {  	v3 =	vand.u32 $0x380, v3;
	v4 =	vor.u32 v6, v4  }
0x26d: {  	v3 =	vor.u32 v3, v4;
	_ =	sdelay $0x4  }
0x26e: {  	[tilespmem:v3+s25+$0x0] =	vst.idx.msk $0xffff, v0  }
0x26f: {  	v3 =	vld [tilespmem:s14+$0x0];
	_ =	sdelay $0x1  }
0x270: {  	s16 =	sadd.s32 $0x20, s15  }
0x271: {  	v58 =	vmov s16  }
0x272: {  	v59 =	vor.u32 s16, v1;
	v4 =	vshll.u32 v58, $0x3  }
0x273: {  	v5 =	vand.u32 $0x6F, v59;
	v4 =	vand.u32 $0xC00, v4;
	v60 =	vshll.u32 v3, $0x9  }
0x274: {  	v4 =	vor.u32 v4, v5;
	v3 =	vshll.u32 v3, $0x7;
	v6 =	vand.u32 $0xFFFFF000, v60  }
0x275: {  	v3 =	vand.u32 $0x380, v3;
	v4 =	vor.u32 v6, v4  }
0x276: {  	v3 =	vor.u32 v3, v4;
	_ =	sdelay $0x4  }
0x277: {  	[tilespmem:v3+s25+$0x0] =	vst.idx.msk $0xffff, v0  }
0x278: {  	v3 =	vld [tilespmem:s14+$0x10];
	_ =	sdelay $0x1  }
0x279: {  	s16 =	sadd.s32 $0x30, s15  }
0x27a: {  	v61 =	vmov s16  }
0x27b: {  	v62 =	vor.u32 s16, v1;
	v4 =	vshll.u32 v61, $0x3  }
0x27c: {  	v5 =	vand.u32 $0x7F, v62;
	v4 =	vand.u32 $0xC00, v4;
	v63 =	vshll.u32 v3, $0x9  }
0x27d: {  	v4 =	vor.u32 v4, v5;
	v3 =	vshll.u32 v3, $0x7;
	v6 =	vand.u32 $0xFFFFF000, v63  }
0x27e: {  	v3 =	vand.u32 $0x380, v3;
	v4 =	vor.u32 v6, v4  }
0x27f: {  	p0 =	sne.s32 s15, $0x1C0;
	v3 =	vor.u32 v3, v4  }
.Ltmp10:
0x280: {  	_ = 	snop;
	(pc) =	sbr.rel @p0 .LBB2_23-.Ltmp10, $2  }
0x281: {  	_ =	sdelay $0x2  }
0x282: {  	s15 =	sadd.s32 $0x40, s15;
	s14 =	sadd.s32 $0x40, s14;
	[tilespmem:v3+s25+$0x0] =	vst.idx.msk $0xffff, v0  }
0x283: {  	s14 =	simm.s32 $0x220  }
.LBB2_25:
0x284: {  	v3 =	vld [tilespmem:s14+$0xFFFFFFE0];
	_ =	sdelay $0x4  }
0x285: {  	v3 =	vmul.f32 $3.200000000e+01, v3;
	_ =	sdelay $0x1  }
0x286: {  	v3 =	vtrunc.f32 v3  }
0x287: {  	v4 =	vmov s12;
	v3 =	vcvt.f32.s32 v3  }
0x288: {  	v5 =	vor.u32 s12, v1;
	v4 =	vshll.u32 v4, $0x3  }
0x289: {  	v5 =	vand.u32 $0x4F, v5;
	v4 =	vand.u32 $0xC00, v4;
	v6 =	vshll.u32 v3, $0x9  }
0x28a: {  	v4 =	vor.u32 v4, v5;
	v51 =	vshll.u32 v3, $0x7;
	v6 =	vand.u32 $0xFFFFF000, v6  }
0x28b: {  	v5 =	vand.u32 $0x380, v51;
	v4 =	vor.u32 v6, v4  }
0x28c: {  	v4 =	vor.u32 v5, v4;
	_ =	sdelay $0x3  }
0x28d: {  	[tilespmem:s13+$0xFFFFFFE0] =	vst v3  }
0x28e: {  	[tilespmem:v4+s25+$0x0] =	vst.idx.msk $0xffff, v2  }
0x28f: {  	v3 =	vld [tilespmem:s14+$0xFFFFFFF0];
	_ =	sdelay $0x4  }
0x290: {  	v3 =	vmul.f32 $3.200000000e+01, v3;
	_ =	sdelay $0x1  }
0x291: {  	s15 =	sadd.s32 $0x10, s12;
	v3 =	vtrunc.f32 v3  }
0x292: {  	v52 =	vmov s15;
	v3 =	vcvt.f32.s32 v3  }
0x293: {  	v53 =	vor.u32 s15, v1;
	v4 =	vshll.u32 v52, $0x3  }
0x294: {  	v5 =	vand.u32 $0x5F, v53;
	v4 =	vand.u32 $0xC00, v4;
	v54 =	vshll.u32 v3, $0x9  }
0x295: {  	v4 =	vor.u32 v4, v5;
	v55 =	vshll.u32 v3, $0x7;
	v6 =	vand.u32 $0xFFFFF000, v54  }
0x296: {  	v5 =	vand.u32 $0x380, v55;
	v4 =	vor.u32 v6, v4  }
0x297: {  	v4 =	vor.u32 v5, v4;
	_ =	sdelay $0x3  }
0x298: {  	[tilespmem:s13+$0xFFFFFFF0] =	vst v3  }
0x299: {  	[tilespmem:v4+s25+$0x0] =	vst.idx.msk $0xffff, v2  }
0x29a: {  	v3 =	vld [tilespmem:s14+$0x0];
	_ =	sdelay $0x4  }
0x29b: {  	v3 =	vmul.f32 $3.200000000e+01, v3;
	_ =	sdelay $0x1  }
0x29c: {  	s16 =	sadd.s32 $0x20, s12;
	v3 =	vtrunc.f32 v3  }
0x29d: {  	v56 =	vmov s16;
	v3 =	vcvt.f32.s32 v3  }
0x29e: {  	v57 =	vor.u32 s16, v1;
	v4 =	vshll.u32 v56, $0x3  }
0x29f: {  	v5 =	vand.u32 $0x6F, v57;
	v4 =	vand.u32 $0xC00, v4;
	v58 =	vshll.u32 v3, $0x9  }
0x2a0: {  	v4 =	vor.u32 v4, v5;
	v59 =	vshll.u32 v3, $0x7;
	v6 =	vand.u32 $0xFFFFF000, v58  }
0x2a1: {  	v5 =	vand.u32 $0x380, v59;
	v4 =	vor.u32 v6, v4  }
0x2a2: {  	v4 =	vor.u32 v5, v4;
	_ =	sdelay $0x3  }
0x2a3: {  	[tilespmem:s13+$0x0] =	vst v3  }
0x2a4: {  	[tilespmem:v4+s25+$0x0] =	vst.idx.msk $0xffff, v2  }
0x2a5: {  	v3 =	vld [tilespmem:s14+$0x10];
	_ =	sdelay $0x4  }
0x2a6: {  	v3 =	vmul.f32 $3.200000000e+01, v3;
	_ =	sdelay $0x1  }
0x2a7: {  	s16 =	sadd.s32 $0x30, s12;
	v3 =	vtrunc.f32 v3  }
0x2a8: {  	v60 =	vmov s16;
	v3 =	vcvt.f32.s32 v3  }
0x2a9: {  	v61 =	vor.u32 s16, v1;
	v4 =	vshll.u32 v60, $0x3  }
0x2aa: {  	v5 =	vand.u32 $0x7F, v61;
	v4 =	vand.u32 $0xC00, v4;
	v62 =	vshll.u32 v3, $0x9  }
0x2ab: {  	v4 =	vor.u32 v4, v5;
	v63 =	vshll.u32 v3, $0x7;
	v6 =	vand.u32 $0xFFFFF000, v62  }
0x2ac: {  	v5 =	vand.u32 $0x380, v63;
	v4 =	vor.u32 v6, v4  }
0x2ad: {  	p0 =	sne.s32 s12, $0x1C0;
	v4 =	vor.u32 v5, v4  }
.Ltmp11:
0x2ae: {  	_ = 	snop;
	(pc) =	sbr.rel @p0 .LBB2_25-.Ltmp11, $3  }
0x2af: {  	_ =	sdelay $0x1  }
0x2b0: {  	[tilespmem:s13+$0x10] =	vst v3  }
0x2b1: {  	s12 =	sadd.s32 $0x40, s12;
	s14 =	sadd.s32 $0x40, s14;
	s13 =	sadd.s32 $0x40, s13;
	[tilespmem:v4+s25+$0x0] =	vst.idx.msk $0xffff, v2  }
0x2b2: {  	s12 =	sadd.s32 $0x200, s11;
	s16 =	sadd.s32 $0xA00, s10  }
0x2b3: {  	[hbm4b:s12+s22] =	stream.strided.scatter [tilespmem:s25], [sflag:$0x6], $0x4000, s23, s22, $0x38;
	[tilespmem:$0x11000] =	vst v63  }
0x2b4: {  	s12 =	sand.u32 $0xFA00, s16  }
0x2b5: {  	s12 =	sor.u32 s4, s12  }
0x2b6: {  	s12 =	sshrl.u32 s12, $0x3  }
0x2b7: {  	s13 =	sadd.s32 s1, s12;
	s12 =	simm.s32 $0x0  }
0x2b8: {  	[tilespmem:s18], [sflag:$0x2] =	stream.linear.gather [hbm4b:s13+s12], $0x200, $0x38;
	[tilespmem:$0x11000] =	vst v63  }
0x2b9: {  	_ =	swait.ge [sflag:s26], $0x200  }
0x2ba: {  	[sflag:s26] =	ssyncset.done $0x0  }
0x2bb: {  	[sflag:s26] =	ssyncadd.s32 $0xFFFFFE00  }
0x2bc: {  	_ =	swait.ge [sflag:s2], $0x4000  }
0x2bd: {  	s14 =	simm.s32 $0xC20;
	[sflag:s2] =	ssyncset.done $0x0  }
0x2be: {  	s15 =	simm.s32 $0x0;
	s13 =	simm.s32 $0xC20;
	[sflag:s2] =	ssyncadd.s32 $0xFFFFC000  }
.LBB2_27:
0x2bf: {  	v3 =	vld [tilespmem:s14+$0xFFFFFFE0];
	_ =	sdelay $0x2  }
0x2c0: {  	v4 =	vmov s15  }
0x2c1: {  	v5 =	vor.u32 s15, v1;
	v4 =	vshll.u32 v4, $0x3  }
0x2c2: {  	v5 =	vand.u32 $0x4F, v5;
	v4 =	vand.u32 $0xC00, v4;
	v6 =	vshll.u32 v3, $0x9  }
0x2c3: {  	v4 =	vor.u32 v4, v5;
	v3 =	vshll.u32 v3, $0x7;
	v6 =	vand.u32 $0xFFFFF000, v6  }
0x2c4: {  	v3 =	vand.u32 $0x380, v3;
	v4 =	vor.u32 v6, v4  }
0x2c5: {  	v3 =	vor.u32 v3, v4;
	_ =	sdelay $0x4  }
0x2c6: {  	[tilespmem:v3+s28+$0x0] =	vst.idx.msk $0xffff, v0  }
0x2c7: {  	v3 =	vld [tilespmem:s14+$0xFFFFFFF0];
	_ =	sdelay $0x1  }
0x2c8: {  	s16 =	sadd.s32 $0x10, s15  }
0x2c9: {  	v55 =	vmov s16  }
0x2ca: {  	v56 =	vor.u32 s16, v1;
	v4 =	vshll.u32 v55, $0x3  }
0x2cb: {  	v5 =	vand.u32 $0x5F, v56;
	v4 =	vand.u32 $0xC00, v4;
	v57 =	vshll.u32 v3, $0x9  }
0x2cc: {  	v4 =	vor.u32 v4, v5;
	v3 =	vshll.u32 v3, $0x7;
	v6 =	vand.u32 $0xFFFFF000, v57  }
0x2cd: {  	v3 =	vand.u32 $0x380, v3;
	v4 =	vor.u32 v6, v4  }
0x2ce: {  	v3 =	vor.u32 v3, v4;
	_ =	sdelay $0x4  }
0x2cf: {  	[tilespmem:v3+s28+$0x0] =	vst.idx.msk $0xffff, v0  }
0x2d0: {  	v3 =	vld [tilespmem:s14+$0x0];
	_ =	sdelay $0x1  }
0x2d1: {  	s16 =	sadd.s32 $0x20, s15  }
0x2d2: {  	v58 =	vmov s16  }
0x2d3: {  	v59 =	vor.u32 s16, v1;
	v4 =	vshll.u32 v58, $0x3  }
0x2d4: {  	v5 =	vand.u32 $0x6F, v59;
	v4 =	vand.u32 $0xC00, v4;
	v60 =	vshll.u32 v3, $0x9  }
0x2d5: {  	v4 =	vor.u32 v4, v5;
	v3 =	vshll.u32 v3, $0x7;
	v6 =	vand.u32 $0xFFFFF000, v60  }
0x2d6: {  	v3 =	vand.u32 $0x380, v3;
	v4 =	vor.u32 v6, v4  }
0x2d7: {  	v3 =	vor.u32 v3, v4;
	_ =	sdelay $0x4  }
0x2d8: {  	[tilespmem:v3+s28+$0x0] =	vst.idx.msk $0xffff, v0  }
0x2d9: {  	v3 =	vld [tilespmem:s14+$0x10];
	_ =	sdelay $0x1  }
0x2da: {  	s16 =	sadd.s32 $0x30, s15  }
0x2db: {  	v61 =	vmov s16  }
0x2dc: {  	v62 =	vor.u32 s16, v1;
	v4 =	vshll.u32 v61, $0x3  }
0x2dd: {  	v5 =	vand.u32 $0x7F, v62;
	v4 =	vand.u32 $0xC00, v4;
	v63 =	vshll.u32 v3, $0x9  }
0x2de: {  	v4 =	vor.u32 v4, v5;
	v3 =	vshll.u32 v3, $0x7;
	v6 =	vand.u32 $0xFFFFF000, v63  }
0x2df: {  	v3 =	vand.u32 $0x380, v3;
	v4 =	vor.u32 v6, v4  }
0x2e0: {  	p0 =	sne.s32 s15, $0x1C0;
	v3 =	vor.u32 v3, v4  }
.Ltmp12:
0x2e1: {  	_ = 	snop;
	(pc) =	sbr.rel @p0 .LBB2_27-.Ltmp12, $2  }
0x2e2: {  	_ =	sdelay $0x2  }
0x2e3: {  	s15 =	sadd.s32 $0x40, s15;
	s14 =	sadd.s32 $0x40, s14;
	[tilespmem:v3+s28+$0x0] =	vst.idx.msk $0xffff, v0  }
0x2e4: {  	s14 =	simm.s32 $0x420  }
.LBB2_29:
0x2e5: {  	v3 =	vld [tilespmem:s14+$0xFFFFFFE0];
	_ =	sdelay $0x4  }
0x2e6: {  	v3 =	vmul.f32 $3.200000000e+01, v3;
	_ =	sdelay $0x1  }
0x2e7: {  	v3 =	vtrunc.f32 v3  }
0x2e8: {  	v4 =	vmov s12;
	v3 =	vcvt.f32.s32 v3  }
0x2e9: {  	v5 =	vor.u32 s12, v1;
	v4 =	vshll.u32 v4, $0x3  }
0x2ea: {  	v5 =	vand.u32 $0x4F, v5;
	v4 =	vand.u32 $0xC00, v4;
	v6 =	vshll.u32 v3, $0x9  }
0x2eb: {  	v4 =	vor.u32 v4, v5;
	v51 =	vshll.u32 v3, $0x7;
	v6 =	vand.u32 $0xFFFFF000, v6  }
0x2ec: {  	v5 =	vand.u32 $0x380, v51;
	v4 =	vor.u32 v6, v4  }
0x2ed: {  	v4 =	vor.u32 v5, v4;
	_ =	sdelay $0x3  }
0x2ee: {  	[tilespmem:s13+$0xFFFFFFE0] =	vst v3  }
0x2ef: {  	[tilespmem:v4+s28+$0x0] =	vst.idx.msk $0xffff, v2  }
0x2f0: {  	v3 =	vld [tilespmem:s14+$0xFFFFFFF0];
	_ =	sdelay $0x4  }
0x2f1: {  	v3 =	vmul.f32 $3.200000000e+01, v3;
	_ =	sdelay $0x1  }
0x2f2: {  	s15 =	sadd.s32 $0x10, s12;
	v3 =	vtrunc.f32 v3  }
0x2f3: {  	v52 =	vmov s15;
	v3 =	vcvt.f32.s32 v3  }
0x2f4: {  	v53 =	vor.u32 s15, v1;
	v4 =	vshll.u32 v52, $0x3  }
0x2f5: {  	v5 =	vand.u32 $0x5F, v53;
	v4 =	vand.u32 $0xC00, v4;
	v54 =	vshll.u32 v3, $0x9  }
0x2f6: {  	v4 =	vor.u32 v4, v5;
	v55 =	vshll.u32 v3, $0x7;
	v6 =	vand.u32 $0xFFFFF000, v54  }
0x2f7: {  	v5 =	vand.u32 $0x380, v55;
	v4 =	vor.u32 v6, v4  }
0x2f8: {  	v4 =	vor.u32 v5, v4;
	_ =	sdelay $0x3  }
0x2f9: {  	[tilespmem:s13+$0xFFFFFFF0] =	vst v3  }
0x2fa: {  	[tilespmem:v4+s28+$0x0] =	vst.idx.msk $0xffff, v2  }
0x2fb: {  	v3 =	vld [tilespmem:s14+$0x0];
	_ =	sdelay $0x4  }
0x2fc: {  	v3 =	vmul.f32 $3.200000000e+01, v3;
	_ =	sdelay $0x1  }
0x2fd: {  	s16 =	sadd.s32 $0x20, s12;
	v3 =	vtrunc.f32 v3  }
0x2fe: {  	v56 =	vmov s16;
	v3 =	vcvt.f32.s32 v3  }
0x2ff: {  	v57 =	vor.u32 s16, v1;
	v4 =	vshll.u32 v56, $0x3  }
0x300: {  	v5 =	vand.u32 $0x6F, v57;
	v4 =	vand.u32 $0xC00, v4;
	v58 =	vshll.u32 v3, $0x9  }
0x301: {  	v4 =	vor.u32 v4, v5;
	v59 =	vshll.u32 v3, $0x7;
	v6 =	vand.u32 $0xFFFFF000, v58  }
0x302: {  	v5 =	vand.u32 $0x380, v59;
	v4 =	vor.u32 v6, v4  }
0x303: {  	v4 =	vor.u32 v5, v4;
	_ =	sdelay $0x3  }
0x304: {  	[tilespmem:s13+$0x0] =	vst v3  }
0x305: {  	[tilespmem:v4+s28+$0x0] =	vst.idx.msk $0xffff, v2  }
0x306: {  	v3 =	vld [tilespmem:s14+$0x10];
	_ =	sdelay $0x4  }
0x307: {  	v3 =	vmul.f32 $3.200000000e+01, v3;
	_ =	sdelay $0x1  }
0x308: {  	s16 =	sadd.s32 $0x30, s12;
	v3 =	vtrunc.f32 v3  }
0x309: {  	v60 =	vmov s16;
	v3 =	vcvt.f32.s32 v3  }
0x30a: {  	v61 =	vor.u32 s16, v1;
	v4 =	vshll.u32 v60, $0x3  }
0x30b: {  	v5 =	vand.u32 $0x7F, v61;
	v4 =	vand.u32 $0xC00, v4;
	v62 =	vshll.u32 v3, $0x9  }
0x30c: {  	v4 =	vor.u32 v4, v5;
	v63 =	vshll.u32 v3, $0x7;
	v6 =	vand.u32 $0xFFFFF000, v62  }
0x30d: {  	v5 =	vand.u32 $0x380, v63;
	v4 =	vor.u32 v6, v4  }
0x30e: {  	p0 =	sne.s32 s12, $0x1C0;
	v4 =	vor.u32 v5, v4  }
.Ltmp13:
0x30f: {  	_ = 	snop;
	(pc) =	sbr.rel @p0 .LBB2_29-.Ltmp13, $3  }
0x310: {  	_ =	sdelay $0x1  }
0x311: {  	[tilespmem:s13+$0x10] =	vst v3  }
0x312: {  	s12 =	sadd.s32 $0x40, s12;
	s14 =	sadd.s32 $0x40, s14;
	s13 =	sadd.s32 $0x40, s13;
	[tilespmem:v4+s28+$0x0] =	vst.idx.msk $0xffff, v2  }
0x313: {  	s12 =	sadd.s32 $0x400, s11;
	s16 =	sadd.s32 $0xC00, s10  }
0x314: {  	[hbm4b:s12+s22] =	stream.strided.scatter [tilespmem:s28], [sflag:$0x7], $0x4000, s23, s22, $0x38;
	[tilespmem:$0x11000] =	vst v63  }
0x315: {  	s12 =	sand.u32 $0xFC00, s16  }
0x316: {  	s12 =	sor.u32 s4, s12  }
0x317: {  	s12 =	sshrl.u32 s12, $0x3  }
0x318: {  	s13 =	sadd.s32 s1, s12;
	s12 =	simm.s32 $0x0  }
0x319: {  	[tilespmem:s19], [sflag:$0x3] =	stream.linear.gather [hbm4b:s13+s12], $0x200, $0x38;
	[tilespmem:$0x11000] =	vst v63  }
0x31a: {  	_ =	swait.ge [sflag:s29], $0x200  }
0x31b: {  	[sflag:s29] =	ssyncset.done $0x0  }
0x31c: {  	[sflag:s29] =	ssyncadd.s32 $0xFFFFFE00  }
0x31d: {  	_ =	swait.ge [sflag:s6], $0x4000  }
0x31e: {  	s14 =	simm.s32 $0xE20;
	[sflag:s6] =	ssyncset.done $0x0  }
0x31f: {  	s15 =	simm.s32 $0x0;
	s13 =	simm.s32 $0xE20;
	[sflag:s6] =	ssyncadd.s32 $0xFFFFC000  }
.LBB2_31:
0x320: {  	v3 =	vld [tilespmem:s14+$0xFFFFFFE0];
	_ =	sdelay $0x2  }
0x321: {  	v4 =	vmov s15  }
0x322: {  	v5 =	vor.u32 s15, v1;
	v4 =	vshll.u32 v4, $0x3  }
0x323: {  	v5 =	vand.u32 $0x4F, v5;
	v4 =	vand.u32 $0xC00, v4;
	v6 =	vshll.u32 v3, $0x9  }
0x324: {  	v4 =	vor.u32 v4, v5;
	v3 =	vshll.u32 v3, $0x7;
	v6 =	vand.u32 $0xFFFFF000, v6  }
0x325: {  	v3 =	vand.u32 $0x380, v3;
	v4 =	vor.u32 v6, v4  }
0x326: {  	v3 =	vor.u32 v3, v4;
	_ =	sdelay $0x4  }
0x327: {  	[tilespmem:v3+s30+$0x0] =	vst.idx.msk $0xffff, v0  }
0x328: {  	v3 =	vld [tilespmem:s14+$0xFFFFFFF0];
	_ =	sdelay $0x1  }
0x329: {  	s16 =	sadd.s32 $0x10, s15  }
0x32a: {  	v55 =	vmov s16  }
0x32b: {  	v56 =	vor.u32 s16, v1;
	v4 =	vshll.u32 v55, $0x3  }
0x32c: {  	v5 =	vand.u32 $0x5F, v56;
	v4 =	vand.u32 $0xC00, v4;
	v57 =	vshll.u32 v3, $0x9  }
0x32d: {  	v4 =	vor.u32 v4, v5;
	v3 =	vshll.u32 v3, $0x7;
	v6 =	vand.u32 $0xFFFFF000, v57  }
0x32e: {  	v3 =	vand.u32 $0x380, v3;
	v4 =	vor.u32 v6, v4  }
0x32f: {  	v3 =	vor.u32 v3, v4;
	_ =	sdelay $0x4  }
0x330: {  	[tilespmem:v3+s30+$0x0] =	vst.idx.msk $0xffff, v0  }
0x331: {  	v3 =	vld [tilespmem:s14+$0x0];
	_ =	sdelay $0x1  }
0x332: {  	s16 =	sadd.s32 $0x20, s15  }
0x333: {  	v58 =	vmov s16  }
0x334: {  	v59 =	vor.u32 s16, v1;
	v4 =	vshll.u32 v58, $0x3  }
0x335: {  	v5 =	vand.u32 $0x6F, v59;
	v4 =	vand.u32 $0xC00, v4;
	v60 =	vshll.u32 v3, $0x9  }
0x336: {  	v4 =	vor.u32 v4, v5;
	v3 =	vshll.u32 v3, $0x7;
	v6 =	vand.u32 $0xFFFFF000, v60  }
0x337: {  	v3 =	vand.u32 $0x380, v3;
	v4 =	vor.u32 v6, v4  }
0x338: {  	v3 =	vor.u32 v3, v4;
	_ =	sdelay $0x4  }
0x339: {  	[tilespmem:v3+s30+$0x0] =	vst.idx.msk $0xffff, v0  }
0x33a: {  	v3 =	vld [tilespmem:s14+$0x10];
	_ =	sdelay $0x1  }
0x33b: {  	s16 =	sadd.s32 $0x30, s15  }
0x33c: {  	v61 =	vmov s16  }
0x33d: {  	v62 =	vor.u32 s16, v1;
	v4 =	vshll.u32 v61, $0x3  }
0x33e: {  	v5 =	vand.u32 $0x7F, v62;
	v4 =	vand.u32 $0xC00, v4;
	v63 =	vshll.u32 v3, $0x9  }
0x33f: {  	v4 =	vor.u32 v4, v5;
	v3 =	vshll.u32 v3, $0x7;
	v6 =	vand.u32 $0xFFFFF000, v63  }
0x340: {  	v3 =	vand.u32 $0x380, v3;
	v4 =	vor.u32 v6, v4  }
0x341: {  	p0 =	sne.s32 s15, $0x1C0;
	v3 =	vor.u32 v3, v4  }
.Ltmp14:
0x342: {  	_ = 	snop;
	(pc) =	sbr.rel @p0 .LBB2_31-.Ltmp14, $2  }
0x343: {  	_ =	sdelay $0x2  }
0x344: {  	s15 =	sadd.s32 $0x40, s15;
	s14 =	sadd.s32 $0x40, s14;
	[tilespmem:v3+s30+$0x0] =	vst.idx.msk $0xffff, v0  }
0x345: {  	s14 =	simm.s32 $0x620  }
.LBB2_33:
0x346: {  	v3 =	vld [tilespmem:s14+$0xFFFFFFE0];
	_ =	sdelay $0x4  }
0x347: {  	v3 =	vmul.f32 $3.200000000e+01, v3;
	_ =	sdelay $0x1  }
0x348: {  	v3 =	vtrunc.f32 v3  }
0x349: {  	v4 =	vmov s12;
	v3 =	vcvt.f32.s32 v3  }
0x34a: {  	v5 =	vor.u32 s12, v1;
	v4 =	vshll.u32 v4, $0x3  }
0x34b: {  	v5 =	vand.u32 $0x4F, v5;
	v4 =	vand.u32 $0xC00, v4;
	v6 =	vshll.u32 v3, $0x9  }
0x34c: {  	v4 =	vor.u32 v4, v5;
	v51 =	vshll.u32 v3, $0x7;
	v6 =	vand.u32 $0xFFFFF000, v6  }
0x34d: {  	v5 =	vand.u32 $0x380, v51;
	v4 =	vor.u32 v6, v4  }
0x34e: {  	v4 =	vor.u32 v5, v4;
	_ =	sdelay $0x3  }
0x34f: {  	[tilespmem:s13+$0xFFFFFFE0] =	vst v3  }
0x350: {  	[tilespmem:v4+s30+$0x0] =	vst.idx.msk $0xffff, v2  }
0x351: {  	v3 =	vld [tilespmem:s14+$0xFFFFFFF0];
	_ =	sdelay $0x4  }
0x352: {  	v3 =	vmul.f32 $3.200000000e+01, v3;
	_ =	sdelay $0x1  }
0x353: {  	s15 =	sadd.s32 $0x10, s12;
	v3 =	vtrunc.f32 v3  }
0x354: {  	v52 =	vmov s15;
	v3 =	vcvt.f32.s32 v3  }
0x355: {  	v53 =	vor.u32 s15, v1;
	v4 =	vshll.u32 v52, $0x3  }
0x356: {  	v5 =	vand.u32 $0x5F, v53;
	v4 =	vand.u32 $0xC00, v4;
	v54 =	vshll.u32 v3, $0x9  }
0x357: {  	v4 =	vor.u32 v4, v5;
	v55 =	vshll.u32 v3, $0x7;
	v6 =	vand.u32 $0xFFFFF000, v54  }
0x358: {  	v5 =	vand.u32 $0x380, v55;
	v4 =	vor.u32 v6, v4  }
0x359: {  	v4 =	vor.u32 v5, v4;
	_ =	sdelay $0x3  }
0x35a: {  	[tilespmem:s13+$0xFFFFFFF0] =	vst v3  }
0x35b: {  	[tilespmem:v4+s30+$0x0] =	vst.idx.msk $0xffff, v2  }
0x35c: {  	v3 =	vld [tilespmem:s14+$0x0];
	_ =	sdelay $0x4  }
0x35d: {  	v3 =	vmul.f32 $3.200000000e+01, v3;
	_ =	sdelay $0x1  }
0x35e: {  	s16 =	sadd.s32 $0x20, s12;
	v3 =	vtrunc.f32 v3  }
0x35f: {  	v56 =	vmov s16;
	v3 =	vcvt.f32.s32 v3  }
0x360: {  	v57 =	vor.u32 s16, v1;
	v4 =	vshll.u32 v56, $0x3  }
0x361: {  	v5 =	vand.u32 $0x6F, v57;
	v4 =	vand.u32 $0xC00, v4;
	v58 =	vshll.u32 v3, $0x9  }
0x362: {  	v4 =	vor.u32 v4, v5;
	v59 =	vshll.u32 v3, $0x7;
	v6 =	vand.u32 $0xFFFFF000, v58  }
0x363: {  	v5 =	vand.u32 $0x380, v59;
	v4 =	vor.u32 v6, v4  }
0x364: {  	v4 =	vor.u32 v5, v4;
	_ =	sdelay $0x3  }
0x365: {  	[tilespmem:s13+$0x0] =	vst v3  }
0x366: {  	[tilespmem:v4+s30+$0x0] =	vst.idx.msk $0xffff, v2  }
0x367: {  	v3 =	vld [tilespmem:s14+$0x10];
	_ =	sdelay $0x4  }
0x368: {  	v3 =	vmul.f32 $3.200000000e+01, v3;
	_ =	sdelay $0x1  }
0x369: {  	s16 =	sadd.s32 $0x30, s12;
	v3 =	vtrunc.f32 v3  }
0x36a: {  	v60 =	vmov s16;
	v3 =	vcvt.f32.s32 v3  }
0x36b: {  	v61 =	vor.u32 s16, v1;
	v4 =	vshll.u32 v60, $0x3  }
0x36c: {  	v5 =	vand.u32 $0x7F, v61;
	v4 =	vand.u32 $0xC00, v4;
	v62 =	vshll.u32 v3, $0x9  }
0x36d: {  	v4 =	vor.u32 v4, v5;
	v63 =	vshll.u32 v3, $0x7;
	v6 =	vand.u32 $0xFFFFF000, v62  }
0x36e: {  	v5 =	vand.u32 $0x380, v63;
	v4 =	vor.u32 v6, v4  }
0x36f: {  	p0 =	sne.s32 s12, $0x1C0;
	v4 =	vor.u32 v5, v4  }
.Ltmp15:
0x370: {  	_ = 	snop;
	(pc) =	sbr.rel @p0 .LBB2_33-.Ltmp15, $3  }
0x371: {  	_ =	sdelay $0x1  }
0x372: {  	[tilespmem:s13+$0x10] =	vst v3  }
0x373: {  	s12 =	sadd.s32 $0x40, s12;
	s14 =	sadd.s32 $0x40, s14;
	s13 =	sadd.s32 $0x40, s13;
	[tilespmem:v4+s30+$0x0] =	vst.idx.msk $0xffff, v2  }
0x374: {  	s11 =	sadd.s32 $0x600, s11;
	s8 =	sadd.s32 $0x1, s8  }
0x375: {  	[hbm4b:s11+s22] =	stream.strided.scatter [tilespmem:s30], [sflag:$0x8], $0x4000, s23, s22, $0x38;
	[tilespmem:$0x11000] =	vst v63  }
0x376: {  	s10 =	sadd.s32 $0xE00, s10;
	p0 =	sne.s32 s8, $0x20  }
.Ltmp16:
0x377: {  	s10 =	sand.u32 $0xFE00, s10;
	(pc) =	sbr.rel @p0 .LBB2_18-.Ltmp16, $4  }
0x378: {  	s10 =	sor.u32 s4, s10  }
0x379: {  	s10 =	sshrl.u32 s10, $0x3  }
0x37a: {  	s10 =	sadd.s32 s1, s10  }
0x37b: {  	[tilespmem:s20], [sflag:$0x4] =	stream.linear.gather [hbm4b:s10+s3], $0x200, $0x38;
	[tilespmem:$0x11000] =	vst v63  }
0x37c: {  	_ =	swait.ge [sflag:s21], $0x200  }
0x37d: {  	[sflag:s21] =	ssyncset.done $0x0  }
0x37e: {  	[sflag:s21] =	ssyncadd.s32 $0xFFFFFE00  }
0x37f: {  	_ =	swait.ge [sflag:s31], $0x4000  }
0x380: {  	[sflag:s31] =	ssyncset.done $0x0  }
0x381: {  	[sflag:s31] =	ssyncadd.s32 $0xFFFFC000  }
0x382: {  	_ =	swait.ge [sflag:s24], $0x200  }
0x383: {  	[sflag:s24] =	ssyncset.done $0x0  }
0x384: {  	[sflag:s24] =	ssyncadd.s32 $0xFFFFFE00  }
0x385: {  	_ =	swait.ge [sflag:s0], $0x4000  }
0x386: {  	[sflag:s0] =	ssyncset.done $0x0  }
0x387: {  	[sflag:s0] =	ssyncadd.s32 $0xFFFFC000  }
0x388: {  	_ =	swait.ge [sflag:s26], $0x200  }
0x389: {  	[sflag:s26] =	ssyncset.done $0x0  }
0x38a: {  	[sflag:s26] =	ssyncadd.s32 $0xFFFFFE00  }
0x38b: {  	_ =	swait.ge [sflag:s2], $0x4000  }
0x38c: {  	[sflag:s2] =	ssyncset.done $0x0  }
0x38d: {  	s7 =	sadd.s32 $0x1, s7;
	[sflag:s2] =	ssyncadd.s32 $0xFFFFC000  }
0x38e: {  	p0 =	sne.s32 s7, s17;
	_ =	swait.ge [sflag:s29], $0x200  }
.Ltmp17:
0x38f: {  	[sflag:s29] =	ssyncset.done $0x0;
	(pc) =	sbr.rel @p0 .LBB2_1-.Ltmp17, $4  }
0x390: {  	[sflag:s29] =	ssyncadd.s32 $0xFFFFFE00  }
0x391: {  	_ =	swait.ge [sflag:s6], $0x4000  }
0x392: {  	[sflag:s6] =	ssyncset.done $0x0  }
0x393: {  	[sflag:s6] =	ssyncadd.s32 $0xFFFFC000  }
0x394: {  	_ =	sfence.sel $0x180000  }
0x395: {  	[bflag:$0x0] =	sbarrier.arrive $0xFFFF  }
0x396: {  	_ =	strace $0x90000047  }
0x397: {  	s0 =	stileid.u32;
	[bflag:$0x2] =	sbarrier.arrive $0xFFFF  }
0x398: {  	p0 =	sne.s32 s0, $0x0;
	s0 =	rddreg [dreg:$0x2]  }
0x399: {  	s0 =	sadd.s32 @!p0 $0x100000, s0  }
0x39a: {  	[sflag:s0] =	ssyncadd.tile.s32 @!p0 $0x1;
	_ =	shalt  }
.Lfunc_end2:
_tile_overlayer_lowered:
.L_overlay_start_2:
0x39b: {  	(tag) =	ssettag $0x2  }
0x39c: {  	s0 =	rddreg [dreg:$0x0];
	s2 =	stileid.u32  }
0x39d: {  	s1 =	rddreg [dreg:$0x1];
	p0 =	sne.s32 s2, $0x0  }
0x39e: {  	s3 =	rddreg [dreg:$0x2];
	[bflag:$0x3] =	sbarrier.arrive $0xFFFF;
	s2 =	simm.s32 @!p0 $0x1C09  }
0x39f: {  	[timem:s3], [sflag:s2] =	dma.local @!p0 [hbm:s0], s1  }
0x3a0: {  	s0 =	simm.s32 @!p0 $0x9  }
0x3a1: {  	_ =	swait.ge @!p0 [sflag:s0], s1  }
0x3a2: {  	s1 =	ssub.s32 @!p0 $0x0, s1;
	[sflag:s0] =	ssyncset.done @!p0 $0x0  }
0x3a3: {  	[sflag:s0] =	ssyncadd.s32 @!p0 s1  }
0x3a4: {  	[bflag:$0x3] =	sbarrier.arrive $0xFFFF  }
0x3a5: {  	_ =	shalt  }

</sc_bundles>
